<compile_context>
chip_gen: v7x
topology: tpu7x:2x2x1
jax: 0.10.2.dev20260603
libtpu: 0.0.44.dev20260713+nightly
codegen_flags: <defaults>
</compile_context>

<pallas_src>
import functools

import jax
import jax.numpy as jnp
from jax import lax
from jax.experimental import pallas as pl
from jax.experimental.pallas import tpu as pltpu
from jax.experimental.pallas import tpu_sc as plsc

B = 1024
L = 200
D = 64
NC = 2
NS = 16
NW = NC * NS
NBB = 8
BBLK = B // NBB
NLG = NW // NBB
LBLK = L // NLG
LANES = 16
NBUF = 5


def _positional_encoding(max_seq_len, d_model):
    even_i = jnp.arange(0, d_model, 2, dtype=jnp.float32)
    denominator = jnp.power(10000.0, even_i / d_model)
    pos = jnp.arange(max_seq_len, dtype=jnp.float32).reshape(max_seq_len, 1)
    even_pe = jnp.sin(pos / denominator)
    odd_pe = jnp.cos(pos / denominator)
    stacked = jnp.stack([even_pe, odd_pe], axis=2)
    return stacked.reshape(max_seq_len, d_model)


def _make_sc_call():
    mesh = plsc.VectorSubcoreMesh(core_axis_name="c", subcore_axis_name="s")

    scratch = [pltpu.VMEM((LBLK, BBLK), jnp.int32),
               pltpu.VMEM((LBLK, D), jnp.float32)]
    scratch += [pltpu.VMEM((BBLK, D), jnp.float32) for _ in range(NBUF)]
    scratch += [pltpu.VMEM((D // 8, 8, BBLK + 1), jnp.float32)
                for _ in range(NBUF)]
    scratch += [pltpu.SemaphoreType.DMA for _ in range(2 * NBUF)]

    @functools.partial(
        pl.kernel,
        mesh=mesh,
        out_type=jax.ShapeDtypeStruct((L, D // 8, NBB, 8, BBLK), jnp.float32),
        compiler_params=pltpu.CompilerParams(
            use_tc_tiling_on_sc=False, needs_layout_passes=False),
        scratch_types=scratch,
    )
    def sc_embed(table_h, idxt_h, pe_h, out_h, idx_v, pe_v, *bufs):
        gbufs = bufs[:NBUF]
        tbufs = bufs[NBUF:2 * NBUF]
        gsems = bufs[2 * NBUF:3 * NBUF]
        ssems = bufs[3 * NBUF:4 * NBUF]

        wid = lax.axis_index("s") * NC + lax.axis_index("c")
        bt = wid % NBB
        l0 = (wid // NBB) * LBLK
        pltpu.sync_copy(
            idxt_h.at[pl.ds(l0, LBLK), pl.ds(bt * BBLK, BBLK)], idx_v)
        pltpu.sync_copy(pe_h.at[pl.ds(l0, LBLK)], pe_v)

        iota = lax.iota(jnp.int32, LANES)
        ctv = [(16 * j + iota) // 8 for j in range(D // LANES)]
        csv = [(16 * j + iota) % 8 for j in range(D // LANES)]

        def fire_gather(li, b):
            pltpu.async_copy(table_h.at[idx_v.at[li]], gbufs[b], gsems[b])

        def wait_gather(li, b):
            pltpu.make_async_copy(
                table_h.at[idx_v.at[li]], gbufs[b], gsems[b]).wait()

        def out_slice(li):
            return out_h.at[l0 + li, :, bt]

        def fire_scatter(li, b):
            pltpu.async_copy(
                tbufs[b].at[:, :, pl.ds(0, BBLK)], out_slice(li), ssems[b])

        def wait_scatter(li, b):
            pltpu.make_async_copy(
                tbufs[b].at[:, :, pl.ds(0, BBLK)], out_slice(li),
                ssems[b]).wait()

        for b in range(NBUF):
            fire_gather(b, b)

        @pl.loop(0, LBLK, step=NBUF)
        def per_group(li0):
            for b in range(NBUF):
                li = li0 + b
                wait_gather(li, b)

                @pl.when(li >= NBUF)
                def _():
                    wait_scatter(li, b)

                pe_rows = [pe_v[li, pl.ds(j * LANES, LANES)]
                           for j in range(D // LANES)]

                @plsc.parallel_loop(0, BBLK, unroll=4)
                def per_token(i):
                    blv = jnp.full((LANES,), i, jnp.int32)
                    for j in range(D // LANES):
                        val = gbufs[b][i, pl.ds(j * LANES, LANES)] + pe_rows[j]
                        plsc.store_scatter(
                            tbufs[b], [ctv[j], csv[j], blv], val)

                @pl.when(li + NBUF < LBLK)
                def _():
                    fire_gather(li + NBUF, b)

                fire_scatter(li, b)

        for b in range(NBUF):
            wait_scatter(LBLK - NBUF + b, b)

    return sc_embed


_sc_embed = _make_sc_call()

VB = 8192


def _tc_transpose_body(tT_ref, out_ref):
    out_ref[:, 0:D] = tT_ref[...].T


_tc_transpose = pl.pallas_call(
    _tc_transpose_body,
    grid=((100000 + VB - 1) // VB,),
    in_specs=[pl.BlockSpec((D, VB), lambda i: (0, i))],
    out_specs=pl.BlockSpec((VB, 2 * D), lambda i: (i, 0)),
    out_shape=jax.ShapeDtypeStruct((100000, 2 * D), jnp.float32),
)


def kernel(x, table):
    pe = _positional_encoding(L, D)
    idxt = (x * 2).T
    t128 = _tc_transpose(table.T)
    out5 = _sc_embed(t128.reshape(2 * 100000, D), idxt, pe)
    return out5.transpose(2, 4, 0, 1, 3).reshape(B, L, D)

# --- scband reference (transcript-rebuilt; emitter-appended) ---
"""Pipeline reference for scband-sentence-embedding-14001593385462 (READ-ONLY COPY).

The authoritative reference and input builder live on the scoring server;
editing this copy changes nothing except your own understanding.
"""

import jax, jax.numpy as jnp
import numpy as np

B = 1024
L = 200
D = 64
VOCAB = 100000  # stands in for BPE_Enum.vocab_size + len(special_tokens)
PAD_IDX = 0


def positional_encoding(max_seq_len, d_model):
    even_i = jnp.arange(0, d_model, 2, dtype=jnp.float32)
    denominator = jnp.power(10000.0, even_i / d_model)
    pos = jnp.arange(max_seq_len, dtype=jnp.float32).reshape(max_seq_len, 1)
    even_PE = jnp.sin(pos / denominator)
    odd_PE = jnp.cos(pos / denominator)
    stacked = jnp.stack([even_PE, odd_PE], axis=2)
    PE = stacked.reshape(max_seq_len, d_model)
    return PE


def setup_inputs(seed: int = 0) -> dict:
    key = jax.random.key(seed)
    k1, k2 = jax.random.split(key)
    x = jax.random.randint(k1, (B, L), 0, VOCAB, dtype=jnp.int32)
    table = jax.random.normal(k2, (VOCAB, D), dtype=jnp.float32) * 0.02
    # padding_idx row is zero, as nn.Embedding(padding_idx=...) does
    table = table.at[PAD_IDX].set(0.0)
    return {"x": x, "table": table}


def reference(x, table):
    # x: int[B, L] token ids; table: float32[VOCAB, D]
    emb = jnp.take(table, x, axis=0)  # [B, L, D] embedding gather
    pe = positional_encoding(L, D)    # [L, D]
    out = emb + pe[None, :, :]
    # dropout is identity in eval / deterministic mode
    return out

if __name__ == "__main__":
    import jax
    _d = setup_inputs()
    print(jax.jit(kernel)(*tuple(_d.values())))

</pallas_src>

<mosaic_0001>
#map = affine_map<(d0, d1) -> (0, 0)>
#map1 = affine_map<(d0, d1) -> (0, 0, 0, 0, 0)>
module attributes {stable_mosaic.version = 14 : i64} {
  func.func @sc_embed(%arg0: i32, %arg1: i32, %arg2: memref<200000x64xf32, #tpu.memory_space<hbm>>, %arg3: memref<200x1024xi32, #tpu.memory_space<hbm>>, %arg4: memref<200x64xf32, #tpu.memory_space<hbm>>, %arg5: memref<200x8x8x8x128xf32, #tpu.memory_space<hbm>>, %arg6: memref<50x128xi32, #tpu.memory_space<vmem>>, %arg7: memref<50x64xf32, #tpu.memory_space<vmem>>, %arg8: memref<128x64xf32, #tpu.memory_space<vmem>>, %arg9: memref<128x64xf32, #tpu.memory_space<vmem>>, %arg10: memref<128x64xf32, #tpu.memory_space<vmem>>, %arg11: memref<128x64xf32, #tpu.memory_space<vmem>>, %arg12: memref<128x64xf32, #tpu.memory_space<vmem>>, %arg13: memref<8x8x129xf32, #tpu.memory_space<vmem>>, %arg14: memref<8x8x129xf32, #tpu.memory_space<vmem>>, %arg15: memref<8x8x129xf32, #tpu.memory_space<vmem>>, %arg16: memref<8x8x129xf32, #tpu.memory_space<vmem>>, %arg17: memref<8x8x129xf32, #tpu.memory_space<vmem>>, %arg18: memref<!tpu.dma_semaphore, #tpu.memory_space<semaphore_mem>>, %arg19: memref<!tpu.dma_semaphore, #tpu.memory_space<semaphore_mem>>, %arg20: memref<!tpu.dma_semaphore, #tpu.memory_space<semaphore_mem>>, %arg21: memref<!tpu.dma_semaphore, #tpu.memory_space<semaphore_mem>>, %arg22: memref<!tpu.dma_semaphore, #tpu.memory_space<semaphore_mem>>, %arg23: memref<!tpu.dma_semaphore, #tpu.memory_space<semaphore_mem>>, %arg24: memref<!tpu.dma_semaphore, #tpu.memory_space<semaphore_mem>>, %arg25: memref<!tpu.dma_semaphore, #tpu.memory_space<semaphore_mem>>, %arg26: memref<!tpu.dma_semaphore, #tpu.memory_space<semaphore_mem>>, %arg27: memref<!tpu.dma_semaphore, #tpu.memory_space<semaphore_mem>>) attributes {dimension_semantics = [#tpu.dimension_semantics<core_parallel>, #tpu.dimension_semantics<subcore_parallel>], iteration_bounds = array<i64: 2, 16>, scalar_prefetch = 0 : i64, scratch_operands = 22 : i64, tpu.core_type = #tpu.core_type<sc_vector_subcore>, window_params = [{transform_indices = #map}, {transform_indices = #map}, {transform_indices = #map}, {transform_indices = #map1}]} {
    %mul3A = arith.constant 2 : i32
    %mul3A_0 = arith.muli %arg1, %mul3A : i32
    %add3A = arith.addi %mul3A_0, %arg0 : i32
    %jit3A = arith.constant 8 : i32
    %eq3A = arith.constant 0 : i32
    %eq3A_1 = arith.cmpi eq, %jit3A, %eq3A : i32
    %jit3A_2 = arith.constant 1 : i32
    %select_n3A = arith.select %eq3A_1, %jit3A_2, %jit3A : i32
    %rem3A = arith.remsi %add3A, %select_n3A : i32
    %ne3A = arith.constant 0 : i32
    %ne3A_3 = arith.cmpi ne, %rem3A, %ne3A : i32
    %lt3A = arith.constant 0 : i32
    %lt3A_4 = arith.cmpi slt, %rem3A, %lt3A : i32
    %lt3A_5 = arith.constant 0 : i32
    %lt3A_6 = arith.cmpi slt, %select_n3A, %lt3A_5 : i32
    %ne3A_7 = arith.xori %lt3A_4, %lt3A_6 : i1
    %and3A = arith.andi %ne3A_7, %ne3A_3 : i1
    %add3A_8 = arith.addi %rem3A, %select_n3A : i32
    %select_n3A_9 = arith.select %and3A, %add3A_8, %rem3A : i32
    %jit3A_10 = arith.constant 8 : i32
    %div3A = arith.divsi %add3A, %jit3A_10 : i32
    %sign3A = arith.constant 0 : i32
    %sign3A_11 = arith.cmpi sgt, %add3A, %sign3A : i32
    %sign3A_12 = arith.extui %sign3A_11 : i1 to i32
    %sign3A_13 = arith.constant 0 : i32
    %sign3A_14 = arith.cmpi slt, %add3A, %sign3A_13 : i32
    %sign3A_15 = arith.extui %sign3A_14 : i1 to i32
    %sign3A_16 = arith.subi %sign3A_12, %sign3A_15 : i32
    %sign3A_17 = arith.constant 0 : i32
    %sign3A_18 = arith.cmpi sgt, %jit3A_10, %sign3A_17 : i32
    %sign3A_19 = arith.extui %sign3A_18 : i1 to i32
    %sign3A_20 = arith.constant 0 : i32
    %sign3A_21 = arith.cmpi slt, %jit3A_10, %sign3A_20 : i32
    %sign3A_22 = arith.extui %sign3A_21 : i1 to i32
    %sign3A_23 = arith.subi %sign3A_19, %sign3A_22 : i32
    %ne3A_24 = arith.cmpi ne, %sign3A_16, %sign3A_23 : i32
    %rem3A_25 = arith.remsi %add3A, %jit3A_10 : i32
    %ne3A_26 = arith.constant 0 : i32
    %ne3A_27 = arith.cmpi ne, %rem3A_25, %ne3A_26 : i32
    %and3A_28 = arith.andi %ne3A_24, %ne3A_27 : i1
    %sub3A = arith.constant 1 : i32
    %sub3A_29 = arith.subi %div3A, %sub3A : i32
    %select_n3A_30 = arith.select %and3A_28, %sub3A_29, %div3A : i32
    %mul3A_31 = arith.constant 50 : i32
    %mul3A_32 = arith.muli %select_n3A_30, %mul3A_31 : i32
    %mul3A_33 = arith.constant 128 : i32
    %mul3A_34 = arith.muli %select_n3A_9, %mul3A_33 : i32
    "tpu.region"() ({
      %run_scoped3A = tpu.sem_alloc : memref<!tpu.dma_semaphore, #tpu.memory_space<semaphore_mem>>
      %dma_start3A_408 = tpu.memref_slice %arg3[%mul3A_32, %mul3A_34] : memref<200x1024xi32, #tpu.memory_space<hbm>> -> memref<50x128xi32, #tpu.memory_space<hbm>>
      %dma_start3A_409 = tpu.memref_slice %arg3[%mul3A_32, %mul3A_34] : memref<200x1024xi32, #tpu.memory_space<hbm>> -> memref<50x128xi32, #tpu.memory_space<hbm>>
      tpu.enqueue_dma source(%dma_start3A_409 : memref<50x128xi32, #tpu.memory_space<hbm>>) target(%arg6 : memref<50x128xi32, #tpu.memory_space<vmem>>) target_semaphore(%run_scoped3A : memref<!tpu.dma_semaphore, #tpu.memory_space<semaphore_mem>>)
      %dma_wait3A_410 = tpu.memref_slice %arg3[%mul3A_32, %mul3A_34] : memref<200x1024xi32, #tpu.memory_space<hbm>> -> memref<50x128xi32, #tpu.memory_space<hbm>>
      %dma_wait3A_411 = tpu.memref_slice %arg3[%mul3A_32, %mul3A_34] : memref<200x1024xi32, #tpu.memory_space<hbm>> -> memref<50x128xi32, #tpu.memory_space<hbm>>
      tpu.wait_dma2 semaphore(%run_scoped3A : memref<!tpu.dma_semaphore, #tpu.memory_space<semaphore_mem>>) src(%dma_wait3A_411 : memref<50x128xi32, #tpu.memory_space<hbm>>) dst(%arg6 : memref<50x128xi32, #tpu.memory_space<vmem>>)
      tpu.yield
    }) : () -> ()
    "tpu.region"() ({
      %run_scoped3A = tpu.sem_alloc : memref<!tpu.dma_semaphore, #tpu.memory_space<semaphore_mem>>
      %dma_start3A_408 = arith.constant 0 : i32
      %dma_start3A_409 = tpu.memref_slice %arg4[%mul3A_32, %dma_start3A_408] : memref<200x64xf32, #tpu.memory_space<hbm>> -> memref<50x64xf32, #tpu.memory_space<hbm>>
      %dma_start3A_410 = arith.constant 0 : i32
      %dma_start3A_411 = tpu.memref_slice %arg4[%mul3A_32, %dma_start3A_410] : memref<200x64xf32, #tpu.memory_space<hbm>> -> memref<50x64xf32, #tpu.memory_space<hbm>>
      tpu.enqueue_dma source(%dma_start3A_411 : memref<50x64xf32, #tpu.memory_space<hbm>>) target(%arg7 : memref<50x64xf32, #tpu.memory_space<vmem>>) target_semaphore(%run_scoped3A : memref<!tpu.dma_semaphore, #tpu.memory_space<semaphore_mem>>)
      %dma_wait3A_412 = arith.constant 0 : i32
      %dma_wait3A_413 = tpu.memref_slice %arg4[%mul3A_32, %dma_wait3A_412] : memref<200x64xf32, #tpu.memory_space<hbm>> -> memref<50x64xf32, #tpu.memory_space<hbm>>
      %dma_wait3A_414 = arith.constant 0 : i32
      %dma_wait3A_415 = tpu.memref_slice %arg4[%mul3A_32, %dma_wait3A_414] : memref<200x64xf32, #tpu.memory_space<hbm>> -> memref<50x64xf32, #tpu.memory_space<hbm>>
      tpu.wait_dma2 semaphore(%run_scoped3A : memref<!tpu.dma_semaphore, #tpu.memory_space<semaphore_mem>>) src(%dma_wait3A_415 : memref<50x64xf32, #tpu.memory_space<hbm>>) dst(%arg7 : memref<50x64xf32, #tpu.memory_space<vmem>>)
      tpu.yield
    }) : () -> ()
    %iota3A = tpu.iota {dimensions = array<i32: 0>} : vector<16xi32>
    %add3A_35 = arith.constant 0 : i32
    %add3A_36 = vector.broadcast %add3A_35 : i32 to vector<16xi32>
    %add3A_37 = arith.addi %add3A_36, %iota3A : vector<16xi32>
    %jit3A_38 = arith.constant 8 : i32
    %div3A_39 = vector.broadcast %jit3A_38 : i32 to vector<16xi32>
    %div3A_40 = arith.divsi %add3A_37, %div3A_39 : vector<16xi32>
    %sign3A_41 = arith.constant 0 : i32
    %sign3A_42 = vector.broadcast %sign3A_41 : i32 to vector<16xi32>
    %sign3A_43 = arith.cmpi sgt, %add3A_37, %sign3A_42 : vector<16xi32>
    %sign3A_44 = arith.extui %sign3A_43 : vector<16xi1> to vector<16xi32>
    %sign3A_45 = arith.constant 0 : i32
    %sign3A_46 = vector.broadcast %sign3A_45 : i32 to vector<16xi32>
    %sign3A_47 = arith.cmpi slt, %add3A_37, %sign3A_46 : vector<16xi32>
    %sign3A_48 = arith.extui %sign3A_47 : vector<16xi1> to vector<16xi32>
    %sign3A_49 = arith.subi %sign3A_44, %sign3A_48 : vector<16xi32>
    %sign3A_50 = arith.constant 0 : i32
    %sign3A_51 = arith.cmpi sgt, %jit3A_38, %sign3A_50 : i32
    %sign3A_52 = arith.extui %sign3A_51 : i1 to i32
    %sign3A_53 = arith.constant 0 : i32
    %sign3A_54 = arith.cmpi slt, %jit3A_38, %sign3A_53 : i32
    %sign3A_55 = arith.extui %sign3A_54 : i1 to i32
    %sign3A_56 = arith.subi %sign3A_52, %sign3A_55 : i32
    %ne3A_57 = vector.broadcast %sign3A_56 : i32 to vector<16xi32>
    %ne3A_58 = arith.cmpi ne, %sign3A_49, %ne3A_57 : vector<16xi32>
    %rem3A_59 = vector.broadcast %jit3A_38 : i32 to vector<16xi32>
    %rem3A_60 = arith.remsi %add3A_37, %rem3A_59 : vector<16xi32>
    %ne3A_61 = arith.constant 0 : i32
    %ne3A_62 = vector.broadcast %ne3A_61 : i32 to vector<16xi32>
    %ne3A_63 = arith.cmpi ne, %rem3A_60, %ne3A_62 : vector<16xi32>
    %and3A_64 = arith.andi %ne3A_58, %ne3A_63 : vector<16xi1>
    %sub3A_65 = arith.constant 1 : i32
    %sub3A_66 = vector.broadcast %sub3A_65 : i32 to vector<16xi32>
    %sub3A_67 = arith.subi %div3A_40, %sub3A_66 : vector<16xi32>
    %select_n3A_68 = arith.select %and3A_64, %sub3A_67, %div3A_40 : vector<16xi1>, vector<16xi32>
    %add3A_69 = arith.constant 16 : i32
    %add3A_70 = vector.broadcast %add3A_69 : i32 to vector<16xi32>
    %add3A_71 = arith.addi %add3A_70, %iota3A : vector<16xi32>
    %jit3A_72 = arith.constant 8 : i32
    %div3A_73 = vector.broadcast %jit3A_72 : i32 to vector<16xi32>
    %div3A_74 = arith.divsi %add3A_71, %div3A_73 : vector<16xi32>
    %sign3A_75 = arith.constant 0 : i32
    %sign3A_76 = vector.broadcast %sign3A_75 : i32 to vector<16xi32>
    %sign3A_77 = arith.cmpi sgt, %add3A_71, %sign3A_76 : vector<16xi32>
    %sign3A_78 = arith.extui %sign3A_77 : vector<16xi1> to vector<16xi32>
    %sign3A_79 = arith.constant 0 : i32
    %sign3A_80 = vector.broadcast %sign3A_79 : i32 to vector<16xi32>
    %sign3A_81 = arith.cmpi slt, %add3A_71, %sign3A_80 : vector<16xi32>
    %sign3A_82 = arith.extui %sign3A_81 : vector<16xi1> to vector<16xi32>
    %sign3A_83 = arith.subi %sign3A_78, %sign3A_82 : vector<16xi32>
    %sign3A_84 = arith.constant 0 : i32
    %sign3A_85 = arith.cmpi sgt, %jit3A_72, %sign3A_84 : i32
    %sign3A_86 = arith.extui %sign3A_85 : i1 to i32
    %sign3A_87 = arith.constant 0 : i32
    %sign3A_88 = arith.cmpi slt, %jit3A_72, %sign3A_87 : i32
    %sign3A_89 = arith.extui %sign3A_88 : i1 to i32
    %sign3A_90 = arith.subi %sign3A_86, %sign3A_89 : i32
    %ne3A_91 = vector.broadcast %sign3A_90 : i32 to vector<16xi32>
    %ne3A_92 = arith.cmpi ne, %sign3A_83, %ne3A_91 : vector<16xi32>
    %rem3A_93 = vector.broadcast %jit3A_72 : i32 to vector<16xi32>
    %rem3A_94 = arith.remsi %add3A_71, %rem3A_93 : vector<16xi32>
    %ne3A_95 = arith.constant 0 : i32
    %ne3A_96 = vector.broadcast %ne3A_95 : i32 to vector<16xi32>
    %ne3A_97 = arith.cmpi ne, %rem3A_94, %ne3A_96 : vector<16xi32>
    %and3A_98 = arith.andi %ne3A_92, %ne3A_97 : vector<16xi1>
    %sub3A_99 = arith.constant 1 : i32
    %sub3A_100 = vector.broadcast %sub3A_99 : i32 to vector<16xi32>
    %sub3A_101 = arith.subi %div3A_74, %sub3A_100 : vector<16xi32>
    %select_n3A_102 = arith.select %and3A_98, %sub3A_101, %div3A_74 : vector<16xi1>, vector<16xi32>
    %add3A_103 = arith.constant 32 : i32
    %add3A_104 = vector.broadcast %add3A_103 : i32 to vector<16xi32>
    %add3A_105 = arith.addi %add3A_104, %iota3A : vector<16xi32>
    %jit3A_106 = arith.constant 8 : i32
    %div3A_107 = vector.broadcast %jit3A_106 : i32 to vector<16xi32>
    %div3A_108 = arith.divsi %add3A_105, %div3A_107 : vector<16xi32>
    %sign3A_109 = arith.constant 0 : i32
    %sign3A_110 = vector.broadcast %sign3A_109 : i32 to vector<16xi32>
    %sign3A_111 = arith.cmpi sgt, %add3A_105, %sign3A_110 : vector<16xi32>
    %sign3A_112 = arith.extui %sign3A_111 : vector<16xi1> to vector<16xi32>
    %sign3A_113 = arith.constant 0 : i32
    %sign3A_114 = vector.broadcast %sign3A_113 : i32 to vector<16xi32>
    %sign3A_115 = arith.cmpi slt, %add3A_105, %sign3A_114 : vector<16xi32>
    %sign3A_116 = arith.extui %sign3A_115 : vector<16xi1> to vector<16xi32>
    %sign3A_117 = arith.subi %sign3A_112, %sign3A_116 : vector<16xi32>
    %sign3A_118 = arith.constant 0 : i32
    %sign3A_119 = arith.cmpi sgt, %jit3A_106, %sign3A_118 : i32
    %sign3A_120 = arith.extui %sign3A_119 : i1 to i32
    %sign3A_121 = arith.constant 0 : i32
    %sign3A_122 = arith.cmpi slt, %jit3A_106, %sign3A_121 : i32
    %sign3A_123 = arith.extui %sign3A_122 : i1 to i32
    %sign3A_124 = arith.subi %sign3A_120, %sign3A_123 : i32
    %ne3A_125 = vector.broadcast %sign3A_124 : i32 to vector<16xi32>
    %ne3A_126 = arith.cmpi ne, %sign3A_117, %ne3A_125 : vector<16xi32>
    %rem3A_127 = vector.broadcast %jit3A_106 : i32 to vector<16xi32>
    %rem3A_128 = arith.remsi %add3A_105, %rem3A_127 : vector<16xi32>
    %ne3A_129 = arith.constant 0 : i32
    %ne3A_130 = vector.broadcast %ne3A_129 : i32 to vector<16xi32>
    %ne3A_131 = arith.cmpi ne, %rem3A_128, %ne3A_130 : vector<16xi32>
    %and3A_132 = arith.andi %ne3A_126, %ne3A_131 : vector<16xi1>
    %sub3A_133 = arith.constant 1 : i32
    %sub3A_134 = vector.broadcast %sub3A_133 : i32 to vector<16xi32>
    %sub3A_135 = arith.subi %div3A_108, %sub3A_134 : vector<16xi32>
    %select_n3A_136 = arith.select %and3A_132, %sub3A_135, %div3A_108 : vector<16xi1>, vector<16xi32>
    %add3A_137 = arith.constant 48 : i32
    %add3A_138 = vector.broadcast %add3A_137 : i32 to vector<16xi32>
    %add3A_139 = arith.addi %add3A_138, %iota3A : vector<16xi32>
    %jit3A_140 = arith.constant 8 : i32
    %div3A_141 = vector.broadcast %jit3A_140 : i32 to vector<16xi32>
    %div3A_142 = arith.divsi %add3A_139, %div3A_141 : vector<16xi32>
    %sign3A_143 = arith.constant 0 : i32
    %sign3A_144 = vector.broadcast %sign3A_143 : i32 to vector<16xi32>
    %sign3A_145 = arith.cmpi sgt, %add3A_139, %sign3A_144 : vector<16xi32>
    %sign3A_146 = arith.extui %sign3A_145 : vector<16xi1> to vector<16xi32>
    %sign3A_147 = arith.constant 0 : i32
    %sign3A_148 = vector.broadcast %sign3A_147 : i32 to vector<16xi32>
    %sign3A_149 = arith.cmpi slt, %add3A_139, %sign3A_148 : vector<16xi32>
    %sign3A_150 = arith.extui %sign3A_149 : vector<16xi1> to vector<16xi32>
    %sign3A_151 = arith.subi %sign3A_146, %sign3A_150 : vector<16xi32>
    %sign3A_152 = arith.constant 0 : i32
    %sign3A_153 = arith.cmpi sgt, %jit3A_140, %sign3A_152 : i32
    %sign3A_154 = arith.extui %sign3A_153 : i1 to i32
    %sign3A_155 = arith.constant 0 : i32
    %sign3A_156 = arith.cmpi slt, %jit3A_140, %sign3A_155 : i32
    %sign3A_157 = arith.extui %sign3A_156 : i1 to i32
    %sign3A_158 = arith.subi %sign3A_154, %sign3A_157 : i32
    %ne3A_159 = vector.broadcast %sign3A_158 : i32 to vector<16xi32>
    %ne3A_160 = arith.cmpi ne, %sign3A_151, %ne3A_159 : vector<16xi32>
    %rem3A_161 = vector.broadcast %jit3A_140 : i32 to vector<16xi32>
    %rem3A_162 = arith.remsi %add3A_139, %rem3A_161 : vector<16xi32>
    %ne3A_163 = arith.constant 0 : i32
    %ne3A_164 = vector.broadcast %ne3A_163 : i32 to vector<16xi32>
    %ne3A_165 = arith.cmpi ne, %rem3A_162, %ne3A_164 : vector<16xi32>
    %and3A_166 = arith.andi %ne3A_160, %ne3A_165 : vector<16xi1>
    %sub3A_167 = arith.constant 1 : i32
    %sub3A_168 = vector.broadcast %sub3A_167 : i32 to vector<16xi32>
    %sub3A_169 = arith.subi %div3A_142, %sub3A_168 : vector<16xi32>
    %select_n3A_170 = arith.select %and3A_166, %sub3A_169, %div3A_142 : vector<16xi1>, vector<16xi32>
    %add3A_171 = arith.constant 0 : i32
    %add3A_172 = vector.broadcast %add3A_171 : i32 to vector<16xi32>
    %add3A_173 = arith.addi %add3A_172, %iota3A : vector<16xi32>
    %jit3A_174 = arith.constant 8 : i32
    %eq3A_175 = arith.constant 0 : i32
    %eq3A_176 = arith.cmpi eq, %jit3A_174, %eq3A_175 : i32
    %jit3A_177 = arith.constant 1 : i32
    %select_n3A_178 = arith.select %eq3A_176, %jit3A_177, %jit3A_174 : i32
    %rem3A_179 = vector.broadcast %select_n3A_178 : i32 to vector<16xi32>
    %rem3A_180 = arith.remsi %add3A_173, %rem3A_179 : vector<16xi32>
    %ne3A_181 = arith.constant 0 : i32
    %ne3A_182 = vector.broadcast %ne3A_181 : i32 to vector<16xi32>
    %ne3A_183 = arith.cmpi ne, %rem3A_180, %ne3A_182 : vector<16xi32>
    %lt3A_184 = arith.constant 0 : i32
    %lt3A_185 = vector.broadcast %lt3A_184 : i32 to vector<16xi32>
    %lt3A_186 = arith.cmpi slt, %rem3A_180, %lt3A_185 : vector<16xi32>
    %lt3A_187 = arith.constant 0 : i32
    %lt3A_188 = arith.cmpi slt, %select_n3A_178, %lt3A_187 : i32
    %ne3A_189 = vector.broadcast %lt3A_188 : i1 to vector<16xi1>
    %ne3A_190 = vector.broadcast %ne3A_189 : vector<16xi1> to vector<16xi1>
    %ne3A_191 = arith.xori %lt3A_186, %ne3A_190 : vector<16xi1>
    %and3A_192 = arith.andi %ne3A_191, %ne3A_183 : vector<16xi1>
    %add3A_193 = vector.broadcast %select_n3A_178 : i32 to vector<16xi32>
    %add3A_194 = arith.addi %rem3A_180, %add3A_193 : vector<16xi32>
    %select_n3A_195 = arith.select %and3A_192, %add3A_194, %rem3A_180 : vector<16xi1>, vector<16xi32>
    %add3A_196 = arith.constant 16 : i32
    %add3A_197 = vector.broadcast %add3A_196 : i32 to vector<16xi32>
    %add3A_198 = arith.addi %add3A_197, %iota3A : vector<16xi32>
    %jit3A_199 = arith.constant 8 : i32
    %eq3A_200 = arith.constant 0 : i32
    %eq3A_201 = arith.cmpi eq, %jit3A_199, %eq3A_200 : i32
    %jit3A_202 = arith.constant 1 : i32
    %select_n3A_203 = arith.select %eq3A_201, %jit3A_202, %jit3A_199 : i32
    %rem3A_204 = vector.broadcast %select_n3A_203 : i32 to vector<16xi32>
    %rem3A_205 = arith.remsi %add3A_198, %rem3A_204 : vector<16xi32>
    %ne3A_206 = arith.constant 0 : i32
    %ne3A_207 = vector.broadcast %ne3A_206 : i32 to vector<16xi32>
    %ne3A_208 = arith.cmpi ne, %rem3A_205, %ne3A_207 : vector<16xi32>
    %lt3A_209 = arith.constant 0 : i32
    %lt3A_210 = vector.broadcast %lt3A_209 : i32 to vector<16xi32>
    %lt3A_211 = arith.cmpi slt, %rem3A_205, %lt3A_210 : vector<16xi32>
    %lt3A_212 = arith.constant 0 : i32
    %lt3A_213 = arith.cmpi slt, %select_n3A_203, %lt3A_212 : i32
    %ne3A_214 = vector.broadcast %lt3A_213 : i1 to vector<16xi1>
    %ne3A_215 = vector.broadcast %ne3A_214 : vector<16xi1> to vector<16xi1>
    %ne3A_216 = arith.xori %lt3A_211, %ne3A_215 : vector<16xi1>
    %and3A_217 = arith.andi %ne3A_216, %ne3A_208 : vector<16xi1>
    %add3A_218 = vector.broadcast %select_n3A_203 : i32 to vector<16xi32>
    %add3A_219 = arith.addi %rem3A_205, %add3A_218 : vector<16xi32>
    %select_n3A_220 = arith.select %and3A_217, %add3A_219, %rem3A_205 : vector<16xi1>, vector<16xi32>
    %add3A_221 = arith.constant 32 : i32
    %add3A_222 = vector.broadcast %add3A_221 : i32 to vector<16xi32>
    %add3A_223 = arith.addi %add3A_222, %iota3A : vector<16xi32>
    %jit3A_224 = arith.constant 8 : i32
    %eq3A_225 = arith.constant 0 : i32
    %eq3A_226 = arith.cmpi eq, %jit3A_224, %eq3A_225 : i32
    %jit3A_227 = arith.constant 1 : i32
    %select_n3A_228 = arith.select %eq3A_226, %jit3A_227, %jit3A_224 : i32
    %rem3A_229 = vector.broadcast %select_n3A_228 : i32 to vector<16xi32>
    %rem3A_230 = arith.remsi %add3A_223, %rem3A_229 : vector<16xi32>
    %ne3A_231 = arith.constant 0 : i32
    %ne3A_232 = vector.broadcast %ne3A_231 : i32 to vector<16xi32>
    %ne3A_233 = arith.cmpi ne, %rem3A_230, %ne3A_232 : vector<16xi32>
    %lt3A_234 = arith.constant 0 : i32
    %lt3A_235 = vector.broadcast %lt3A_234 : i32 to vector<16xi32>
    %lt3A_236 = arith.cmpi slt, %rem3A_230, %lt3A_235 : vector<16xi32>
    %lt3A_237 = arith.constant 0 : i32
    %lt3A_238 = arith.cmpi slt, %select_n3A_228, %lt3A_237 : i32
    %ne3A_239 = vector.broadcast %lt3A_238 : i1 to vector<16xi1>
    %ne3A_240 = vector.broadcast %ne3A_239 : vector<16xi1> to vector<16xi1>
    %ne3A_241 = arith.xori %lt3A_236, %ne3A_240 : vector<16xi1>
    %and3A_242 = arith.andi %ne3A_241, %ne3A_233 : vector<16xi1>
    %add3A_243 = vector.broadcast %select_n3A_228 : i32 to vector<16xi32>
    %add3A_244 = arith.addi %rem3A_230, %add3A_243 : vector<16xi32>
    %select_n3A_245 = arith.select %and3A_242, %add3A_244, %rem3A_230 : vector<16xi1>, vector<16xi32>
    %add3A_246 = arith.constant 48 : i32
    %add3A_247 = vector.broadcast %add3A_246 : i32 to vector<16xi32>
    %add3A_248 = arith.addi %add3A_247, %iota3A : vector<16xi32>
    %jit3A_249 = arith.constant 8 : i32
    %eq3A_250 = arith.constant 0 : i32
    %eq3A_251 = arith.cmpi eq, %jit3A_249, %eq3A_250 : i32
    %jit3A_252 = arith.constant 1 : i32
    %select_n3A_253 = arith.select %eq3A_251, %jit3A_252, %jit3A_249 : i32
    %rem3A_254 = vector.broadcast %select_n3A_253 : i32 to vector<16xi32>
    %rem3A_255 = arith.remsi %add3A_248, %rem3A_254 : vector<16xi32>
    %ne3A_256 = arith.constant 0 : i32
    %ne3A_257 = vector.broadcast %ne3A_256 : i32 to vector<16xi32>
    %ne3A_258 = arith.cmpi ne, %rem3A_255, %ne3A_257 : vector<16xi32>
    %lt3A_259 = arith.constant 0 : i32
    %lt3A_260 = vector.broadcast %lt3A_259 : i32 to vector<16xi32>
    %lt3A_261 = arith.cmpi slt, %rem3A_255, %lt3A_260 : vector<16xi32>
    %lt3A_262 = arith.constant 0 : i32
    %lt3A_263 = arith.cmpi slt, %select_n3A_253, %lt3A_262 : i32
    %ne3A_264 = vector.broadcast %lt3A_263 : i1 to vector<16xi1>
    %ne3A_265 = vector.broadcast %ne3A_264 : vector<16xi1> to vector<16xi1>
    %ne3A_266 = arith.xori %lt3A_261, %ne3A_265 : vector<16xi1>
    %and3A_267 = arith.andi %ne3A_266, %ne3A_258 : vector<16xi1>
    %add3A_268 = vector.broadcast %select_n3A_253 : i32 to vector<16xi32>
    %add3A_269 = arith.addi %rem3A_255, %add3A_268 : vector<16xi32>
    %select_n3A_270 = arith.select %and3A_267, %add3A_269, %rem3A_255 : vector<16xi1>, vector<16xi32>
    %dma_start3A = arith.constant 0 : i32
    %dma_start3A_271 = arith.constant 0 : i32
    %dma_start3A_272 = tpu.memref_slice %arg6[%dma_start3A, %dma_start3A_271] : memref<50x128xi32, #tpu.memory_space<vmem>> -> memref<1x128xi32, #tpu.memory_space<vmem>>
    %dma_start3A_273 = tpu.memref_squeeze %dma_start3A_272 : memref<1x128xi32, #tpu.memory_space<vmem>> -> memref<128xi32, #tpu.memory_space<vmem>>
    %dma_start3A_274 = arith.constant 0 : i32
    %dma_start3A_275 = arith.constant 0 : i32
    %dma_start3A_276 = tpu.memref_slice %arg2[%dma_start3A_274, %dma_start3A_275] : memref<200000x64xf32, #tpu.memory_space<hbm>> -> memref<200000x64xf32, #tpu.memory_space<hbm>>
    tpu.enqueue_indirect_dma source(%dma_start3A_276 : memref<200000x64xf32, #tpu.memory_space<hbm>>) target(%arg8 : memref<128x64xf32, #tpu.memory_space<vmem>>) offsets(%dma_start3A_273 : memref<128xi32, #tpu.memory_space<vmem>>) semaphore(%arg18 : memref<!tpu.dma_semaphore, #tpu.memory_space<semaphore_mem>>)
    %dma_start3A_277 = arith.constant 1 : i32
    %dma_start3A_278 = arith.constant 0 : i32
    %dma_start3A_279 = tpu.memref_slice %arg6[%dma_start3A_277, %dma_start3A_278] : memref<50x128xi32, #tpu.memory_space<vmem>> -> memref<1x128xi32, #tpu.memory_space<vmem>>
    %dma_start3A_280 = tpu.memref_squeeze %dma_start3A_279 : memref<1x128xi32, #tpu.memory_space<vmem>> -> memref<128xi32, #tpu.memory_space<vmem>>
    %dma_start3A_281 = arith.constant 0 : i32
    %dma_start3A_282 = arith.constant 0 : i32
    %dma_start3A_283 = tpu.memref_slice %arg2[%dma_start3A_281, %dma_start3A_282] : memref<200000x64xf32, #tpu.memory_space<hbm>> -> memref<200000x64xf32, #tpu.memory_space<hbm>>
    tpu.enqueue_indirect_dma source(%dma_start3A_283 : memref<200000x64xf32, #tpu.memory_space<hbm>>) target(%arg9 : memref<128x64xf32, #tpu.memory_space<vmem>>) offsets(%dma_start3A_280 : memref<128xi32, #tpu.memory_space<vmem>>) semaphore(%arg19 : memref<!tpu.dma_semaphore, #tpu.memory_space<semaphore_mem>>)
    %dma_start3A_284 = arith.constant 2 : i32
    %dma_start3A_285 = arith.constant 0 : i32
    %dma_start3A_286 = tpu.memref_slice %arg6[%dma_start3A_284, %dma_start3A_285] : memref<50x128xi32, #tpu.memory_space<vmem>> -> memref<1x128xi32, #tpu.memory_space<vmem>>
    %dma_start3A_287 = tpu.memref_squeeze %dma_start3A_286 : memref<1x128xi32, #tpu.memory_space<vmem>> -> memref<128xi32, #tpu.memory_space<vmem>>
    %dma_start3A_288 = arith.constant 0 : i32
    %dma_start3A_289 = arith.constant 0 : i32
    %dma_start3A_290 = tpu.memref_slice %arg2[%dma_start3A_288, %dma_start3A_289] : memref<200000x64xf32, #tpu.memory_space<hbm>> -> memref<200000x64xf32, #tpu.memory_space<hbm>>
    tpu.enqueue_indirect_dma source(%dma_start3A_290 : memref<200000x64xf32, #tpu.memory_space<hbm>>) target(%arg10 : memref<128x64xf32, #tpu.memory_space<vmem>>) offsets(%dma_start3A_287 : memref<128xi32, #tpu.memory_space<vmem>>) semaphore(%arg20 : memref<!tpu.dma_semaphore, #tpu.memory_space<semaphore_mem>>)
    %dma_start3A_291 = arith.constant 3 : i32
    %dma_start3A_292 = arith.constant 0 : i32
    %dma_start3A_293 = tpu.memref_slice %arg6[%dma_start3A_291, %dma_start3A_292] : memref<50x128xi32, #tpu.memory_space<vmem>> -> memref<1x128xi32, #tpu.memory_space<vmem>>
    %dma_start3A_294 = tpu.memref_squeeze %dma_start3A_293 : memref<1x128xi32, #tpu.memory_space<vmem>> -> memref<128xi32, #tpu.memory_space<vmem>>
    %dma_start3A_295 = arith.constant 0 : i32
    %dma_start3A_296 = arith.constant 0 : i32
    %dma_start3A_297 = tpu.memref_slice %arg2[%dma_start3A_295, %dma_start3A_296] : memref<200000x64xf32, #tpu.memory_space<hbm>> -> memref<200000x64xf32, #tpu.memory_space<hbm>>
    tpu.enqueue_indirect_dma source(%dma_start3A_297 : memref<200000x64xf32, #tpu.memory_space<hbm>>) target(%arg11 : memref<128x64xf32, #tpu.memory_space<vmem>>) offsets(%dma_start3A_294 : memref<128xi32, #tpu.memory_space<vmem>>) semaphore(%arg21 : memref<!tpu.dma_semaphore, #tpu.memory_space<semaphore_mem>>)
    %dma_start3A_298 = arith.constant 4 : i32
    %dma_start3A_299 = arith.constant 0 : i32
    %dma_start3A_300 = tpu.memref_slice %arg6[%dma_start3A_298, %dma_start3A_299] : memref<50x128xi32, #tpu.memory_space<vmem>> -> memref<1x128xi32, #tpu.memory_space<vmem>>
    %dma_start3A_301 = tpu.memref_squeeze %dma_start3A_300 : memref<1x128xi32, #tpu.memory_space<vmem>> -> memref<128xi32, #tpu.memory_space<vmem>>
    %dma_start3A_302 = arith.constant 0 : i32
    %dma_start3A_303 = arith.constant 0 : i32
    %dma_start3A_304 = tpu.memref_slice %arg2[%dma_start3A_302, %dma_start3A_303] : memref<200000x64xf32, #tpu.memory_space<hbm>> -> memref<200000x64xf32, #tpu.memory_space<hbm>>
    tpu.enqueue_indirect_dma source(%dma_start3A_304 : memref<200000x64xf32, #tpu.memory_space<hbm>>) target(%arg12 : memref<128x64xf32, #tpu.memory_space<vmem>>) offsets(%dma_start3A_301 : memref<128xi32, #tpu.memory_space<vmem>>) semaphore(%arg22 : memref<!tpu.dma_semaphore, #tpu.memory_space<semaphore_mem>>)
    %scan3A = arith.constant 0 : i32
    %scan3A_305 = arith.constant 10 : i32
    %scan3A_306 = arith.addi %scan3A, %scan3A_305 : i32
    %scan3A_307 = arith.constant 1 : i32
    scf.for %scan3A_408 = %scan3A to %scan3A_306 step %scan3A_307  : i32 {
      %mul3A_409 = arith.constant 5 : i32
      %mul3A_410 = arith.muli %scan3A_408, %mul3A_409 : i32
      %add3A_411 = arith.constant 0 : i32
      %add3A_412 = arith.addi %add3A_411, %mul3A_410 : i32
      %add3A_413 = arith.constant 0 : i32
      %add3A_414 = arith.addi %add3A_412, %add3A_413 : i32
      %dma_wait3A_415 = arith.constant 0 : i32
      %dma_wait3A_416 = tpu.memref_slice %arg6[%add3A_414, %dma_wait3A_415] : memref<50x128xi32, #tpu.memory_space<vmem>> -> memref<1x128xi32, #tpu.memory_space<vmem>>
      %dma_wait3A_417 = tpu.memref_squeeze %dma_wait3A_416 : memref<1x128xi32, #tpu.memory_space<vmem>> -> memref<128xi32, #tpu.memory_space<vmem>>
      %dma_wait3A_418 = arith.constant 0 : i32
      %dma_wait3A_419 = arith.constant 0 : i32
      %dma_wait3A_420 = tpu.memref_slice %arg2[%dma_wait3A_418, %dma_wait3A_419] : memref<200000x64xf32, #tpu.memory_space<hbm>> -> memref<200000x64xf32, #tpu.memory_space<hbm>>
      tpu.wait_indirect_dma semaphore(%arg18 : memref<!tpu.dma_semaphore, #tpu.memory_space<semaphore_mem>>) src(%dma_wait3A_420 : memref<200000x64xf32, #tpu.memory_space<hbm>>) dst(%arg8 : memref<128x64xf32, #tpu.memory_space<vmem>>)
      %ge3A = arith.constant 5 : i32
      %ge3A_421 = arith.cmpi sge, %add3A_414, %ge3A : i32
      %convert_element_type3A = arith.extui %ge3A_421 : i1 to i32
      %cond3A = arith.constant 0 : i32
      %cond3A_422 = arith.cmpi ne, %convert_element_type3A, %cond3A : i32
      scf.if %cond3A_422 {
        %add3A_678 = arith.addi %mul3A_32, %add3A_414 : i32
        %dma_wait3A_679 = arith.constant 0 : i32
        %dma_wait3A_680 = arith.constant 0 : i32
        %dma_wait3A_681 = arith.constant 0 : i32
        %dma_wait3A_682 = tpu.memref_slice %arg13[%dma_wait3A_679, %dma_wait3A_680, %dma_wait3A_681] : memref<8x8x129xf32, #tpu.memory_space<vmem>> -> memref<8x8x128xf32, #tpu.memory_space<vmem>>
        %dma_wait3A_683 = arith.constant 0 : i32
        %dma_wait3A_684 = arith.constant 0 : i32
        %dma_wait3A_685 = arith.constant 0 : i32
        %dma_wait3A_686 = tpu.memref_slice %arg5[%add3A_678, %dma_wait3A_683, %select_n3A_9, %dma_wait3A_684, %dma_wait3A_685] : memref<200x8x8x8x128xf32, #tpu.memory_space<hbm>> -> memref<1x8x1x8x128xf32, #tpu.memory_space<hbm>>
        %dma_wait3A_687 = tpu.memref_squeeze %dma_wait3A_686 : memref<1x8x1x8x128xf32, #tpu.memory_space<hbm>> -> memref<8x8x128xf32, #tpu.memory_space<hbm>>
        %dma_wait3A_688 = arith.constant 0 : i32
        %dma_wait3A_689 = arith.constant 0 : i32
        %dma_wait3A_690 = arith.constant 0 : i32
        %dma_wait3A_691 = tpu.memref_slice %arg5[%add3A_678, %dma_wait3A_688, %select_n3A_9, %dma_wait3A_689, %dma_wait3A_690] : memref<200x8x8x8x128xf32, #tpu.memory_space<hbm>> -> memref<1x8x1x8x128xf32, #tpu.memory_space<hbm>>
        %dma_wait3A_692 = tpu.memref_squeeze %dma_wait3A_691 : memref<1x8x1x8x128xf32, #tpu.memory_space<hbm>> -> memref<8x8x128xf32, #tpu.memory_space<hbm>>
        %dma_wait3A_693 = arith.constant 0 : i32
        %dma_wait3A_694 = arith.constant 0 : i32
        %dma_wait3A_695 = arith.constant 0 : i32
        %dma_wait3A_696 = tpu.memref_slice %arg13[%dma_wait3A_693, %dma_wait3A_694, %dma_wait3A_695] : memref<8x8x129xf32, #tpu.memory_space<vmem>> -> memref<8x8x128xf32, #tpu.memory_space<vmem>>
        tpu.wait_dma2 semaphore(%arg23 : memref<!tpu.dma_semaphore, #tpu.memory_space<semaphore_mem>>) src(%dma_wait3A_696 : memref<8x8x128xf32, #tpu.memory_space<vmem>>) dst(%dma_wait3A_692 : memref<8x8x128xf32, #tpu.memory_space<hbm>>)
      } else {
      }
      %get3A = arith.index_cast %add3A_414 : i32 to index
      %get3A_423 = arith.constant 0 : index
      %get3A_424 = tpu.vector_load %arg7[%get3A, %get3A_423] {strides = array<i32>} : memref<50x64xf32, #tpu.memory_space<vmem>>, vector<16xf32>,
      %get3A_425 = arith.index_cast %add3A_414 : i32 to index
      %get3A_426 = arith.constant 16 : index
      %get3A_427 = tpu.vector_load %arg7[%get3A_425, %get3A_426] {strides = array<i32>} : memref<50x64xf32, #tpu.memory_space<vmem>>, vector<16xf32>,
      %get3A_428 = arith.index_cast %add3A_414 : i32 to index
      %get3A_429 = arith.constant 32 : index
      %get3A_430 = tpu.vector_load %arg7[%get3A_428, %get3A_429] {strides = array<i32>} : memref<50x64xf32, #tpu.memory_space<vmem>>, vector<16xf32>,
      %get3A_431 = arith.index_cast %add3A_414 : i32 to index
      %get3A_432 = arith.constant 48 : index
      %get3A_433 = tpu.vector_load %arg7[%get3A_431, %get3A_432] {strides = array<i32>} : memref<50x64xf32, #tpu.memory_space<vmem>>, vector<16xf32>,
      %parallel_loop3A = arith.constant 0 : i32
      %parallel_loop3A_434 = arith.constant 128 : i32
      %parallel_loop3A_435 = arith.constant 1 : i32
      scf.for %parallel_loop3A_678 = %parallel_loop3A to %parallel_loop3A_434 step %parallel_loop3A_435  : i32 {
        %parallel_loop3A_679 = vector.broadcast %parallel_loop3A_678 : i32 to vector<16xi32>
        %parallel_loop3A_680 = arith.index_cast %parallel_loop3A_678 : i32 to index
        %parallel_loop3A_681 = arith.constant 0 : index
        %parallel_loop3A_682 = tpu.vector_load %arg8[%parallel_loop3A_680, %parallel_loop3A_681] {strides = array<i32>} : memref<128x64xf32, #tpu.memory_space<vmem>>, vector<16xf32>,
        %parallel_loop3A_683 = arith.addf %parallel_loop3A_682, %get3A_424 : vector<16xf32>
        tpu.vector_store_idx %arg13[%select_n3A_68, %select_n3A_195, %parallel_loop3A_679], %parallel_loop3A_683 : memref<8x8x129xf32, #tpu.memory_space<vmem>>[vector<16xi32>, vector<16xi32>, vector<16xi32>], vector<16xf32>,
        %parallel_loop3A_684 = arith.index_cast %parallel_loop3A_678 : i32 to index
        %parallel_loop3A_685 = arith.constant 16 : index
        %parallel_loop3A_686 = tpu.vector_load %arg8[%parallel_loop3A_684, %parallel_loop3A_685] {strides = array<i32>} : memref<128x64xf32, #tpu.memory_space<vmem>>, vector<16xf32>,
        %parallel_loop3A_687 = arith.addf %parallel_loop3A_686, %get3A_427 : vector<16xf32>
        tpu.vector_store_idx %arg13[%select_n3A_102, %select_n3A_220, %parallel_loop3A_679], %parallel_loop3A_687 : memref<8x8x129xf32, #tpu.memory_space<vmem>>[vector<16xi32>, vector<16xi32>, vector<16xi32>], vector<16xf32>,
        %parallel_loop3A_688 = arith.index_cast %parallel_loop3A_678 : i32 to index
        %parallel_loop3A_689 = arith.constant 32 : index
        %parallel_loop3A_690 = tpu.vector_load %arg8[%parallel_loop3A_688, %parallel_loop3A_689] {strides = array<i32>} : memref<128x64xf32, #tpu.memory_space<vmem>>, vector<16xf32>,
        %parallel_loop3A_691 = arith.addf %parallel_loop3A_690, %get3A_430 : vector<16xf32>
        tpu.vector_store_idx %arg13[%select_n3A_136, %select_n3A_245, %parallel_loop3A_679], %parallel_loop3A_691 : memref<8x8x129xf32, #tpu.memory_space<vmem>>[vector<16xi32>, vector<16xi32>, vector<16xi32>], vector<16xf32>,
        %parallel_loop3A_692 = arith.index_cast %parallel_loop3A_678 : i32 to index
        %parallel_loop3A_693 = arith.constant 48 : index
        %parallel_loop3A_694 = tpu.vector_load %arg8[%parallel_loop3A_692, %parallel_loop3A_693] {strides = array<i32>} : memref<128x64xf32, #tpu.memory_space<vmem>>, vector<16xf32>,
        %parallel_loop3A_695 = arith.addf %parallel_loop3A_694, %get3A_433 : vector<16xf32>
        tpu.vector_store_idx %arg13[%select_n3A_170, %select_n3A_270, %parallel_loop3A_679], %parallel_loop3A_695 : memref<8x8x129xf32, #tpu.memory_space<vmem>>[vector<16xi32>, vector<16xi32>, vector<16xi32>], vector<16xf32>,
      } {sc.loop_unroll_factor = 4 : i64, sc.parallel_access}
      %add3A_436 = arith.constant 5 : i32
      %add3A_437 = arith.addi %add3A_414, %add3A_436 : i32
      %lt3A_438 = arith.constant 50 : i32
      %lt3A_439 = arith.cmpi slt, %add3A_437, %lt3A_438 : i32
      %convert_element_type3A_440 = arith.extui %lt3A_439 : i1 to i32
      %cond3A_441 = arith.constant 0 : i32
      %cond3A_442 = arith.cmpi ne, %convert_element_type3A_440, %cond3A_441 : i32
      scf.if %cond3A_442 {
        %add3A_678 = arith.constant 5 : i32
        %add3A_679 = arith.addi %add3A_414, %add3A_678 : i32
        %dma_start3A_680 = arith.constant 0 : i32
        %dma_start3A_681 = tpu.memref_slice %arg6[%add3A_679, %dma_start3A_680] : memref<50x128xi32, #tpu.memory_space<vmem>> -> memref<1x128xi32, #tpu.memory_space<vmem>>
        %dma_start3A_682 = tpu.memref_squeeze %dma_start3A_681 : memref<1x128xi32, #tpu.memory_space<vmem>> -> memref<128xi32, #tpu.memory_space<vmem>>
        %dma_start3A_683 = arith.constant 0 : i32
        %dma_start3A_684 = arith.constant 0 : i32
        %dma_start3A_685 = tpu.memref_slice %arg2[%dma_start3A_683, %dma_start3A_684] : memref<200000x64xf32, #tpu.memory_space<hbm>> -> memref<200000x64xf32, #tpu.memory_space<hbm>>
        tpu.enqueue_indirect_dma source(%dma_start3A_685 : memref<200000x64xf32, #tpu.memory_space<hbm>>) target(%arg8 : memref<128x64xf32, #tpu.memory_space<vmem>>) offsets(%dma_start3A_682 : memref<128xi32, #tpu.memory_space<vmem>>) semaphore(%arg18 : memref<!tpu.dma_semaphore, #tpu.memory_space<semaphore_mem>>)
      } else {
      }
      %add3A_443 = arith.addi %mul3A_32, %add3A_414 : i32
      %dma_start3A_444 = arith.constant 0 : i32
      %dma_start3A_445 = arith.constant 0 : i32
      %dma_start3A_446 = arith.constant 0 : i32
      %dma_start3A_447 = tpu.memref_slice %arg13[%dma_start3A_444, %dma_start3A_445, %dma_start3A_446] : memref<8x8x129xf32, #tpu.memory_space<vmem>> -> memref<8x8x128xf32, #tpu.memory_space<vmem>>
      %dma_start3A_448 = arith.constant 0 : i32
      %dma_start3A_449 = arith.constant 0 : i32
      %dma_start3A_450 = arith.constant 0 : i32
      %dma_start3A_451 = tpu.memref_slice %arg5[%add3A_443, %dma_start3A_448, %select_n3A_9, %dma_start3A_449, %dma_start3A_450] : memref<200x8x8x8x128xf32, #tpu.memory_space<hbm>> -> memref<1x8x1x8x128xf32, #tpu.memory_space<hbm>>
      %dma_start3A_452 = tpu.memref_squeeze %dma_start3A_451 : memref<1x8x1x8x128xf32, #tpu.memory_space<hbm>> -> memref<8x8x128xf32, #tpu.memory_space<hbm>>
      %dma_start3A_453 = arith.constant 0 : i32
      %dma_start3A_454 = arith.constant 0 : i32
      %dma_start3A_455 = arith.constant 0 : i32
      %dma_start3A_456 = tpu.memref_slice %arg5[%add3A_443, %dma_start3A_453, %select_n3A_9, %dma_start3A_454, %dma_start3A_455] : memref<200x8x8x8x128xf32, #tpu.memory_space<hbm>> -> memref<1x8x1x8x128xf32, #tpu.memory_space<hbm>>
      %dma_start3A_457 = tpu.memref_squeeze %dma_start3A_456 : memref<1x8x1x8x128xf32, #tpu.memory_space<hbm>> -> memref<8x8x128xf32, #tpu.memory_space<hbm>>
      %dma_start3A_458 = arith.constant 0 : i32
      %dma_start3A_459 = arith.constant 0 : i32
      %dma_start3A_460 = arith.constant 0 : i32
      %dma_start3A_461 = tpu.memref_slice %arg13[%dma_start3A_458, %dma_start3A_459, %dma_start3A_460] : memref<8x8x129xf32, #tpu.memory_space<vmem>> -> memref<8x8x128xf32, #tpu.memory_space<vmem>>
      tpu.enqueue_dma source(%dma_start3A_461 : memref<8x8x128xf32, #tpu.memory_space<vmem>>) target(%dma_start3A_457 : memref<8x8x128xf32, #tpu.memory_space<hbm>>) target_semaphore(%arg23 : memref<!tpu.dma_semaphore, #tpu.memory_space<semaphore_mem>>)
      %add3A_462 = arith.constant 1 : i32
      %add3A_463 = arith.addi %add3A_412, %add3A_462 : i32
      %dma_wait3A_464 = arith.constant 0 : i32
      %dma_wait3A_465 = tpu.memref_slice %arg6[%add3A_463, %dma_wait3A_464] : memref<50x128xi32, #tpu.memory_space<vmem>> -> memref<1x128xi32, #tpu.memory_space<vmem>>
      %dma_wait3A_466 = tpu.memref_squeeze %dma_wait3A_465 : memref<1x128xi32, #tpu.memory_space<vmem>> -> memref<128xi32, #tpu.memory_space<vmem>>
      %dma_wait3A_467 = arith.constant 0 : i32
      %dma_wait3A_468 = arith.constant 0 : i32
      %dma_wait3A_469 = tpu.memref_slice %arg2[%dma_wait3A_467, %dma_wait3A_468] : memref<200000x64xf32, #tpu.memory_space<hbm>> -> memref<200000x64xf32, #tpu.memory_space<hbm>>
      tpu.wait_indirect_dma semaphore(%arg19 : memref<!tpu.dma_semaphore, #tpu.memory_space<semaphore_mem>>) src(%dma_wait3A_469 : memref<200000x64xf32, #tpu.memory_space<hbm>>) dst(%arg9 : memref<128x64xf32, #tpu.memory_space<vmem>>)
      %ge3A_470 = arith.constant 5 : i32
      %ge3A_471 = arith.cmpi sge, %add3A_463, %ge3A_470 : i32
      %convert_element_type3A_472 = arith.extui %ge3A_471 : i1 to i32
      %cond3A_473 = arith.constant 0 : i32
      %cond3A_474 = arith.cmpi ne, %convert_element_type3A_472, %cond3A_473 : i32
      scf.if %cond3A_474 {
        %add3A_678 = arith.addi %mul3A_32, %add3A_463 : i32
        %dma_wait3A_679 = arith.constant 0 : i32
        %dma_wait3A_680 = arith.constant 0 : i32
        %dma_wait3A_681 = arith.constant 0 : i32
        %dma_wait3A_682 = tpu.memref_slice %arg14[%dma_wait3A_679, %dma_wait3A_680, %dma_wait3A_681] : memref<8x8x129xf32, #tpu.memory_space<vmem>> -> memref<8x8x128xf32, #tpu.memory_space<vmem>>
        %dma_wait3A_683 = arith.constant 0 : i32
        %dma_wait3A_684 = arith.constant 0 : i32
        %dma_wait3A_685 = arith.constant 0 : i32
        %dma_wait3A_686 = tpu.memref_slice %arg5[%add3A_678, %dma_wait3A_683, %select_n3A_9, %dma_wait3A_684, %dma_wait3A_685] : memref<200x8x8x8x128xf32, #tpu.memory_space<hbm>> -> memref<1x8x1x8x128xf32, #tpu.memory_space<hbm>>
        %dma_wait3A_687 = tpu.memref_squeeze %dma_wait3A_686 : memref<1x8x1x8x128xf32, #tpu.memory_space<hbm>> -> memref<8x8x128xf32, #tpu.memory_space<hbm>>
        %dma_wait3A_688 = arith.constant 0 : i32
        %dma_wait3A_689 = arith.constant 0 : i32
        %dma_wait3A_690 = arith.constant 0 : i32
        %dma_wait3A_691 = tpu.memref_slice %arg5[%add3A_678, %dma_wait3A_688, %select_n3A_9, %dma_wait3A_689, %dma_wait3A_690] : memref<200x8x8x8x128xf32, #tpu.memory_space<hbm>> -> memref<1x8x1x8x128xf32, #tpu.memory_space<hbm>>
        %dma_wait3A_692 = tpu.memref_squeeze %dma_wait3A_691 : memref<1x8x1x8x128xf32, #tpu.memory_space<hbm>> -> memref<8x8x128xf32, #tpu.memory_space<hbm>>
        %dma_wait3A_693 = arith.constant 0 : i32
        %dma_wait3A_694 = arith.constant 0 : i32
        %dma_wait3A_695 = arith.constant 0 : i32
        %dma_wait3A_696 = tpu.memref_slice %arg14[%dma_wait3A_693, %dma_wait3A_694, %dma_wait3A_695] : memref<8x8x129xf32, #tpu.memory_space<vmem>> -> memref<8x8x128xf32, #tpu.memory_space<vmem>>
        tpu.wait_dma2 semaphore(%arg24 : memref<!tpu.dma_semaphore, #tpu.memory_space<semaphore_mem>>) src(%dma_wait3A_696 : memref<8x8x128xf32, #tpu.memory_space<vmem>>) dst(%dma_wait3A_692 : memref<8x8x128xf32, #tpu.memory_space<hbm>>)
      } else {
      }
      %get3A_475 = arith.index_cast %add3A_463 : i32 to index
      %get3A_476 = arith.constant 0 : index
      %get3A_477 = tpu.vector_load %arg7[%get3A_475, %get3A_476] {strides = array<i32>} : memref<50x64xf32, #tpu.memory_space<vmem>>, vector<16xf32>,
      %get3A_478 = arith.index_cast %add3A_463 : i32 to index
      %get3A_479 = arith.constant 16 : index
      %get3A_480 = tpu.vector_load %arg7[%get3A_478, %get3A_479] {strides = array<i32>} : memref<50x64xf32, #tpu.memory_space<vmem>>, vector<16xf32>,
      %get3A_481 = arith.index_cast %add3A_463 : i32 to index
      %get3A_482 = arith.constant 32 : index
      %get3A_483 = tpu.vector_load %arg7[%get3A_481, %get3A_482] {strides = array<i32>} : memref<50x64xf32, #tpu.memory_space<vmem>>, vector<16xf32>,
      %get3A_484 = arith.index_cast %add3A_463 : i32 to index
      %get3A_485 = arith.constant 48 : index
      %get3A_486 = tpu.vector_load %arg7[%get3A_484, %get3A_485] {strides = array<i32>} : memref<50x64xf32, #tpu.memory_space<vmem>>, vector<16xf32>,
      %parallel_loop3A_487 = arith.constant 0 : i32
      %parallel_loop3A_488 = arith.constant 128 : i32
      %parallel_loop3A_489 = arith.constant 1 : i32
      scf.for %parallel_loop3A_678 = %parallel_loop3A_487 to %parallel_loop3A_488 step %parallel_loop3A_489  : i32 {
        %parallel_loop3A_679 = vector.broadcast %parallel_loop3A_678 : i32 to vector<16xi32>
        %parallel_loop3A_680 = arith.index_cast %parallel_loop3A_678 : i32 to index
        %parallel_loop3A_681 = arith.constant 0 : index
        %parallel_loop3A_682 = tpu.vector_load %arg9[%parallel_loop3A_680, %parallel_loop3A_681] {strides = array<i32>} : memref<128x64xf32, #tpu.memory_space<vmem>>, vector<16xf32>,
        %parallel_loop3A_683 = arith.addf %parallel_loop3A_682, %get3A_477 : vector<16xf32>
        tpu.vector_store_idx %arg14[%select_n3A_68, %select_n3A_195, %parallel_loop3A_679], %parallel_loop3A_683 : memref<8x8x129xf32, #tpu.memory_space<vmem>>[vector<16xi32>, vector<16xi32>, vector<16xi32>], vector<16xf32>,
        %parallel_loop3A_684 = arith.index_cast %parallel_loop3A_678 : i32 to index
        %parallel_loop3A_685 = arith.constant 16 : index
        %parallel_loop3A_686 = tpu.vector_load %arg9[%parallel_loop3A_684, %parallel_loop3A_685] {strides = array<i32>} : memref<128x64xf32, #tpu.memory_space<vmem>>, vector<16xf32>,
        %parallel_loop3A_687 = arith.addf %parallel_loop3A_686, %get3A_480 : vector<16xf32>
        tpu.vector_store_idx %arg14[%select_n3A_102, %select_n3A_220, %parallel_loop3A_679], %parallel_loop3A_687 : memref<8x8x129xf32, #tpu.memory_space<vmem>>[vector<16xi32>, vector<16xi32>, vector<16xi32>], vector<16xf32>,
        %parallel_loop3A_688 = arith.index_cast %parallel_loop3A_678 : i32 to index
        %parallel_loop3A_689 = arith.constant 32 : index
        %parallel_loop3A_690 = tpu.vector_load %arg9[%parallel_loop3A_688, %parallel_loop3A_689] {strides = array<i32>} : memref<128x64xf32, #tpu.memory_space<vmem>>, vector<16xf32>,
        %parallel_loop3A_691 = arith.addf %parallel_loop3A_690, %get3A_483 : vector<16xf32>
        tpu.vector_store_idx %arg14[%select_n3A_136, %select_n3A_245, %parallel_loop3A_679], %parallel_loop3A_691 : memref<8x8x129xf32, #tpu.memory_space<vmem>>[vector<16xi32>, vector<16xi32>, vector<16xi32>], vector<16xf32>,
        %parallel_loop3A_692 = arith.index_cast %parallel_loop3A_678 : i32 to index
        %parallel_loop3A_693 = arith.constant 48 : index
        %parallel_loop3A_694 = tpu.vector_load %arg9[%parallel_loop3A_692, %parallel_loop3A_693] {strides = array<i32>} : memref<128x64xf32, #tpu.memory_space<vmem>>, vector<16xf32>,
        %parallel_loop3A_695 = arith.addf %parallel_loop3A_694, %get3A_486 : vector<16xf32>
        tpu.vector_store_idx %arg14[%select_n3A_170, %select_n3A_270, %parallel_loop3A_679], %parallel_loop3A_695 : memref<8x8x129xf32, #tpu.memory_space<vmem>>[vector<16xi32>, vector<16xi32>, vector<16xi32>], vector<16xf32>,
      } {sc.loop_unroll_factor = 4 : i64, sc.parallel_access}
      %add3A_490 = arith.constant 5 : i32
      %add3A_491 = arith.addi %add3A_463, %add3A_490 : i32
      %lt3A_492 = arith.constant 50 : i32
      %lt3A_493 = arith.cmpi slt, %add3A_491, %lt3A_492 : i32
      %convert_element_type3A_494 = arith.extui %lt3A_493 : i1 to i32
      %cond3A_495 = arith.constant 0 : i32
      %cond3A_496 = arith.cmpi ne, %convert_element_type3A_494, %cond3A_495 : i32
      scf.if %cond3A_496 {
        %add3A_678 = arith.constant 5 : i32
        %add3A_679 = arith.addi %add3A_463, %add3A_678 : i32
        %dma_start3A_680 = arith.constant 0 : i32
        %dma_start3A_681 = tpu.memref_slice %arg6[%add3A_679, %dma_start3A_680] : memref<50x128xi32, #tpu.memory_space<vmem>> -> memref<1x128xi32, #tpu.memory_space<vmem>>
        %dma_start3A_682 = tpu.memref_squeeze %dma_start3A_681 : memref<1x128xi32, #tpu.memory_space<vmem>> -> memref<128xi32, #tpu.memory_space<vmem>>
        %dma_start3A_683 = arith.constant 0 : i32
        %dma_start3A_684 = arith.constant 0 : i32
        %dma_start3A_685 = tpu.memref_slice %arg2[%dma_start3A_683, %dma_start3A_684] : memref<200000x64xf32, #tpu.memory_space<hbm>> -> memref<200000x64xf32, #tpu.memory_space<hbm>>
        tpu.enqueue_indirect_dma source(%dma_start3A_685 : memref<200000x64xf32, #tpu.memory_space<hbm>>) target(%arg9 : memref<128x64xf32, #tpu.memory_space<vmem>>) offsets(%dma_start3A_682 : memref<128xi32, #tpu.memory_space<vmem>>) semaphore(%arg19 : memref<!tpu.dma_semaphore, #tpu.memory_space<semaphore_mem>>)
      } else {
      }
      %add3A_497 = arith.addi %mul3A_32, %add3A_463 : i32
      %dma_start3A_498 = arith.constant 0 : i32
      %dma_start3A_499 = arith.constant 0 : i32
      %dma_start3A_500 = arith.constant 0 : i32
      %dma_start3A_501 = tpu.memref_slice %arg14[%dma_start3A_498, %dma_start3A_499, %dma_start3A_500] : memref<8x8x129xf32, #tpu.memory_space<vmem>> -> memref<8x8x128xf32, #tpu.memory_space<vmem>>
      %dma_start3A_502 = arith.constant 0 : i32
      %dma_start3A_503 = arith.constant 0 : i32
      %dma_start3A_504 = arith.constant 0 : i32
      %dma_start3A_505 = tpu.memref_slice %arg5[%add3A_497, %dma_start3A_502, %select_n3A_9, %dma_start3A_503, %dma_start3A_504] : memref<200x8x8x8x128xf32, #tpu.memory_space<hbm>> -> memref<1x8x1x8x128xf32, #tpu.memory_space<hbm>>
      %dma_start3A_506 = tpu.memref_squeeze %dma_start3A_505 : memref<1x8x1x8x128xf32, #tpu.memory_space<hbm>> -> memref<8x8x128xf32, #tpu.memory_space<hbm>>
      %dma_start3A_507 = arith.constant 0 : i32
      %dma_start3A_508 = arith.constant 0 : i32
      %dma_start3A_509 = arith.constant 0 : i32
      %dma_start3A_510 = tpu.memref_slice %arg5[%add3A_497, %dma_start3A_507, %select_n3A_9, %dma_start3A_508, %dma_start3A_509] : memref<200x8x8x8x128xf32, #tpu.memory_space<hbm>> -> memref<1x8x1x8x128xf32, #tpu.memory_space<hbm>>
      %dma_start3A_511 = tpu.memref_squeeze %dma_start3A_510 : memref<1x8x1x8x128xf32, #tpu.memory_space<hbm>> -> memref<8x8x128xf32, #tpu.memory_space<hbm>>
      %dma_start3A_512 = arith.constant 0 : i32
      %dma_start3A_513 = arith.constant 0 : i32
      %dma_start3A_514 = arith.constant 0 : i32
      %dma_start3A_515 = tpu.memref_slice %arg14[%dma_start3A_512, %dma_start3A_513, %dma_start3A_514] : memref<8x8x129xf32, #tpu.memory_space<vmem>> -> memref<8x8x128xf32, #tpu.memory_space<vmem>>
      tpu.enqueue_dma source(%dma_start3A_515 : memref<8x8x128xf32, #tpu.memory_space<vmem>>) target(%dma_start3A_511 : memref<8x8x128xf32, #tpu.memory_space<hbm>>) target_semaphore(%arg24 : memref<!tpu.dma_semaphore, #tpu.memory_space<semaphore_mem>>)
      %add3A_516 = arith.constant 2 : i32
      %add3A_517 = arith.addi %add3A_412, %add3A_516 : i32
      %dma_wait3A_518 = arith.constant 0 : i32
      %dma_wait3A_519 = tpu.memref_slice %arg6[%add3A_517, %dma_wait3A_518] : memref<50x128xi32, #tpu.memory_space<vmem>> -> memref<1x128xi32, #tpu.memory_space<vmem>>
      %dma_wait3A_520 = tpu.memref_squeeze %dma_wait3A_519 : memref<1x128xi32, #tpu.memory_space<vmem>> -> memref<128xi32, #tpu.memory_space<vmem>>
      %dma_wait3A_521 = arith.constant 0 : i32
      %dma_wait3A_522 = arith.constant 0 : i32
      %dma_wait3A_523 = tpu.memref_slice %arg2[%dma_wait3A_521, %dma_wait3A_522] : memref<200000x64xf32, #tpu.memory_space<hbm>> -> memref<200000x64xf32, #tpu.memory_space<hbm>>
      tpu.wait_indirect_dma semaphore(%arg20 : memref<!tpu.dma_semaphore, #tpu.memory_space<semaphore_mem>>) src(%dma_wait3A_523 : memref<200000x64xf32, #tpu.memory_space<hbm>>) dst(%arg10 : memref<128x64xf32, #tpu.memory_space<vmem>>)
      %ge3A_524 = arith.constant 5 : i32
      %ge3A_525 = arith.cmpi sge, %add3A_517, %ge3A_524 : i32
      %convert_element_type3A_526 = arith.extui %ge3A_525 : i1 to i32
      %cond3A_527 = arith.constant 0 : i32
      %cond3A_528 = arith.cmpi ne, %convert_element_type3A_526, %cond3A_527 : i32
      scf.if %cond3A_528 {
        %add3A_678 = arith.addi %mul3A_32, %add3A_517 : i32
        %dma_wait3A_679 = arith.constant 0 : i32
        %dma_wait3A_680 = arith.constant 0 : i32
        %dma_wait3A_681 = arith.constant 0 : i32
        %dma_wait3A_682 = tpu.memref_slice %arg15[%dma_wait3A_679, %dma_wait3A_680, %dma_wait3A_681] : memref<8x8x129xf32, #tpu.memory_space<vmem>> -> memref<8x8x128xf32, #tpu.memory_space<vmem>>
        %dma_wait3A_683 = arith.constant 0 : i32
        %dma_wait3A_684 = arith.constant 0 : i32
        %dma_wait3A_685 = arith.constant 0 : i32
        %dma_wait3A_686 = tpu.memref_slice %arg5[%add3A_678, %dma_wait3A_683, %select_n3A_9, %dma_wait3A_684, %dma_wait3A_685] : memref<200x8x8x8x128xf32, #tpu.memory_space<hbm>> -> memref<1x8x1x8x128xf32, #tpu.memory_space<hbm>>
        %dma_wait3A_687 = tpu.memref_squeeze %dma_wait3A_686 : memref<1x8x1x8x128xf32, #tpu.memory_space<hbm>> -> memref<8x8x128xf32, #tpu.memory_space<hbm>>
        %dma_wait3A_688 = arith.constant 0 : i32
        %dma_wait3A_689 = arith.constant 0 : i32
        %dma_wait3A_690 = arith.constant 0 : i32
        %dma_wait3A_691 = tpu.memref_slice %arg5[%add3A_678, %dma_wait3A_688, %select_n3A_9, %dma_wait3A_689, %dma_wait3A_690] : memref<200x8x8x8x128xf32, #tpu.memory_space<hbm>> -> memref<1x8x1x8x128xf32, #tpu.memory_space<hbm>>
        %dma_wait3A_692 = tpu.memref_squeeze %dma_wait3A_691 : memref<1x8x1x8x128xf32, #tpu.memory_space<hbm>> -> memref<8x8x128xf32, #tpu.memory_space<hbm>>
        %dma_wait3A_693 = arith.constant 0 : i32
        %dma_wait3A_694 = arith.constant 0 : i32
        %dma_wait3A_695 = arith.constant 0 : i32
        %dma_wait3A_696 = tpu.memref_slice %arg15[%dma_wait3A_693, %dma_wait3A_694, %dma_wait3A_695] : memref<8x8x129xf32, #tpu.memory_space<vmem>> -> memref<8x8x128xf32, #tpu.memory_space<vmem>>
        tpu.wait_dma2 semaphore(%arg25 : memref<!tpu.dma_semaphore, #tpu.memory_space<semaphore_mem>>) src(%dma_wait3A_696 : memref<8x8x128xf32, #tpu.memory_space<vmem>>) dst(%dma_wait3A_692 : memref<8x8x128xf32, #tpu.memory_space<hbm>>)
      } else {
      }
      %get3A_529 = arith.index_cast %add3A_517 : i32 to index
      %get3A_530 = arith.constant 0 : index
      %get3A_531 = tpu.vector_load %arg7[%get3A_529, %get3A_530] {strides = array<i32>} : memref<50x64xf32, #tpu.memory_space<vmem>>, vector<16xf32>,
      %get3A_532 = arith.index_cast %add3A_517 : i32 to index
      %get3A_533 = arith.constant 16 : index
      %get3A_534 = tpu.vector_load %arg7[%get3A_532, %get3A_533] {strides = array<i32>} : memref<50x64xf32, #tpu.memory_space<vmem>>, vector<16xf32>,
      %get3A_535 = arith.index_cast %add3A_517 : i32 to index
      %get3A_536 = arith.constant 32 : index
      %get3A_537 = tpu.vector_load %arg7[%get3A_535, %get3A_536] {strides = array<i32>} : memref<50x64xf32, #tpu.memory_space<vmem>>, vector<16xf32>,
      %get3A_538 = arith.index_cast %add3A_517 : i32 to index
      %get3A_539 = arith.constant 48 : index
      %get3A_540 = tpu.vector_load %arg7[%get3A_538, %get3A_539] {strides = array<i32>} : memref<50x64xf32, #tpu.memory_space<vmem>>, vector<16xf32>,
      %parallel_loop3A_541 = arith.constant 0 : i32
      %parallel_loop3A_542 = arith.constant 128 : i32
      %parallel_loop3A_543 = arith.constant 1 : i32
      scf.for %parallel_loop3A_678 = %parallel_loop3A_541 to %parallel_loop3A_542 step %parallel_loop3A_543  : i32 {
        %parallel_loop3A_679 = vector.broadcast %parallel_loop3A_678 : i32 to vector<16xi32>
        %parallel_loop3A_680 = arith.index_cast %parallel_loop3A_678 : i32 to index
        %parallel_loop3A_681 = arith.constant 0 : index
        %parallel_loop3A_682 = tpu.vector_load %arg10[%parallel_loop3A_680, %parallel_loop3A_681] {strides = array<i32>} : memref<128x64xf32, #tpu.memory_space<vmem>>, vector<16xf32>,
        %parallel_loop3A_683 = arith.addf %parallel_loop3A_682, %get3A_531 : vector<16xf32>
        tpu.vector_store_idx %arg15[%select_n3A_68, %select_n3A_195, %parallel_loop3A_679], %parallel_loop3A_683 : memref<8x8x129xf32, #tpu.memory_space<vmem>>[vector<16xi32>, vector<16xi32>, vector<16xi32>], vector<16xf32>,
        %parallel_loop3A_684 = arith.index_cast %parallel_loop3A_678 : i32 to index
        %parallel_loop3A_685 = arith.constant 16 : index
        %parallel_loop3A_686 = tpu.vector_load %arg10[%parallel_loop3A_684, %parallel_loop3A_685] {strides = array<i32>} : memref<128x64xf32, #tpu.memory_space<vmem>>, vector<16xf32>,
        %parallel_loop3A_687 = arith.addf %parallel_loop3A_686, %get3A_534 : vector<16xf32>
        tpu.vector_store_idx %arg15[%select_n3A_102, %select_n3A_220, %parallel_loop3A_679], %parallel_loop3A_687 : memref<8x8x129xf32, #tpu.memory_space<vmem>>[vector<16xi32>, vector<16xi32>, vector<16xi32>], vector<16xf32>,
        %parallel_loop3A_688 = arith.index_cast %parallel_loop3A_678 : i32 to index
        %parallel_loop3A_689 = arith.constant 32 : index
        %parallel_loop3A_690 = tpu.vector_load %arg10[%parallel_loop3A_688, %parallel_loop3A_689] {strides = array<i32>} : memref<128x64xf32, #tpu.memory_space<vmem>>, vector<16xf32>,
        %parallel_loop3A_691 = arith.addf %parallel_loop3A_690, %get3A_537 : vector<16xf32>
        tpu.vector_store_idx %arg15[%select_n3A_136, %select_n3A_245, %parallel_loop3A_679], %parallel_loop3A_691 : memref<8x8x129xf32, #tpu.memory_space<vmem>>[vector<16xi32>, vector<16xi32>, vector<16xi32>], vector<16xf32>,
        %parallel_loop3A_692 = arith.index_cast %parallel_loop3A_678 : i32 to index
        %parallel_loop3A_693 = arith.constant 48 : index
        %parallel_loop3A_694 = tpu.vector_load %arg10[%parallel_loop3A_692, %parallel_loop3A_693] {strides = array<i32>} : memref<128x64xf32, #tpu.memory_space<vmem>>, vector<16xf32>,
        %parallel_loop3A_695 = arith.addf %parallel_loop3A_694, %get3A_540 : vector<16xf32>
        tpu.vector_store_idx %arg15[%select_n3A_170, %select_n3A_270, %parallel_loop3A_679], %parallel_loop3A_695 : memref<8x8x129xf32, #tpu.memory_space<vmem>>[vector<16xi32>, vector<16xi32>, vector<16xi32>], vector<16xf32>,
      } {sc.loop_unroll_factor = 4 : i64, sc.parallel_access}
      %add3A_544 = arith.constant 5 : i32
      %add3A_545 = arith.addi %add3A_517, %add3A_544 : i32
      %lt3A_546 = arith.constant 50 : i32
      %lt3A_547 = arith.cmpi slt, %add3A_545, %lt3A_546 : i32
      %convert_element_type3A_548 = arith.extui %lt3A_547 : i1 to i32
      %cond3A_549 = arith.constant 0 : i32
      %cond3A_550 = arith.cmpi ne, %convert_element_type3A_548, %cond3A_549 : i32
      scf.if %cond3A_550 {
        %add3A_678 = arith.constant 5 : i32
        %add3A_679 = arith.addi %add3A_517, %add3A_678 : i32
        %dma_start3A_680 = arith.constant 0 : i32
        %dma_start3A_681 = tpu.memref_slice %arg6[%add3A_679, %dma_start3A_680] : memref<50x128xi32, #tpu.memory_space<vmem>> -> memref<1x128xi32, #tpu.memory_space<vmem>>
        %dma_start3A_682 = tpu.memref_squeeze %dma_start3A_681 : memref<1x128xi32, #tpu.memory_space<vmem>> -> memref<128xi32, #tpu.memory_space<vmem>>
        %dma_start3A_683 = arith.constant 0 : i32
        %dma_start3A_684 = arith.constant 0 : i32
        %dma_start3A_685 = tpu.memref_slice %arg2[%dma_start3A_683, %dma_start3A_684] : memref<200000x64xf32, #tpu.memory_space<hbm>> -> memref<200000x64xf32, #tpu.memory_space<hbm>>
        tpu.enqueue_indirect_dma source(%dma_start3A_685 : memref<200000x64xf32, #tpu.memory_space<hbm>>) target(%arg10 : memref<128x64xf32, #tpu.memory_space<vmem>>) offsets(%dma_start3A_682 : memref<128xi32, #tpu.memory_space<vmem>>) semaphore(%arg20 : memref<!tpu.dma_semaphore, #tpu.memory_space<semaphore_mem>>)
      } else {
      }
      %add3A_551 = arith.addi %mul3A_32, %add3A_517 : i32
      %dma_start3A_552 = arith.constant 0 : i32
      %dma_start3A_553 = arith.constant 0 : i32
      %dma_start3A_554 = arith.constant 0 : i32
      %dma_start3A_555 = tpu.memref_slice %arg15[%dma_start3A_552, %dma_start3A_553, %dma_start3A_554] : memref<8x8x129xf32, #tpu.memory_space<vmem>> -> memref<8x8x128xf32, #tpu.memory_space<vmem>>
      %dma_start3A_556 = arith.constant 0 : i32
      %dma_start3A_557 = arith.constant 0 : i32
      %dma_start3A_558 = arith.constant 0 : i32
      %dma_start3A_559 = tpu.memref_slice %arg5[%add3A_551, %dma_start3A_556, %select_n3A_9, %dma_start3A_557, %dma_start3A_558] : memref<200x8x8x8x128xf32, #tpu.memory_space<hbm>> -> memref<1x8x1x8x128xf32, #tpu.memory_space<hbm>>
      %dma_start3A_560 = tpu.memref_squeeze %dma_start3A_559 : memref<1x8x1x8x128xf32, #tpu.memory_space<hbm>> -> memref<8x8x128xf32, #tpu.memory_space<hbm>>
      %dma_start3A_561 = arith.constant 0 : i32
      %dma_start3A_562 = arith.constant 0 : i32
      %dma_start3A_563 = arith.constant 0 : i32
      %dma_start3A_564 = tpu.memref_slice %arg5[%add3A_551, %dma_start3A_561, %select_n3A_9, %dma_start3A_562, %dma_start3A_563] : memref<200x8x8x8x128xf32, #tpu.memory_space<hbm>> -> memref<1x8x1x8x128xf32, #tpu.memory_space<hbm>>
      %dma_start3A_565 = tpu.memref_squeeze %dma_start3A_564 : memref<1x8x1x8x128xf32, #tpu.memory_space<hbm>> -> memref<8x8x128xf32, #tpu.memory_space<hbm>>
      %dma_start3A_566 = arith.constant 0 : i32
      %dma_start3A_567 = arith.constant 0 : i32
      %dma_start3A_568 = arith.constant 0 : i32
      %dma_start3A_569 = tpu.memref_slice %arg15[%dma_start3A_566, %dma_start3A_567, %dma_start3A_568] : memref<8x8x129xf32, #tpu.memory_space<vmem>> -> memref<8x8x128xf32, #tpu.memory_space<vmem>>
      tpu.enqueue_dma source(%dma_start3A_569 : memref<8x8x128xf32, #tpu.memory_space<vmem>>) target(%dma_start3A_565 : memref<8x8x128xf32, #tpu.memory_space<hbm>>) target_semaphore(%arg25 : memref<!tpu.dma_semaphore, #tpu.memory_space<semaphore_mem>>)
      %add3A_570 = arith.constant 3 : i32
      %add3A_571 = arith.addi %add3A_412, %add3A_570 : i32
      %dma_wait3A_572 = arith.constant 0 : i32
      %dma_wait3A_573 = tpu.memref_slice %arg6[%add3A_571, %dma_wait3A_572] : memref<50x128xi32, #tpu.memory_space<vmem>> -> memref<1x128xi32, #tpu.memory_space<vmem>>
      %dma_wait3A_574 = tpu.memref_squeeze %dma_wait3A_573 : memref<1x128xi32, #tpu.memory_space<vmem>> -> memref<128xi32, #tpu.memory_space<vmem>>
      %dma_wait3A_575 = arith.constant 0 : i32
      %dma_wait3A_576 = arith.constant 0 : i32
      %dma_wait3A_577 = tpu.memref_slice %arg2[%dma_wait3A_575, %dma_wait3A_576] : memref<200000x64xf32, #tpu.memory_space<hbm>> -> memref<200000x64xf32, #tpu.memory_space<hbm>>
      tpu.wait_indirect_dma semaphore(%arg21 : memref<!tpu.dma_semaphore, #tpu.memory_space<semaphore_mem>>) src(%dma_wait3A_577 : memref<200000x64xf32, #tpu.memory_space<hbm>>) dst(%arg11 : memref<128x64xf32, #tpu.memory_space<vmem>>)
      %ge3A_578 = arith.constant 5 : i32
      %ge3A_579 = arith.cmpi sge, %add3A_571, %ge3A_578 : i32
      %convert_element_type3A_580 = arith.extui %ge3A_579 : i1 to i32
      %cond3A_581 = arith.constant 0 : i32
      %cond3A_582 = arith.cmpi ne, %convert_element_type3A_580, %cond3A_581 : i32
      scf.if %cond3A_582 {
        %add3A_678 = arith.addi %mul3A_32, %add3A_571 : i32
        %dma_wait3A_679 = arith.constant 0 : i32
        %dma_wait3A_680 = arith.constant 0 : i32
        %dma_wait3A_681 = arith.constant 0 : i32
        %dma_wait3A_682 = tpu.memref_slice %arg16[%dma_wait3A_679, %dma_wait3A_680, %dma_wait3A_681] : memref<8x8x129xf32, #tpu.memory_space<vmem>> -> memref<8x8x128xf32, #tpu.memory_space<vmem>>
        %dma_wait3A_683 = arith.constant 0 : i32
        %dma_wait3A_684 = arith.constant 0 : i32
        %dma_wait3A_685 = arith.constant 0 : i32
        %dma_wait3A_686 = tpu.memref_slice %arg5[%add3A_678, %dma_wait3A_683, %select_n3A_9, %dma_wait3A_684, %dma_wait3A_685] : memref<200x8x8x8x128xf32, #tpu.memory_space<hbm>> -> memref<1x8x1x8x128xf32, #tpu.memory_space<hbm>>
        %dma_wait3A_687 = tpu.memref_squeeze %dma_wait3A_686 : memref<1x8x1x8x128xf32, #tpu.memory_space<hbm>> -> memref<8x8x128xf32, #tpu.memory_space<hbm>>
        %dma_wait3A_688 = arith.constant 0 : i32
        %dma_wait3A_689 = arith.constant 0 : i32
        %dma_wait3A_690 = arith.constant 0 : i32
        %dma_wait3A_691 = tpu.memref_slice %arg5[%add3A_678, %dma_wait3A_688, %select_n3A_9, %dma_wait3A_689, %dma_wait3A_690] : memref<200x8x8x8x128xf32, #tpu.memory_space<hbm>> -> memref<1x8x1x8x128xf32, #tpu.memory_space<hbm>>
        %dma_wait3A_692 = tpu.memref_squeeze %dma_wait3A_691 : memref<1x8x1x8x128xf32, #tpu.memory_space<hbm>> -> memref<8x8x128xf32, #tpu.memory_space<hbm>>
        %dma_wait3A_693 = arith.constant 0 : i32
        %dma_wait3A_694 = arith.constant 0 : i32
        %dma_wait3A_695 = arith.constant 0 : i32
        %dma_wait3A_696 = tpu.memref_slice %arg16[%dma_wait3A_693, %dma_wait3A_694, %dma_wait3A_695] : memref<8x8x129xf32, #tpu.memory_space<vmem>> -> memref<8x8x128xf32, #tpu.memory_space<vmem>>
        tpu.wait_dma2 semaphore(%arg26 : memref<!tpu.dma_semaphore, #tpu.memory_space<semaphore_mem>>) src(%dma_wait3A_696 : memref<8x8x128xf32, #tpu.memory_space<vmem>>) dst(%dma_wait3A_692 : memref<8x8x128xf32, #tpu.memory_space<hbm>>)
      } else {
      }
      %get3A_583 = arith.index_cast %add3A_571 : i32 to index
      %get3A_584 = arith.constant 0 : index
      %get3A_585 = tpu.vector_load %arg7[%get3A_583, %get3A_584] {strides = array<i32>} : memref<50x64xf32, #tpu.memory_space<vmem>>, vector<16xf32>,
      %get3A_586 = arith.index_cast %add3A_571 : i32 to index
      %get3A_587 = arith.constant 16 : index
      %get3A_588 = tpu.vector_load %arg7[%get3A_586, %get3A_587] {strides = array<i32>} : memref<50x64xf32, #tpu.memory_space<vmem>>, vector<16xf32>,
      %get3A_589 = arith.index_cast %add3A_571 : i32 to index
      %get3A_590 = arith.constant 32 : index
      %get3A_591 = tpu.vector_load %arg7[%get3A_589, %get3A_590] {strides = array<i32>} : memref<50x64xf32, #tpu.memory_space<vmem>>, vector<16xf32>,
      %get3A_592 = arith.index_cast %add3A_571 : i32 to index
      %get3A_593 = arith.constant 48 : index
      %get3A_594 = tpu.vector_load %arg7[%get3A_592, %get3A_593] {strides = array<i32>} : memref<50x64xf32, #tpu.memory_space<vmem>>, vector<16xf32>,
      %parallel_loop3A_595 = arith.constant 0 : i32
      %parallel_loop3A_596 = arith.constant 128 : i32
      %parallel_loop3A_597 = arith.constant 1 : i32
      scf.for %parallel_loop3A_678 = %parallel_loop3A_595 to %parallel_loop3A_596 step %parallel_loop3A_597  : i32 {
        %parallel_loop3A_679 = vector.broadcast %parallel_loop3A_678 : i32 to vector<16xi32>
        %parallel_loop3A_680 = arith.index_cast %parallel_loop3A_678 : i32 to index
        %parallel_loop3A_681 = arith.constant 0 : index
        %parallel_loop3A_682 = tpu.vector_load %arg11[%parallel_loop3A_680, %parallel_loop3A_681] {strides = array<i32>} : memref<128x64xf32, #tpu.memory_space<vmem>>, vector<16xf32>,
        %parallel_loop3A_683 = arith.addf %parallel_loop3A_682, %get3A_585 : vector<16xf32>
        tpu.vector_store_idx %arg16[%select_n3A_68, %select_n3A_195, %parallel_loop3A_679], %parallel_loop3A_683 : memref<8x8x129xf32, #tpu.memory_space<vmem>>[vector<16xi32>, vector<16xi32>, vector<16xi32>], vector<16xf32>,
        %parallel_loop3A_684 = arith.index_cast %parallel_loop3A_678 : i32 to index
        %parallel_loop3A_685 = arith.constant 16 : index
        %parallel_loop3A_686 = tpu.vector_load %arg11[%parallel_loop3A_684, %parallel_loop3A_685] {strides = array<i32>} : memref<128x64xf32, #tpu.memory_space<vmem>>, vector<16xf32>,
        %parallel_loop3A_687 = arith.addf %parallel_loop3A_686, %get3A_588 : vector<16xf32>
        tpu.vector_store_idx %arg16[%select_n3A_102, %select_n3A_220, %parallel_loop3A_679], %parallel_loop3A_687 : memref<8x8x129xf32, #tpu.memory_space<vmem>>[vector<16xi32>, vector<16xi32>, vector<16xi32>], vector<16xf32>,
        %parallel_loop3A_688 = arith.index_cast %parallel_loop3A_678 : i32 to index
        %parallel_loop3A_689 = arith.constant 32 : index
        %parallel_loop3A_690 = tpu.vector_load %arg11[%parallel_loop3A_688, %parallel_loop3A_689] {strides = array<i32>} : memref<128x64xf32, #tpu.memory_space<vmem>>, vector<16xf32>,
        %parallel_loop3A_691 = arith.addf %parallel_loop3A_690, %get3A_591 : vector<16xf32>
        tpu.vector_store_idx %arg16[%select_n3A_136, %select_n3A_245, %parallel_loop3A_679], %parallel_loop3A_691 : memref<8x8x129xf32, #tpu.memory_space<vmem>>[vector<16xi32>, vector<16xi32>, vector<16xi32>], vector<16xf32>,
        %parallel_loop3A_692 = arith.index_cast %parallel_loop3A_678 : i32 to index
        %parallel_loop3A_693 = arith.constant 48 : index
        %parallel_loop3A_694 = tpu.vector_load %arg11[%parallel_loop3A_692, %parallel_loop3A_693] {strides = array<i32>} : memref<128x64xf32, #tpu.memory_space<vmem>>, vector<16xf32>,
        %parallel_loop3A_695 = arith.addf %parallel_loop3A_694, %get3A_594 : vector<16xf32>
        tpu.vector_store_idx %arg16[%select_n3A_170, %select_n3A_270, %parallel_loop3A_679], %parallel_loop3A_695 : memref<8x8x129xf32, #tpu.memory_space<vmem>>[vector<16xi32>, vector<16xi32>, vector<16xi32>], vector<16xf32>,
      } {sc.loop_unroll_factor = 4 : i64, sc.parallel_access}
      %add3A_598 = arith.constant 5 : i32
      %add3A_599 = arith.addi %add3A_571, %add3A_598 : i32
      %lt3A_600 = arith.constant 50 : i32
      %lt3A_601 = arith.cmpi slt, %add3A_599, %lt3A_600 : i32
      %convert_element_type3A_602 = arith.extui %lt3A_601 : i1 to i32
      %cond3A_603 = arith.constant 0 : i32
      %cond3A_604 = arith.cmpi ne, %convert_element_type3A_602, %cond3A_603 : i32
      scf.if %cond3A_604 {
        %add3A_678 = arith.constant 5 : i32
        %add3A_679 = arith.addi %add3A_571, %add3A_678 : i32
        %dma_start3A_680 = arith.constant 0 : i32
        %dma_start3A_681 = tpu.memref_slice %arg6[%add3A_679, %dma_start3A_680] : memref<50x128xi32, #tpu.memory_space<vmem>> -> memref<1x128xi32, #tpu.memory_space<vmem>>
        %dma_start3A_682 = tpu.memref_squeeze %dma_start3A_681 : memref<1x128xi32, #tpu.memory_space<vmem>> -> memref<128xi32, #tpu.memory_space<vmem>>
        %dma_start3A_683 = arith.constant 0 : i32
        %dma_start3A_684 = arith.constant 0 : i32
        %dma_start3A_685 = tpu.memref_slice %arg2[%dma_start3A_683, %dma_start3A_684] : memref<200000x64xf32, #tpu.memory_space<hbm>> -> memref<200000x64xf32, #tpu.memory_space<hbm>>
        tpu.enqueue_indirect_dma source(%dma_start3A_685 : memref<200000x64xf32, #tpu.memory_space<hbm>>) target(%arg11 : memref<128x64xf32, #tpu.memory_space<vmem>>) offsets(%dma_start3A_682 : memref<128xi32, #tpu.memory_space<vmem>>) semaphore(%arg21 : memref<!tpu.dma_semaphore, #tpu.memory_space<semaphore_mem>>)
      } else {
      }
      %add3A_605 = arith.addi %mul3A_32, %add3A_571 : i32
      %dma_start3A_606 = arith.constant 0 : i32
      %dma_start3A_607 = arith.constant 0 : i32
      %dma_start3A_608 = arith.constant 0 : i32
      %dma_start3A_609 = tpu.memref_slice %arg16[%dma_start3A_606, %dma_start3A_607, %dma_start3A_608] : memref<8x8x129xf32, #tpu.memory_space<vmem>> -> memref<8x8x128xf32, #tpu.memory_space<vmem>>
      %dma_start3A_610 = arith.constant 0 : i32
      %dma_start3A_611 = arith.constant 0 : i32
      %dma_start3A_612 = arith.constant 0 : i32
      %dma_start3A_613 = tpu.memref_slice %arg5[%add3A_605, %dma_start3A_610, %select_n3A_9, %dma_start3A_611, %dma_start3A_612] : memref<200x8x8x8x128xf32, #tpu.memory_space<hbm>> -> memref<1x8x1x8x128xf32, #tpu.memory_space<hbm>>
      %dma_start3A_614 = tpu.memref_squeeze %dma_start3A_613 : memref<1x8x1x8x128xf32, #tpu.memory_space<hbm>> -> memref<8x8x128xf32, #tpu.memory_space<hbm>>
      %dma_start3A_615 = arith.constant 0 : i32
      %dma_start3A_616 = arith.constant 0 : i32
      %dma_start3A_617 = arith.constant 0 : i32
      %dma_start3A_618 = tpu.memref_slice %arg5[%add3A_605, %dma_start3A_615, %select_n3A_9, %dma_start3A_616, %dma_start3A_617] : memref<200x8x8x8x128xf32, #tpu.memory_space<hbm>> -> memref<1x8x1x8x128xf32, #tpu.memory_space<hbm>>
      %dma_start3A_619 = tpu.memref_squeeze %dma_start3A_618 : memref<1x8x1x8x128xf32, #tpu.memory_space<hbm>> -> memref<8x8x128xf32, #tpu.memory_space<hbm>>
      %dma_start3A_620 = arith.constant 0 : i32
      %dma_start3A_621 = arith.constant 0 : i32
      %dma_start3A_622 = arith.constant 0 : i32
      %dma_start3A_623 = tpu.memref_slice %arg16[%dma_start3A_620, %dma_start3A_621, %dma_start3A_622] : memref<8x8x129xf32, #tpu.memory_space<vmem>> -> memref<8x8x128xf32, #tpu.memory_space<vmem>>
      tpu.enqueue_dma source(%dma_start3A_623 : memref<8x8x128xf32, #tpu.memory_space<vmem>>) target(%dma_start3A_619 : memref<8x8x128xf32, #tpu.memory_space<hbm>>) target_semaphore(%arg26 : memref<!tpu.dma_semaphore, #tpu.memory_space<semaphore_mem>>)
      %add3A_624 = arith.constant 4 : i32
      %add3A_625 = arith.addi %add3A_412, %add3A_624 : i32
      %dma_wait3A_626 = arith.constant 0 : i32
      %dma_wait3A_627 = tpu.memref_slice %arg6[%add3A_625, %dma_wait3A_626] : memref<50x128xi32, #tpu.memory_space<vmem>> -> memref<1x128xi32, #tpu.memory_space<vmem>>
      %dma_wait3A_628 = tpu.memref_squeeze %dma_wait3A_627 : memref<1x128xi32, #tpu.memory_space<vmem>> -> memref<128xi32, #tpu.memory_space<vmem>>
      %dma_wait3A_629 = arith.constant 0 : i32
      %dma_wait3A_630 = arith.constant 0 : i32
      %dma_wait3A_631 = tpu.memref_slice %arg2[%dma_wait3A_629, %dma_wait3A_630] : memref<200000x64xf32, #tpu.memory_space<hbm>> -> memref<200000x64xf32, #tpu.memory_space<hbm>>
      tpu.wait_indirect_dma semaphore(%arg22 : memref<!tpu.dma_semaphore, #tpu.memory_space<semaphore_mem>>) src(%dma_wait3A_631 : memref<200000x64xf32, #tpu.memory_space<hbm>>) dst(%arg12 : memref<128x64xf32, #tpu.memory_space<vmem>>)
      %ge3A_632 = arith.constant 5 : i32
      %ge3A_633 = arith.cmpi sge, %add3A_625, %ge3A_632 : i32
      %convert_element_type3A_634 = arith.extui %ge3A_633 : i1 to i32
      %cond3A_635 = arith.constant 0 : i32
      %cond3A_636 = arith.cmpi ne, %convert_element_type3A_634, %cond3A_635 : i32
      scf.if %cond3A_636 {
        %add3A_678 = arith.addi %mul3A_32, %add3A_625 : i32
        %dma_wait3A_679 = arith.constant 0 : i32
        %dma_wait3A_680 = arith.constant 0 : i32
        %dma_wait3A_681 = arith.constant 0 : i32
        %dma_wait3A_682 = tpu.memref_slice %arg17[%dma_wait3A_679, %dma_wait3A_680, %dma_wait3A_681] : memref<8x8x129xf32, #tpu.memory_space<vmem>> -> memref<8x8x128xf32, #tpu.memory_space<vmem>>
        %dma_wait3A_683 = arith.constant 0 : i32
        %dma_wait3A_684 = arith.constant 0 : i32
        %dma_wait3A_685 = arith.constant 0 : i32
        %dma_wait3A_686 = tpu.memref_slice %arg5[%add3A_678, %dma_wait3A_683, %select_n3A_9, %dma_wait3A_684, %dma_wait3A_685] : memref<200x8x8x8x128xf32, #tpu.memory_space<hbm>> -> memref<1x8x1x8x128xf32, #tpu.memory_space<hbm>>
        %dma_wait3A_687 = tpu.memref_squeeze %dma_wait3A_686 : memref<1x8x1x8x128xf32, #tpu.memory_space<hbm>> -> memref<8x8x128xf32, #tpu.memory_space<hbm>>
        %dma_wait3A_688 = arith.constant 0 : i32
        %dma_wait3A_689 = arith.constant 0 : i32
        %dma_wait3A_690 = arith.constant 0 : i32
        %dma_wait3A_691 = tpu.memref_slice %arg5[%add3A_678, %dma_wait3A_688, %select_n3A_9, %dma_wait3A_689, %dma_wait3A_690] : memref<200x8x8x8x128xf32, #tpu.memory_space<hbm>> -> memref<1x8x1x8x128xf32, #tpu.memory_space<hbm>>
        %dma_wait3A_692 = tpu.memref_squeeze %dma_wait3A_691 : memref<1x8x1x8x128xf32, #tpu.memory_space<hbm>> -> memref<8x8x128xf32, #tpu.memory_space<hbm>>
        %dma_wait3A_693 = arith.constant 0 : i32
        %dma_wait3A_694 = arith.constant 0 : i32
        %dma_wait3A_695 = arith.constant 0 : i32
        %dma_wait3A_696 = tpu.memref_slice %arg17[%dma_wait3A_693, %dma_wait3A_694, %dma_wait3A_695] : memref<8x8x129xf32, #tpu.memory_space<vmem>> -> memref<8x8x128xf32, #tpu.memory_space<vmem>>
        tpu.wait_dma2 semaphore(%arg27 : memref<!tpu.dma_semaphore, #tpu.memory_space<semaphore_mem>>) src(%dma_wait3A_696 : memref<8x8x128xf32, #tpu.memory_space<vmem>>) dst(%dma_wait3A_692 : memref<8x8x128xf32, #tpu.memory_space<hbm>>)
      } else {
      }
      %get3A_637 = arith.index_cast %add3A_625 : i32 to index
      %get3A_638 = arith.constant 0 : index
      %get3A_639 = tpu.vector_load %arg7[%get3A_637, %get3A_638] {strides = array<i32>} : memref<50x64xf32, #tpu.memory_space<vmem>>, vector<16xf32>,
      %get3A_640 = arith.index_cast %add3A_625 : i32 to index
      %get3A_641 = arith.constant 16 : index
      %get3A_642 = tpu.vector_load %arg7[%get3A_640, %get3A_641] {strides = array<i32>} : memref<50x64xf32, #tpu.memory_space<vmem>>, vector<16xf32>,
      %get3A_643 = arith.index_cast %add3A_625 : i32 to index
      %get3A_644 = arith.constant 32 : index
      %get3A_645 = tpu.vector_load %arg7[%get3A_643, %get3A_644] {strides = array<i32>} : memref<50x64xf32, #tpu.memory_space<vmem>>, vector<16xf32>,
      %get3A_646 = arith.index_cast %add3A_625 : i32 to index
      %get3A_647 = arith.constant 48 : index
      %get3A_648 = tpu.vector_load %arg7[%get3A_646, %get3A_647] {strides = array<i32>} : memref<50x64xf32, #tpu.memory_space<vmem>>, vector<16xf32>,
      %parallel_loop3A_649 = arith.constant 0 : i32
      %parallel_loop3A_650 = arith.constant 128 : i32
      %parallel_loop3A_651 = arith.constant 1 : i32
      scf.for %parallel_loop3A_678 = %parallel_loop3A_649 to %parallel_loop3A_650 step %parallel_loop3A_651  : i32 {
        %parallel_loop3A_679 = vector.broadcast %parallel_loop3A_678 : i32 to vector<16xi32>
        %parallel_loop3A_680 = arith.index_cast %parallel_loop3A_678 : i32 to index
        %parallel_loop3A_681 = arith.constant 0 : index
        %parallel_loop3A_682 = tpu.vector_load %arg12[%parallel_loop3A_680, %parallel_loop3A_681] {strides = array<i32>} : memref<128x64xf32, #tpu.memory_space<vmem>>, vector<16xf32>,
        %parallel_loop3A_683 = arith.addf %parallel_loop3A_682, %get3A_639 : vector<16xf32>
        tpu.vector_store_idx %arg17[%select_n3A_68, %select_n3A_195, %parallel_loop3A_679], %parallel_loop3A_683 : memref<8x8x129xf32, #tpu.memory_space<vmem>>[vector<16xi32>, vector<16xi32>, vector<16xi32>], vector<16xf32>,
        %parallel_loop3A_684 = arith.index_cast %parallel_loop3A_678 : i32 to index
        %parallel_loop3A_685 = arith.constant 16 : index
        %parallel_loop3A_686 = tpu.vector_load %arg12[%parallel_loop3A_684, %parallel_loop3A_685] {strides = array<i32>} : memref<128x64xf32, #tpu.memory_space<vmem>>, vector<16xf32>,
        %parallel_loop3A_687 = arith.addf %parallel_loop3A_686, %get3A_642 : vector<16xf32>
        tpu.vector_store_idx %arg17[%select_n3A_102, %select_n3A_220, %parallel_loop3A_679], %parallel_loop3A_687 : memref<8x8x129xf32, #tpu.memory_space<vmem>>[vector<16xi32>, vector<16xi32>, vector<16xi32>], vector<16xf32>,
        %parallel_loop3A_688 = arith.index_cast %parallel_loop3A_678 : i32 to index
        %parallel_loop3A_689 = arith.constant 32 : index
        %parallel_loop3A_690 = tpu.vector_load %arg12[%parallel_loop3A_688, %parallel_loop3A_689] {strides = array<i32>} : memref<128x64xf32, #tpu.memory_space<vmem>>, vector<16xf32>,
        %parallel_loop3A_691 = arith.addf %parallel_loop3A_690, %get3A_645 : vector<16xf32>
        tpu.vector_store_idx %arg17[%select_n3A_136, %select_n3A_245, %parallel_loop3A_679], %parallel_loop3A_691 : memref<8x8x129xf32, #tpu.memory_space<vmem>>[vector<16xi32>, vector<16xi32>, vector<16xi32>], vector<16xf32>,
        %parallel_loop3A_692 = arith.index_cast %parallel_loop3A_678 : i32 to index
        %parallel_loop3A_693 = arith.constant 48 : index
        %parallel_loop3A_694 = tpu.vector_load %arg12[%parallel_loop3A_692, %parallel_loop3A_693] {strides = array<i32>} : memref<128x64xf32, #tpu.memory_space<vmem>>, vector<16xf32>,
        %parallel_loop3A_695 = arith.addf %parallel_loop3A_694, %get3A_648 : vector<16xf32>
        tpu.vector_store_idx %arg17[%select_n3A_170, %select_n3A_270, %parallel_loop3A_679], %parallel_loop3A_695 : memref<8x8x129xf32, #tpu.memory_space<vmem>>[vector<16xi32>, vector<16xi32>, vector<16xi32>], vector<16xf32>,
      } {sc.loop_unroll_factor = 4 : i64, sc.parallel_access}
      %add3A_652 = arith.constant 5 : i32
      %add3A_653 = arith.addi %add3A_625, %add3A_652 : i32
      %lt3A_654 = arith.constant 50 : i32
      %lt3A_655 = arith.cmpi slt, %add3A_653, %lt3A_654 : i32
      %convert_element_type3A_656 = arith.extui %lt3A_655 : i1 to i32
      %cond3A_657 = arith.constant 0 : i32
      %cond3A_658 = arith.cmpi ne, %convert_element_type3A_656, %cond3A_657 : i32
      scf.if %cond3A_658 {
        %add3A_678 = arith.constant 5 : i32
        %add3A_679 = arith.addi %add3A_625, %add3A_678 : i32
        %dma_start3A_680 = arith.constant 0 : i32
        %dma_start3A_681 = tpu.memref_slice %arg6[%add3A_679, %dma_start3A_680] : memref<50x128xi32, #tpu.memory_space<vmem>> -> memref<1x128xi32, #tpu.memory_space<vmem>>
        %dma_start3A_682 = tpu.memref_squeeze %dma_start3A_681 : memref<1x128xi32, #tpu.memory_space<vmem>> -> memref<128xi32, #tpu.memory_space<vmem>>
        %dma_start3A_683 = arith.constant 0 : i32
        %dma_start3A_684 = arith.constant 0 : i32
        %dma_start3A_685 = tpu.memref_slice %arg2[%dma_start3A_683, %dma_start3A_684] : memref<200000x64xf32, #tpu.memory_space<hbm>> -> memref<200000x64xf32, #tpu.memory_space<hbm>>
        tpu.enqueue_indirect_dma source(%dma_start3A_685 : memref<200000x64xf32, #tpu.memory_space<hbm>>) target(%arg12 : memref<128x64xf32, #tpu.memory_space<vmem>>) offsets(%dma_start3A_682 : memref<128xi32, #tpu.memory_space<vmem>>) semaphore(%arg22 : memref<!tpu.dma_semaphore, #tpu.memory_space<semaphore_mem>>)
      } else {
      }
      %add3A_659 = arith.addi %mul3A_32, %add3A_625 : i32
      %dma_start3A_660 = arith.constant 0 : i32
      %dma_start3A_661 = arith.constant 0 : i32
      %dma_start3A_662 = arith.constant 0 : i32
      %dma_start3A_663 = tpu.memref_slice %arg17[%dma_start3A_660, %dma_start3A_661, %dma_start3A_662] : memref<8x8x129xf32, #tpu.memory_space<vmem>> -> memref<8x8x128xf32, #tpu.memory_space<vmem>>
      %dma_start3A_664 = arith.constant 0 : i32
      %dma_start3A_665 = arith.constant 0 : i32
      %dma_start3A_666 = arith.constant 0 : i32
      %dma_start3A_667 = tpu.memref_slice %arg5[%add3A_659, %dma_start3A_664, %select_n3A_9, %dma_start3A_665, %dma_start3A_666] : memref<200x8x8x8x128xf32, #tpu.memory_space<hbm>> -> memref<1x8x1x8x128xf32, #tpu.memory_space<hbm>>
      %dma_start3A_668 = tpu.memref_squeeze %dma_start3A_667 : memref<1x8x1x8x128xf32, #tpu.memory_space<hbm>> -> memref<8x8x128xf32, #tpu.memory_space<hbm>>
      %dma_start3A_669 = arith.constant 0 : i32
      %dma_start3A_670 = arith.constant 0 : i32
      %dma_start3A_671 = arith.constant 0 : i32
      %dma_start3A_672 = tpu.memref_slice %arg5[%add3A_659, %dma_start3A_669, %select_n3A_9, %dma_start3A_670, %dma_start3A_671] : memref<200x8x8x8x128xf32, #tpu.memory_space<hbm>> -> memref<1x8x1x8x128xf32, #tpu.memory_space<hbm>>
      %dma_start3A_673 = tpu.memref_squeeze %dma_start3A_672 : memref<1x8x1x8x128xf32, #tpu.memory_space<hbm>> -> memref<8x8x128xf32, #tpu.memory_space<hbm>>
      %dma_start3A_674 = arith.constant 0 : i32
      %dma_start3A_675 = arith.constant 0 : i32
      %dma_start3A_676 = arith.constant 0 : i32
      %dma_start3A_677 = tpu.memref_slice %arg17[%dma_start3A_674, %dma_start3A_675, %dma_start3A_676] : memref<8x8x129xf32, #tpu.memory_space<vmem>> -> memref<8x8x128xf32, #tpu.memory_space<vmem>>
      tpu.enqueue_dma source(%dma_start3A_677 : memref<8x8x128xf32, #tpu.memory_space<vmem>>) target(%dma_start3A_673 : memref<8x8x128xf32, #tpu.memory_space<hbm>>) target_semaphore(%arg27 : memref<!tpu.dma_semaphore, #tpu.memory_space<semaphore_mem>>)
    }
    %scan3A_308 = arith.constant 10 : i32
    %add3A_309 = arith.constant 45 : i32
    %add3A_310 = arith.addi %mul3A_32, %add3A_309 : i32
    %dma_wait3A = arith.constant 0 : i32
    %dma_wait3A_311 = arith.constant 0 : i32
    %dma_wait3A_312 = arith.constant 0 : i32
    %dma_wait3A_313 = tpu.memref_slice %arg13[%dma_wait3A, %dma_wait3A_311, %dma_wait3A_312] : memref<8x8x129xf32, #tpu.memory_space<vmem>> -> memref<8x8x128xf32, #tpu.memory_space<vmem>>
    %dma_wait3A_314 = arith.constant 0 : i32
    %dma_wait3A_315 = arith.constant 0 : i32
    %dma_wait3A_316 = arith.constant 0 : i32
    %dma_wait3A_317 = tpu.memref_slice %arg5[%add3A_310, %dma_wait3A_314, %select_n3A_9, %dma_wait3A_315, %dma_wait3A_316] : memref<200x8x8x8x128xf32, #tpu.memory_space<hbm>> -> memref<1x8x1x8x128xf32, #tpu.memory_space<hbm>>
    %dma_wait3A_318 = tpu.memref_squeeze %dma_wait3A_317 : memref<1x8x1x8x128xf32, #tpu.memory_space<hbm>> -> memref<8x8x128xf32, #tpu.memory_space<hbm>>
    %dma_wait3A_319 = arith.constant 0 : i32
    %dma_wait3A_320 = arith.constant 0 : i32
    %dma_wait3A_321 = arith.constant 0 : i32
    %dma_wait3A_322 = tpu.memref_slice %arg5[%add3A_310, %dma_wait3A_319, %select_n3A_9, %dma_wait3A_320, %dma_wait3A_321] : memref<200x8x8x8x128xf32, #tpu.memory_space<hbm>> -> memref<1x8x1x8x128xf32, #tpu.memory_space<hbm>>
    %dma_wait3A_323 = tpu.memref_squeeze %dma_wait3A_322 : memref<1x8x1x8x128xf32, #tpu.memory_space<hbm>> -> memref<8x8x128xf32, #tpu.memory_space<hbm>>
    %dma_wait3A_324 = arith.constant 0 : i32
    %dma_wait3A_325 = arith.constant 0 : i32
    %dma_wait3A_326 = arith.constant 0 : i32
    %dma_wait3A_327 = tpu.memref_slice %arg13[%dma_wait3A_324, %dma_wait3A_325, %dma_wait3A_326] : memref<8x8x129xf32, #tpu.memory_space<vmem>> -> memref<8x8x128xf32, #tpu.memory_space<vmem>>
    tpu.wait_dma2 semaphore(%arg23 : memref<!tpu.dma_semaphore, #tpu.memory_space<semaphore_mem>>) src(%dma_wait3A_327 : memref<8x8x128xf32, #tpu.memory_space<vmem>>) dst(%dma_wait3A_323 : memref<8x8x128xf32, #tpu.memory_space<hbm>>)
    %add3A_328 = arith.constant 46 : i32
    %add3A_329 = arith.addi %mul3A_32, %add3A_328 : i32
    %dma_wait3A_330 = arith.constant 0 : i32
    %dma_wait3A_331 = arith.constant 0 : i32
    %dma_wait3A_332 = arith.constant 0 : i32
    %dma_wait3A_333 = tpu.memref_slice %arg14[%dma_wait3A_330, %dma_wait3A_331, %dma_wait3A_332] : memref<8x8x129xf32, #tpu.memory_space<vmem>> -> memref<8x8x128xf32, #tpu.memory_space<vmem>>
    %dma_wait3A_334 = arith.constant 0 : i32
    %dma_wait3A_335 = arith.constant 0 : i32
    %dma_wait3A_336 = arith.constant 0 : i32
    %dma_wait3A_337 = tpu.memref_slice %arg5[%add3A_329, %dma_wait3A_334, %select_n3A_9, %dma_wait3A_335, %dma_wait3A_336] : memref<200x8x8x8x128xf32, #tpu.memory_space<hbm>> -> memref<1x8x1x8x128xf32, #tpu.memory_space<hbm>>
    %dma_wait3A_338 = tpu.memref_squeeze %dma_wait3A_337 : memref<1x8x1x8x128xf32, #tpu.memory_space<hbm>> -> memref<8x8x128xf32, #tpu.memory_space<hbm>>
    %dma_wait3A_339 = arith.constant 0 : i32
    %dma_wait3A_340 = arith.constant 0 : i32
    %dma_wait3A_341 = arith.constant 0 : i32
    %dma_wait3A_342 = tpu.memref_slice %arg5[%add3A_329, %dma_wait3A_339, %select_n3A_9, %dma_wait3A_340, %dma_wait3A_341] : memref<200x8x8x8x128xf32, #tpu.memory_space<hbm>> -> memref<1x8x1x8x128xf32, #tpu.memory_space<hbm>>
    %dma_wait3A_343 = tpu.memref_squeeze %dma_wait3A_342 : memref<1x8x1x8x128xf32, #tpu.memory_space<hbm>> -> memref<8x8x128xf32, #tpu.memory_space<hbm>>
    %dma_wait3A_344 = arith.constant 0 : i32
    %dma_wait3A_345 = arith.constant 0 : i32
    %dma_wait3A_346 = arith.constant 0 : i32
    %dma_wait3A_347 = tpu.memref_slice %arg14[%dma_wait3A_344, %dma_wait3A_345, %dma_wait3A_346] : memref<8x8x129xf32, #tpu.memory_space<vmem>> -> memref<8x8x128xf32, #tpu.memory_space<vmem>>
    tpu.wait_dma2 semaphore(%arg24 : memref<!tpu.dma_semaphore, #tpu.memory_space<semaphore_mem>>) src(%dma_wait3A_347 : memref<8x8x128xf32, #tpu.memory_space<vmem>>) dst(%dma_wait3A_343 : memref<8x8x128xf32, #tpu.memory_space<hbm>>)
    %add3A_348 = arith.constant 47 : i32
    %add3A_349 = arith.addi %mul3A_32, %add3A_348 : i32
    %dma_wait3A_350 = arith.constant 0 : i32
    %dma_wait3A_351 = arith.constant 0 : i32
    %dma_wait3A_352 = arith.constant 0 : i32
    %dma_wait3A_353 = tpu.memref_slice %arg15[%dma_wait3A_350, %dma_wait3A_351, %dma_wait3A_352] : memref<8x8x129xf32, #tpu.memory_space<vmem>> -> memref<8x8x128xf32, #tpu.memory_space<vmem>>
    %dma_wait3A_354 = arith.constant 0 : i32
    %dma_wait3A_355 = arith.constant 0 : i32
    %dma_wait3A_356 = arith.constant 0 : i32
    %dma_wait3A_357 = tpu.memref_slice %arg5[%add3A_349, %dma_wait3A_354, %select_n3A_9, %dma_wait3A_355, %dma_wait3A_356] : memref<200x8x8x8x128xf32, #tpu.memory_space<hbm>> -> memref<1x8x1x8x128xf32, #tpu.memory_space<hbm>>
    %dma_wait3A_358 = tpu.memref_squeeze %dma_wait3A_357 : memref<1x8x1x8x128xf32, #tpu.memory_space<hbm>> -> memref<8x8x128xf32, #tpu.memory_space<hbm>>
    %dma_wait3A_359 = arith.constant 0 : i32
    %dma_wait3A_360 = arith.constant 0 : i32
    %dma_wait3A_361 = arith.constant 0 : i32
    %dma_wait3A_362 = tpu.memref_slice %arg5[%add3A_349, %dma_wait3A_359, %select_n3A_9, %dma_wait3A_360, %dma_wait3A_361] : memref<200x8x8x8x128xf32, #tpu.memory_space<hbm>> -> memref<1x8x1x8x128xf32, #tpu.memory_space<hbm>>
    %dma_wait3A_363 = tpu.memref_squeeze %dma_wait3A_362 : memref<1x8x1x8x128xf32, #tpu.memory_space<hbm>> -> memref<8x8x128xf32, #tpu.memory_space<hbm>>
    %dma_wait3A_364 = arith.constant 0 : i32
    %dma_wait3A_365 = arith.constant 0 : i32
    %dma_wait3A_366 = arith.constant 0 : i32
    %dma_wait3A_367 = tpu.memref_slice %arg15[%dma_wait3A_364, %dma_wait3A_365, %dma_wait3A_366] : memref<8x8x129xf32, #tpu.memory_space<vmem>> -> memref<8x8x128xf32, #tpu.memory_space<vmem>>
    tpu.wait_dma2 semaphore(%arg25 : memref<!tpu.dma_semaphore, #tpu.memory_space<semaphore_mem>>) src(%dma_wait3A_367 : memref<8x8x128xf32, #tpu.memory_space<vmem>>) dst(%dma_wait3A_363 : memref<8x8x128xf32, #tpu.memory_space<hbm>>)
    %add3A_368 = arith.constant 48 : i32
    %add3A_369 = arith.addi %mul3A_32, %add3A_368 : i32
    %dma_wait3A_370 = arith.constant 0 : i32
    %dma_wait3A_371 = arith.constant 0 : i32
    %dma_wait3A_372 = arith.constant 0 : i32
    %dma_wait3A_373 = tpu.memref_slice %arg16[%dma_wait3A_370, %dma_wait3A_371, %dma_wait3A_372] : memref<8x8x129xf32, #tpu.memory_space<vmem>> -> memref<8x8x128xf32, #tpu.memory_space<vmem>>
    %dma_wait3A_374 = arith.constant 0 : i32
    %dma_wait3A_375 = arith.constant 0 : i32
    %dma_wait3A_376 = arith.constant 0 : i32
    %dma_wait3A_377 = tpu.memref_slice %arg5[%add3A_369, %dma_wait3A_374, %select_n3A_9, %dma_wait3A_375, %dma_wait3A_376] : memref<200x8x8x8x128xf32, #tpu.memory_space<hbm>> -> memref<1x8x1x8x128xf32, #tpu.memory_space<hbm>>
    %dma_wait3A_378 = tpu.memref_squeeze %dma_wait3A_377 : memref<1x8x1x8x128xf32, #tpu.memory_space<hbm>> -> memref<8x8x128xf32, #tpu.memory_space<hbm>>
    %dma_wait3A_379 = arith.constant 0 : i32
    %dma_wait3A_380 = arith.constant 0 : i32
    %dma_wait3A_381 = arith.constant 0 : i32
    %dma_wait3A_382 = tpu.memref_slice %arg5[%add3A_369, %dma_wait3A_379, %select_n3A_9, %dma_wait3A_380, %dma_wait3A_381] : memref<200x8x8x8x128xf32, #tpu.memory_space<hbm>> -> memref<1x8x1x8x128xf32, #tpu.memory_space<hbm>>
    %dma_wait3A_383 = tpu.memref_squeeze %dma_wait3A_382 : memref<1x8x1x8x128xf32, #tpu.memory_space<hbm>> -> memref<8x8x128xf32, #tpu.memory_space<hbm>>
    %dma_wait3A_384 = arith.constant 0 : i32
    %dma_wait3A_385 = arith.constant 0 : i32
    %dma_wait3A_386 = arith.constant 0 : i32
    %dma_wait3A_387 = tpu.memref_slice %arg16[%dma_wait3A_384, %dma_wait3A_385, %dma_wait3A_386] : memref<8x8x129xf32, #tpu.memory_space<vmem>> -> memref<8x8x128xf32, #tpu.memory_space<vmem>>
    tpu.wait_dma2 semaphore(%arg26 : memref<!tpu.dma_semaphore, #tpu.memory_space<semaphore_mem>>) src(%dma_wait3A_387 : memref<8x8x128xf32, #tpu.memory_space<vmem>>) dst(%dma_wait3A_383 : memref<8x8x128xf32, #tpu.memory_space<hbm>>)
    %add3A_388 = arith.constant 49 : i32
    %add3A_389 = arith.addi %mul3A_32, %add3A_388 : i32
    %dma_wait3A_390 = arith.constant 0 : i32
    %dma_wait3A_391 = arith.constant 0 : i32
    %dma_wait3A_392 = arith.constant 0 : i32
    %dma_wait3A_393 = tpu.memref_slice %arg17[%dma_wait3A_390, %dma_wait3A_391, %dma_wait3A_392] : memref<8x8x129xf32, #tpu.memory_space<vmem>> -> memref<8x8x128xf32, #tpu.memory_space<vmem>>
    %dma_wait3A_394 = arith.constant 0 : i32
    %dma_wait3A_395 = arith.constant 0 : i32
    %dma_wait3A_396 = arith.constant 0 : i32
    %dma_wait3A_397 = tpu.memref_slice %arg5[%add3A_389, %dma_wait3A_394, %select_n3A_9, %dma_wait3A_395, %dma_wait3A_396] : memref<200x8x8x8x128xf32, #tpu.memory_space<hbm>> -> memref<1x8x1x8x128xf32, #tpu.memory_space<hbm>>
    %dma_wait3A_398 = tpu.memref_squeeze %dma_wait3A_397 : memref<1x8x1x8x128xf32, #tpu.memory_space<hbm>> -> memref<8x8x128xf32, #tpu.memory_space<hbm>>
    %dma_wait3A_399 = arith.constant 0 : i32
    %dma_wait3A_400 = arith.constant 0 : i32
    %dma_wait3A_401 = arith.constant 0 : i32
    %dma_wait3A_402 = tpu.memref_slice %arg5[%add3A_389, %dma_wait3A_399, %select_n3A_9, %dma_wait3A_400, %dma_wait3A_401] : memref<200x8x8x8x128xf32, #tpu.memory_space<hbm>> -> memref<1x8x1x8x128xf32, #tpu.memory_space<hbm>>
    %dma_wait3A_403 = tpu.memref_squeeze %dma_wait3A_402 : memref<1x8x1x8x128xf32, #tpu.memory_space<hbm>> -> memref<8x8x128xf32, #tpu.memory_space<hbm>>
    %dma_wait3A_404 = arith.constant 0 : i32
    %dma_wait3A_405 = arith.constant 0 : i32
    %dma_wait3A_406 = arith.constant 0 : i32
    %dma_wait3A_407 = tpu.memref_slice %arg17[%dma_wait3A_404, %dma_wait3A_405, %dma_wait3A_406] : memref<8x8x129xf32, #tpu.memory_space<vmem>> -> memref<8x8x128xf32, #tpu.memory_space<vmem>>
    tpu.wait_dma2 semaphore(%arg27 : memref<!tpu.dma_semaphore, #tpu.memory_space<semaphore_mem>>) src(%dma_wait3A_407 : memref<8x8x128xf32, #tpu.memory_space<vmem>>) dst(%dma_wait3A_403 : memref<8x8x128xf32, #tpu.memory_space<hbm>>)
    return
  }
}

module attributes {stable_mosaic.version = 14 : i64} {
  func.func @_tc_transpose_body(%arg0: i32, %arg1: memref<64x8192xf32, #tpu.memory_space<vmem>>, %arg2: memref<8192x128xf32, #tpu.memory_space<vmem>>) attributes {dimension_semantics = [#tpu.dimension_semantics<arbitrary>], iteration_bounds = array<i64: 13>, scalar_prefetch = 0 : i64, scratch_operands = 0 : i64, tpu.core_type = #tpu.core_type<tc>, window_params = [{transform_indices = @transform_0, window_bounds = array<i64: 64, 8192>}, {transform_indices = @transform_1, window_bounds = array<i64: 8192, 128>}]} {
    %get3A = arith.constant 0 : index
    %get3A_0 = arith.constant 0 : index
    %get3A_1 = vector.load %arg1[%get3A, %get3A_0] : memref<64x8192xf32, #tpu.memory_space<vmem>>, vector<64x8192xf32>
    %transpose3A = tpu.transpose %get3A_1, [1, 0] : vector<64x8192xf32> -> vector<8192x64xf32>
    %swap3A = arith.constant 0 : index
    %swap3A_2 = arith.constant 0 : index
    %swap3A_3 = vector.load %arg2[%swap3A, %swap3A_2] : memref<8192x128xf32, #tpu.memory_space<vmem>>, vector<8192x64xf32>
    tpu.vector_store %arg2[%swap3A, %swap3A_2], %transpose3A {strides = array<i32>} : memref<8192x128xf32, #tpu.memory_space<vmem>>, vector<8192x64xf32>,
    return
  }
  func.func @transform_0(%arg0: i32) -> (i32, i32) {
    %c0_i32 = arith.constant 0 : i32
    %c0_i32_0 = arith.constant 0 : i32
    return %c0_i32, %arg0 : i32, i32
  }
  func.func @transform_1(%arg0: i32) -> (i32, i32) {
    %c0_i32 = arith.constant 0 : i32
    %c0_i32_0 = arith.constant 0 : i32
    return %arg0, %c0_i32 : i32, i32
  }
}

</mosaic_0001>

<sc_bundles>
// kernel: kernel.4.cloned.1.call-start
scs
__scs_entry_jumppad:
0x0: {  	(pc) =	sbr.rel $0x88, $3  }
0x1: {  	(tag) =	ssettag $0x0;
	lr =	simm.s32 $0x1  }
0x2: {  	[smem:$0x3F9F] =	sst lr;
	_ =	strace $0xD0000000  }
0x3: {  	_ = 	snop  }
0x4: {  	_ = 	snop  }
0x5: {  	_ = 	snop  }
0x6: {  	_ = 	snop  }
0x7: {  	_ = 	snop  }
__scs_overlays_trampoline_lowered:
0x8: {  	[smem:$0x3FAE] =	sst s0  }
0x9: {  	[smem:$0x3FAF] =	sst s1  }
0xa: {  	[smem:$0x3FB0] =	sst s2  }
0xb: {  	[smem:$0x3FB1] =	sst s3  }
0xc: {  	[smem:$0x3FB2] =	sst s4  }
0xd: {  	[smem:$0x3FB3] =	sst s5  }
0xe: {  	[smem:$0x3FB4] =	sst s6  }
0xf: {  	[smem:$0x3FB5] =	sst s7  }
0x10: {  	[smem:$0x3FB6] =	sst s8  }
0x11: {  	[smem:$0x3FB7] =	sst s9;
	s0 =	simm.s32 @!p0 $0x0  }
0x12: {  	s1 =	sld [smem:$0x3F9D];
	s0 =	simm.s32 @p0 $0x1  }
0x13: {  	[smem:$0x3FB8] =	sst s0;
	s0 =	simm.s32 @!p1 $0x0  }
0x14: {  	s2 =	sld [smem:$0x3F9C];
	s0 =	simm.s32 @p1 $0x1  }
0x15: {  	[smem:$0x3FB9] =	sst s0;
	s0 =	simm.s32 @!p2 $0x0  }
0x16: {  	s3 =	sld [smem:$0x3FDB];
	s0 =	simm.s32 @p2 $0x1  }
0x17: {  	s4 =	simm.s32 $0x1BF5;
	[smem:$0x3FBB] =	sst s0  }
0x18: {  	s0 =	sld [smem:$0x3F9E];
	_ =	swait.ge [sflag:s4], $0x0  }
0x19: {  	s7 =	sld [smem:$0x3F9F]  }
0x1a: {  	s8 =	sadd.s32 $0xFFFFE003, lr  }
0x1b: {  	s9 =	sadd.s32 $0xFFFFFEF7, lr;
	s5 =	simm.s32 $0xFFFFFFFF;
	p2 =	slt.u32 s8, $0xFFFFF086  }
0x1c: {  	p1 =	slt.u32 s9, $0xF7A;
	s5 =	simm.s32 @!p2 $0x0  }
0x1d: {  	s5 =	simm.s32 @p1 $0x1;
	p0 =	seq.s32 s7, s2  }
0x1e: {  	s7 =	smul.u32 @!p0 $0xF7A, s2;
	p2 =	seq.s32 @!p0 s5, $0x0  }
0x1f: {  	s9 =	smul.u32 $0xF7A, s1;
	s8 =	simm.s32 @!p0 $0x1BF5;
	p2 =	por !p2, p0  }
0x20: {  	[sflag:s8] =	ssyncset.s32 @!p0 $0xFFFFF086;
	s6 =	sadd.s32 @!p0 s3, s7;
	s7 =	simm.s32 @!p0 $0x108  }
0x21: {  	s3 =	sadd.s32 s3, s9;
	s6 =	sadd.s32 @!p0 $0x88, s6;
	s7 =	simm.s32 @p2 $0x1082  }
0x22: {  	[simem:s7], [sflag:s8] =	dma.local @!p0 [hbm:s6], $0xF7A  }
0x23: {  	s9 =	sor.u32 $0xD0000000, s2;
	s6 =	simm.s32 $0x108;
	_ =	swait.ge @!p0 [sflag:s8], $0x0  }
0x24: {  	s3 =	sadd.s32 $0x88, s3;
	s6 =	simm.s32 @!p1 $0x1082;
	[sflag:s4] =	ssyncset.s32 $0xFFFFF086  }
0x25: {  	[simem:s6], [sflag:s4] =	dma.local [hbm:s3], $0xF7A  }
0x26: {  	[smem:$0x3F9F] =	sst s1;
	(tag) =	ssettag s2;
	_ =	strace s9  }
0x27: {  	s1 =	sld [smem:$0x3FAF]  }
0x28: {  	s2 =	sld [smem:$0x3FB0]  }
0x29: {  	s4 =	sld [smem:$0x3FB2]  }
0x2a: {  	p0 =	seq.s32 s5, $0x0;
	s5 =	sld [smem:$0x3FB3]  }
0x2b: {  	s6 =	sld [smem:$0x3FB4]  }
0x2c: {  	s7 =	sld [smem:$0x3FB5]  }
0x2d: {  	s3 =	simm.s32 $0x108;
	s8 =	sld [smem:$0x3FB6]  }
0x2e: {  	s3 =	simm.s32 @!p0 $0x1082;
	s9 =	sld [smem:$0x3FB7]  }
0x2f: {  	lr =	sadd.s32 s0, s3;
	s0 =	sld [smem:$0x3FAE]  }
0x30: {  	s3 =	sld [smem:$0x3FB1]  }
0x31: {  	[smem:$0x3FBA] =	sst s10  }
0x32: {  	s10 =	sld [smem:$0x3FB8];
	_ =	sdelay $0x3  }
0x33: {  	p0 =	seq.s32 s10, $0x1;
	s10 =	sld [smem:$0x3FBA];
	_ =	sdelay $0x3  }
0x34: {  	[smem:$0x3FBA] =	sst s10  }
0x35: {  	s10 =	sld [smem:$0x3FB9];
	_ =	sdelay $0x3  }
0x36: {  	p1 =	seq.s32 s10, $0x1;
	s10 =	sld [smem:$0x3FBA];
	_ =	sdelay $0x3  }
0x37: {  	[smem:$0x3FBA] =	sst s10  }
0x38: {  	s10 =	sld [smem:$0x3FBB]  }
0x39: {  	_ = 	snop;
	(pc) =	sbr.ind lr, $3  }
0x3a: {  	_ = 	snop  }
0x3b: {  	_ = 	snop  }
0x3c: {  	p2 =	seq.s32 s10, $0x1;
	s10 =	sld [smem:$0x3FBA]  }
0x3d: {  	_ =	shalt  }
0x3e: {  	_ =	shalt  }
0x3f: {  	_ =	shalt  }
0x40: {  	_ =	shalt  }
0x41: {  	_ =	shalt  }
0x42: {  	_ =	shalt  }
0x43: {  	_ =	shalt  }
0x44: {  	_ =	shalt  }
0x45: {  	_ =	shalt  }
0x46: {  	_ =	shalt  }
0x47: {  	_ =	shalt  }
0x48: {  	_ =	shalt  }
0x49: {  	_ =	shalt  }
0x4a: {  	_ =	shalt  }
0x4b: {  	_ =	shalt  }
0x4c: {  	_ =	shalt  }
0x4d: {  	_ =	shalt  }
0x4e: {  	_ =	shalt  }
0x4f: {  	_ =	shalt  }
0x50: {  	_ =	shalt  }
0x51: {  	_ =	shalt  }
0x52: {  	_ =	shalt  }
0x53: {  	_ =	shalt  }
0x54: {  	_ =	shalt  }
0x55: {  	_ =	shalt  }
0x56: {  	_ =	shalt  }
0x57: {  	_ =	shalt  }
0x58: {  	_ =	shalt  }
0x59: {  	_ =	shalt  }
0x5a: {  	_ =	shalt  }
0x5b: {  	_ =	shalt  }
0x5c: {  	_ =	shalt  }
0x5d: {  	_ =	shalt  }
0x5e: {  	_ =	shalt  }
0x5f: {  	_ =	shalt  }
0x60: {  	_ =	shalt  }
0x61: {  	_ =	shalt  }
0x62: {  	_ =	shalt  }
0x63: {  	_ =	shalt  }
0x64: {  	_ =	shalt  }
0x65: {  	_ =	shalt  }
0x66: {  	_ =	shalt  }
0x67: {  	_ =	shalt  }
0x68: {  	_ =	shalt  }
0x69: {  	_ =	shalt  }
0x6a: {  	_ =	shalt  }
0x6b: {  	_ =	shalt  }
0x6c: {  	_ =	shalt  }
0x6d: {  	_ =	shalt  }
0x6e: {  	_ =	shalt  }
0x6f: {  	_ =	shalt  }
0x70: {  	_ =	shalt  }
0x71: {  	_ =	shalt  }
0x72: {  	_ =	shalt  }
0x73: {  	_ =	shalt  }
0x74: {  	_ =	shalt  }
0x75: {  	_ =	shalt  }
0x76: {  	_ =	shalt  }
0x77: {  	_ =	shalt  }
0x78: {  	_ =	shalt  }
0x79: {  	_ =	shalt  }
0x7a: {  	_ =	shalt  }
0x7b: {  	_ =	shalt  }
0x7c: {  	_ =	shalt  }
0x7d: {  	_ =	shalt  }
0x7e: {  	_ =	shalt  }
0x7f: {  	_ =	shalt  }
0x80: {  	_ =	shalt  }
0x81: {  	_ =	shalt  }
0x82: {  	_ =	shalt  }
0x83: {  	_ =	shalt  }
0x84: {  	_ =	shalt  }
0x85: {  	_ =	shalt  }
0x86: {  	_ =	shalt  }
0x87: {  	_ =	shalt  }
.Lfunc_end0:
.L_simem_size_0:
called_computation_lowered:
.L_overlay_start_0:
0x88: {  	s2 =	sld [smem:$0x3FD9]  }
0x89: {  	s3 =	sld [smem:$0x3FFE];
	_ =	sdelay $0x1  }
0x8a: {  	s1 =	srdreg.scid  }
0x8b: {  	s0 =	sand.u32 $0x1, s1  }
0x8c: {  	s17 =	sshll.u32 s0, $0xA;
	s2 =	sadd.s32 s3, s2  }
0x8d: {  	s2 =	sadd.s32 s2, s17  }
0x8e: {  	[smem:$0x3FC6] =	sst s2  }
0x8f: {  	_ = 	snop  }
0x90: {  	s2 =	sld [smem:$0x3FD0];
	(tm) =	ssettm $0x1  }
0x91: {  	s18 =	sld [smem:$0x3FFB];
	_ =	sdelay $0x3  }
0x92: {  	_ =	strace s18  }
0x93: {  	s3 =	sld [smem:$0x3FFC];
	_ =	sdelay $0x3  }
0x94: {  	_ =	strace s3  }
0x95: {  	s3 =	sld [smem:$0x3FFD];
	_ =	sdelay $0x3  }
0x96: {  	_ =	strace s3  }
0x97: {  	_ =	strace $0x8FFFFFFF  }
0x98: {  	s19 =	sld [smem:$0x3FDB];
	_ =	sdelay $0x1  }
0x99: {  	s4 =	simm.s32 $_scs_section_size  }
0x9a: {  	s5 =	simm.s32 $_size__tile_overlayer_lowered;
	s6 =	simm.s32 $_tile_overlayer_lowered  }
0x9b: {  	s22 =	simm.s32 $0x1BFF;
	s21 =	sshll.u32 s6, $0x1;
	s3 =	sadd.s32 s4, s19  }
0x9c: {  	s7 =	simm.s32 $0x0;
	s20 =	sshll.u32 s5, $0x1;
	s5 =	sadd.s32 s21, s3  }
0x9d: {  	[timem:s7], [sflag:s22] =	dma.local [hbm:s5], s20  }
0x9e: {  	_ =	swait.ge [sflag:s22], s20  }
0x9f: {  	s4 =	ssub.s32 $0x0, s20;
	[sflag:s22] =	ssyncset.done $0x0  }
0xa0: {  	[sflag:s22] =	ssyncadd.s32 s4;
	_ =	sdelay $0x1  }
0xa1: {  	s23 =	simm.s32 $0x1B8B  }
0xa2: {  	_ =	swait.ge [sflag:s23], $0x1  }
0xa3: {  	[sflag:s23] =	ssyncset.done $0x0  }
0xa4: {  	s25 =	simm.s32 $0x1B8E;
	s24 =	sld [smem:$0x3FFE];
	[sflag:s23] =	ssyncadd.s32 $0xFFFFFFFF  }
0xa5: {  	s26 =	simm.s32 $execute0_lowered;
	[smem:$0x3FD2] =	sst s25  }
0xa6: {  	s5 =	sshll.u32 s26, $0x1;
	_ =	strace $0x80000046;
	[dreg:$0x1] =	wrdreg $0xFFFFFFFF  }
0xa7: {  	s28 =	simm.s32 $_size_execute0_lowered;
	s3 =	sadd.s32 s3, s5;
	[dreg:$0x0] =	wrdreg $0x0  }
0xa8: {  	s5 =	sshll.u32 s28, $0x1;
	[dreg:$0x2] =	wrdreg s3  }
0xa9: {  	[dreg:$0x3] =	wrdreg s5  }
0xaa: {  	[dreg:$0x4] =	wrdreg $0xC0  }
0xab: {  	_ =	task [dreg:s7], $0x5FFFF  }
0xac: {  	[dreg:$0x1] =	wrdreg $0xFFFFFFFF  }
0xad: {  	[dreg:$0x0] =	wrdreg $0x60  }
0xae: {  	[dreg:$0x2] =	wrdreg s24  }
0xaf: {  	[dreg:$0x3] =	wrdreg s2  }
0xb0: {  	[dreg:$0x4] =	wrdreg $0x9  }
0xb1: {  	_ =	task.clear_ibuf [dreg:s7], $0x5FFFF;
	_ =	strace $0x90000046  }
0xb2: {  	s29 =	simm.s32 $0x9;
	_ =	strace $0x80000048  }
0xb3: {  	_ =	swait.ge [sflag:s29], $0x1  }
0xb4: {  	[sflag:s29] =	ssyncadd.s32 $0xFFFFFFFF  }
0xb5: {  	_ =	strace $0x90000048  }
0xb6: {  	_ =	sfence  }
0xb7: {  	s30 =	sld [smem:$0x0];
	_ =	sdelay $0x2  }
0xb8: {  	s31 =	sshll.u32 s1, $0xD;
	s1 =	sshrl.u32 s1, $0x2  }
0xb9: {  	s3 =	sand.u32 $0x4000, s31;
	s1 =	sadd.s32 s1, s30  }
0xba: {  	s0 =	sor.u32 s3, s0;
	s1 =	sshll.u32 s1, $0x11  }
0xbb: {  	s0 =	sor.u32 s1, s0  }
0xbc: {  	s0 =	sadd.s32 $0x8F2B, s0  }
0xbd: {  	[sflag:s0] =	ssyncadd.remote.s32 $0x1  }
0xbe: {  	_ =	sfence.sel $0xFFFF  }
0xbf: {  	[dreg:$0x0] =	wrdreg $0xFFFFFFFF;
	(pc) =	sbr.abs _section_cstart, $3  }
0xc0: {  	[dreg:$0x1] =	wrdreg $0xFFFFFFFF  }
0xc1: {  	_ =	task.clear_ibuf [dreg:s7], $0x2FFFF;
	_ =	strace $0x9FFFFFFF  }
0xc2: {  	(tm) =	ssettm $0x7FFFFFFF  }
0xc3: {  	_ =	shalt  }
tec
execute0_lowered:
.L_overlay_start_1:
0x0: {  	(tag) =	ssettag $0x1  }
0x1: {  	s0 =	rddreg [dreg:$0x0]  }
0x2: {  	s2 =	rddreg [dreg:$0x1]  }
0x3: {  	s5 =	stileid.u32;
	s3 =	simm.s32 $0x0;
	s1 =	srdreg.scid  }
0x4: {  	s10 =	simm.s32 $0x80;
	s12 =	simm.s32 $0xB;
	s22 =	simm.s32 $0x1  }
0x5: {  	s23 =	simm.s32 $0xC580;
	s24 =	simm.s32 $0x2;
	s28 =	simm.s32 $0x10980  }
0x6: {  	s29 =	simm.s32 $0x4;
	s30 =	simm.s32 $0x12B80;
	s31 =	simm.s32 $0x5  }
0x7: {  	s13 =	simm.s32 $0x8;
	s14 =	simm.s32 $0x9;
	s15 =	simm.s32 $0xA  }
0x8: {  	s16 =	simm.s32 $0x0;
	s4 =	sshll.u32 s5, $0x1;
	s1 =	sand.u32 $0x1, s1  }
0x9: {  	s5 =	sshrl.u32 s5, $0x2;
	[smem:$0x7FF] =	sst s3;
	s4 =	sand.u32 $0x6, s4  }
0xa: {  	s25 =	smul.u32 $0xC800, s5;
	_ =	strace $0x80000047;
	s6 =	sor.u32 s1, s4  }
0xb: {  	s8 =	smul.u32 $0x190, s5;
	s1 =	ssub.s32 $0x2, s1;
	s7 =	sshll.u32 s6, $0x7  }
0xc: {  	s5 =	smul.u32 $0x32, s5;
	s9 =	sshrl.u32 s1, $0x1;
	s7 =	sor.u32 s25, s7  }
0xd: {  	s4 =	sadd.s32 $0x7200, s0;
	s1 =	ssub.s32 s1, s9;
	s7 =	sshrl.u32 s7, $0x3  }
0xe: {  	v0 =	vlaneseq.u32;
	s25 =	simm.s32 $0xE780;
	s26 =	smax.u32 s1, $0x1;
	s7 =	sadd.s32 s7, s0  }
0xf: {  	v0 =	vmul.u32 $0x88, v0;
	s0 =	sadd.s32 s8, s0;
	[dreg:$0x5] =	wrdreg s26;
	s7 =	sadd.s32 $0xE00, s7  }
0x10: {  	s8 =	sshll.u32 s6, $0xA;
	s0 =	sadd.s32 $0x600, s0;
	[dreg:$0x3] =	wrdreg s7  }
0x11: {  	v1 =	vadd.s32 $0x880, v0;
	v2 =	vadd.s32 $0x1100, v0;
	v3 =	vadd.s32 $0x1980, v0;
	s26 =	simm.s32 $0x3;
	[dreg:$0x4] =	wrdreg s0;
	s0 =	simm.s32 $0x14D80  }
.LBB2_1:
0x12: {  	s1 =	rddreg [dreg:$0x3];
	s6 =	simm.s32 $0x400  }
0x13: {  	[tilespmem:s3], [sflag:$0xB] =	stream.strided.gather [hbm4b:s1+s10], $0x1900, s6, s10, $0x38;
	[tilespmem:$0x16F80] =	vst v63  }
0x14: {  	_ =	swait.ge [sflag:s12], $0x1900  }
0x15: {  	[sflag:s12] =	ssyncset.done $0x0  }
0x16: {  	s21 =	simm.s32 $0x1900;
	s20 =	rddreg [dreg:$0x4];
	[sflag:s12] =	ssyncadd.s32 $0xFFFFE700  }
0x17: {  	[tilespmem:s21], [sflag:$0xB] =	stream.linear.gather [hbm4b:s20+s3], $0xC80, $0x38;
	[tilespmem:$0x16F80] =	vst v63  }
0x18: {  	_ =	swait.ge [sflag:s12], $0xC80  }
0x19: {  	[sflag:s12] =	ssyncset.done $0x0  }
0x1a: {  	s7 =	simm.s32 $0x2580;
	[sflag:s12] =	ssyncadd.s32 $0xFFFFF380  }
0x1b: {  	[tilespmem:s7], [sflag:$0x1] =	stream.indirect.gather [hbm4b:s4+s10], $0x40, s3, s10, $0xb8;
	[tilespmem:$0x16F80] =	vst v63  }
0x1c: {  	s9 =	simm.s32 $0x4580  }
0x1d: {  	[tilespmem:s9], [sflag:$0x2] =	stream.indirect.gather [hbm4b:s4+s10], $0x40, s10, s10, $0xb8;
	[tilespmem:$0x16F80] =	vst v63  }
0x1e: {  	s11 =	simm.s32 $0x100;
	s17 =	simm.s32 $0x6580  }
0x1f: {  	[tilespmem:s17], [sflag:$0x3] =	stream.indirect.gather [hbm4b:s4+s10], $0x40, s11, s10, $0xb8;
	[tilespmem:$0x16F80] =	vst v63  }
0x20: {  	s18 =	simm.s32 $0x180;
	s19 =	simm.s32 $0x8580  }
0x21: {  	[tilespmem:s19], [sflag:$0x4] =	stream.indirect.gather [hbm4b:s4+s10], $0x40, s18, s10, $0xb8;
	[tilespmem:$0x16F80] =	vst v63  }
0x22: {  	s20 =	simm.s32 $0x200;
	s21 =	simm.s32 $0xA580;
	s17 =	simm.s32 $0x0  }
0x23: {  	[tilespmem:s21], [sflag:$0x5] =	stream.indirect.gather [hbm4b:s4+s10], $0x40, s20, s10, $0xb8;
	[tilespmem:$0x16F80] =	vst v63  }
.LBB2_2:
0x24: {  	_ =	swait.ge [sflag:s22], $0x2000  }
0x25: {  	p1 =	seq.s32 s17, $0x0;
	[sflag:s22] =	ssyncset.done $0x0  }
0x26: {  	s6 =	simm.s32 @!p1 $0x6;
	[sflag:s22] =	ssyncadd.s32 $0xFFFFE000  }
0x27: {  	s7 =	smul.u32 $0x500, s17;
	_ =	swait.ge @!p1 [sflag:s6], $0x2000  }
0x28: {  	[sflag:s6] =	ssyncset.done @!p1 $0x0  }
0x29: {  	s20 =	sshra.s32 s7, $0x2;
	[sflag:s6] =	ssyncadd.s32 @!p1 $0xFFFFE000  }
0x2a: {  	s9 =	simm.s32 $0x3;
	s7 =	simm.s32 $0x2600;
	v9 =	vld [tilespmem:s20+$0x1900]  }
0x2b: {  	v4 =	vmov s9;
	v7 =	vld [tilespmem:s7+$0x40]  }
0x2c: {  	v13 =	vand.u32 $0x7F, v4  }
0x2d: {  	s21 =	simm.s32 $0x0;
	v8 =	vadd.s32 v0, v13;
	v6 =	vld [tilespmem:s20+$0x1910]  }
0x2e: {  	s1 =	simm.s32 $0x1;
	s18 =	simm.s32 $0x2;
	v4 =	vmov s21;
	v10 =	vld [tilespmem:s7+$0xFFFFFF80]  }
0x2f: {  	v14 =	vmov s18;
	v12 =	vand.u32 $0x7C, v4;
	v4 =	vmov s1;
	v11 =	vld [tilespmem:s7+$0xFFFFFFC0]  }
0x30: {  	v15 =	vadd.s32 v0, v12;
	v19 =	vand.u32 $0x7D, v4;
	v16 =	vld [tilespmem:s7+$0x0];
	v7 =	vadd.f32 v7, v9  }
0x31: {  	v20 =	vand.u32 $0x7E, v14;
	v17 =	vadd.s32 v0, v19;
	v5 =	vld [tilespmem:s20+$0x1920]  }
0x32: {  	v14 =	vadd.s32 v0, v20;
	v4 =	vld [tilespmem:s20+$0x1930];
	[tilespmem:v8+s23+$0x0] =	vst.idx.msk $0xffff, v7  }
0x33: {  	v7 =	vadd.f32 v10, v9;
	v8 =	vld [tilespmem:s7+$0x50]  }
0x34: {  	v10 =	vadd.f32 v11, v9  }
0x35: {  	v11 =	vadd.s32 v1, v13;
	[tilespmem:v15+s23+$0x0] =	vst.idx.msk $0xffff, v7;
	v7 =	vadd.f32 v16, v9  }
0x36: {  	[tilespmem:v17+s23+$0x0] =	vst.idx.msk $0xffff, v10;
	v15 =	vld [tilespmem:s7+$0xFFFFFF90]  }
0x37: {  	v10 =	vld [tilespmem:s7+$0xFFFFFFD0];
	[tilespmem:v14+s23+$0x0] =	vst.idx.msk $0xffff, v7  }
0x38: {  	v14 =	vld [tilespmem:s7+$0x10];
	v7 =	vadd.f32 v8, v6  }
0x39: {  	s11 =	simm.s32 $0x7;
	s18 =	simm.s32 $0x2700;
	v16 =	vadd.s32 v1, v19  }
0x3a: {  	s9 =	simm.s32 $0x4;
	v26 =	vadd.s32 v2, v13;
	v18 =	vld [tilespmem:s18+$0x40];
	v17 =	vadd.s32 v1, v20;
	[tilespmem:v11+s23+$0x0] =	vst.idx.msk $0xffff, v7;
	v7 =	vmov s11  }
0x3b: {  	v21 =	vadd.s32 v1, v12;
	v8 =	vmov s9;
	v7 =	vand.u32 $0x7F, v7;
	v22 =	vld [tilespmem:s7+$0x60]  }
0x3c: {  	s19 =	simm.s32 $0x5;
	v23 =	vld [tilespmem:s18+$0xFFFFFF80];
	v8 =	vand.u32 $0x7C, v8;
	v10 =	vadd.f32 v10, v6;
	v24 =	vadd.s32 v0, v7  }
0x3d: {  	s20 =	simm.s32 $0x6;
	v25 =	vld [tilespmem:s18+$0xFFFFFFC0];
	v15 =	vadd.f32 v15, v6;
	v11 =	vadd.f32 v14, v6;
	v14 =	vmov s19  }
0x3e: {  	v27 =	vadd.s32 v0, v8;
	[tilespmem:v16+s23+$0x0] =	vst.idx.msk $0xffff, v10;
	v16 =	vmov s20;
	v10 =	vand.u32 $0x7D, v14;
	v14 =	vld [tilespmem:s18+$0x0]  }
0x3f: {  	[tilespmem:v17+s23+$0x0] =	vst.idx.msk $0xffff, v11;
	v17 =	vadd.s32 v0, v10;
	v11 =	vand.u32 $0x7E, v16;
	v16 =	vadd.f32 v18, v9;
	v18 =	vld [tilespmem:s7+$0xFFFFFFE0]  }
0x40: {  	[tilespmem:v21+s23+$0x0] =	vst.idx.msk $0xffff, v15;
	v15 =	vadd.s32 v0, v11;
	v21 =	vld [tilespmem:s7+$0x20];
	v22 =	vadd.f32 v22, v5  }
0x41: {  	v23 =	vadd.f32 v23, v9;
	[tilespmem:v24+s23+$0x0] =	vst.idx.msk $0xffff, v16;
	v16 =	vld [tilespmem:s7+$0xFFFFFFA0];
	v24 =	vadd.s32 v2, v19  }
0x42: {  	v29 =	vadd.s32 v2, v20;
	v25 =	vadd.f32 v25, v9;
	v28 =	vld [tilespmem:s18+$0x50];
	[tilespmem:v26+s23+$0x0] =	vst.idx.msk $0xffff, v22  }
0x43: {  	[tilespmem:v27+s23+$0x0] =	vst.idx.msk $0xffff, v23;
	v23 =	vadd.s32 v2, v12;
	v14 =	vadd.f32 v14, v9;
	v26 =	vld [tilespmem:s7+$0x70]  }
0x44: {  	v27 =	vld [tilespmem:s18+$0xFFFFFF90];
	[tilespmem:v17+s23+$0x0] =	vst.idx.msk $0xffff, v25;
	v25 =	vadd.s32 v1, v7;
	v18 =	vadd.f32 v18, v5  }
0x45: {  	v31 =	vadd.s32 v3, v13;
	v30 =	vld [tilespmem:s18+$0xFFFFFFD0];
	[tilespmem:v15+s23+$0x0] =	vst.idx.msk $0xffff, v14;
	v14 =	vadd.f32 v21, v5  }
0x46: {  	v22 =	vadd.s32 v1, v8;
	v17 =	vld [tilespmem:s18+$0x10];
	v13 =	vadd.f32 v16, v5;
	[tilespmem:v24+s23+$0x0] =	vst.idx.msk $0xffff, v18  }
0x47: {  	s6 =	simm.s32 $0x8;
	v21 =	vadd.s32 v1, v10;
	[tilespmem:v29+s23+$0x0] =	vst.idx.msk $0xffff, v14;
	v18 =	vadd.f32 v28, v6;
	v16 =	vld [tilespmem:s7+$0xFFFFFFF0]  }
0x48: {  	v24 =	vmov s6;
	v14 =	vadd.s32 v1, v11;
	v15 =	vld [tilespmem:s7+$0x30];
	[tilespmem:v23+s23+$0x0] =	vst.idx.msk $0xffff, v13;
	v63 =	vadd.f32 v26, v4  }
0x49: {  	s21 =	simm.s32 $0xB;
	s20 =	simm.s32 $0x2800;
	v19 =	vadd.s32 v3, v19;
	v13 =	vand.u32 $0x7C, v24;
	v24 =	vadd.f32 v27, v6;
	[tilespmem:v25+s23+$0x0] =	vst.idx.msk $0xffff, v18;
	v18 =	vld [tilespmem:s7+$0xFFFFFFB0]  }
0x4a: {  	v20 =	vadd.s32 v3, v20;
	s19 =	smul.u32 $0x5, s17;
	v26 =	vmov s21;
	v23 =	vld [tilespmem:s20+$0x40];
	s7 =	simm.s32 $0xC;
	v25 =	vadd.f32 v30, v6;
	[tilespmem:v31+s23+$0x0] =	vst.idx.msk $0xffff, v63  }
.LBB2_3:
0x4b: {  	p0 =	slt.u32 s7, $0x7C;
	s9 =	sadd.s32 $0x1, s6;
	v26 =	vand.u32 $0x7F, v26;
	[tilespmem:v22+s23+$0x0] =	vst.idx.msk $0xffff, v24;
	v17 =	vadd.f32 v17, v6;
	v22 =	vld [tilespmem:s18+$0x60];
	v24 =	vadd.s32 v3, v12  }
0x4c: {  	v30 =	vmovc v11;
	v27 =	vld [tilespmem:s20+$0xFFFFFF80];
	v28 =	vmov s9;
	s9 =	sadd.s32 $0x2, s6;
	v29 =	vadd.s32 v0, v26;
	[tilespmem:v21+s23+$0x0] =	vst.idx.msk $0xffff, v25;
	v16 =	vadd.f32 v16, v4;
	s6 =	smov.u32 s7  }
0x4d: {  	v12 =	vmovc v8;
	v21 =	vld [tilespmem:s20+$0xFFFFFFC0];
	v11 =	vmov s9;
	[tilespmem:v14+s23+$0x0] =	vst.idx.msk $0xffff, v17;
	v14 =	vadd.s32 v2, v7;
	v15 =	vadd.f32 v15, v4  }
0x4e: {  	v17 =	vadd.s32 v0, v13;
	v28 =	vand.u32 $0x7D, v28;
	v25 =	vld [tilespmem:s20+$0x0];
	v31 =	vadd.f32 v18, v4;
	[tilespmem:v19+s23+$0x0] =	vst.idx.msk $0xffff, v16  }
0x4f: {  	v16 =	vadd.s32 v0, v28;
	v11 =	vand.u32 $0x7E, v11;
	v18 =	vadd.f32 v23, v9;
	v19 =	vld [tilespmem:s18+$0xFFFFFFE0];
	[tilespmem:v20+s23+$0x0] =	vst.idx.msk $0xffff, v15  }
0x50: {  	v8 =	vmov v13;
	v15 =	vadd.s32 v0, v11;
	v20 =	vld [tilespmem:s18+$0x20];
	v22 =	vadd.f32 v22, v5;
	[tilespmem:v24+s23+$0x0] =	vst.idx.msk $0xffff, v31  }
0x51: {  	v23 =	vadd.s32 v2, v10;
	v13 =	vadd.f32 v27, v9;
	[tilespmem:v29+s23+$0x0] =	vst.idx.msk $0xffff, v18;
	v18 =	vld [tilespmem:s18+$0xFFFFFFA0]  }
0x52: {  	v27 =	vadd.s32 v2, v30;
	v21 =	vadd.f32 v21, v9;
	v24 =	vld [tilespmem:s20+$0x50];
	[tilespmem:v14+s23+$0x0] =	vst.idx.msk $0xffff, v22  }
0x53: {  	[tilespmem:v17+s23+$0x0] =	vst.idx.msk $0xffff, v13;
	v13 =	vadd.f32 v25, v9;
	v25 =	vadd.s32 v2, v12;
	v29 =	vld [tilespmem:s18+$0x70]  }
0x54: {  	v32 =	vadd.s32 v1, v26;
	v31 =	vld [tilespmem:s20+$0xFFFFFF90];
	[tilespmem:v16+s23+$0x0] =	vst.idx.msk $0xffff, v21;
	v14 =	vadd.f32 v19, v5  }
0x55: {  	v34 =	vadd.s32 v3, v7;
	v7 =	vmov v26;
	v33 =	vld [tilespmem:s20+$0xFFFFFFD0];
	[tilespmem:v15+s23+$0x0] =	vst.idx.msk $0xffff, v13;
	v13 =	vadd.f32 v20, v5  }
.Ltmp0:
0x56: {  	v22 =	vadd.s32 v1, v8;
	v17 =	vld [tilespmem:s20+$0x10];
	v15 =	vadd.f32 v18, v5;
	[tilespmem:v23+s23+$0x0] =	vst.idx.msk $0xffff, v14;
	(pc) =	sbr.rel @p0 .LBB2_3-.Ltmp0, $4  }
0x57: {  	v21 =	vadd.s32 v1, v28;
	v18 =	vadd.f32 v24, v6;
	v16 =	vld [tilespmem:s18+$0xFFFFFFF0];
	[tilespmem:v27+s23+$0x0] =	vst.idx.msk $0xffff, v13  }
0x58: {  	v14 =	vadd.s32 v1, v11;
	v13 =	vmov s7;
	[tilespmem:v25+s23+$0x0] =	vst.idx.msk $0xffff, v15;
	v15 =	vld [tilespmem:s18+$0x30];
	v27 =	vadd.f32 v29, v4  }
0x59: {  	s9 =	sadd.s32 $0x3, s7;
	v19 =	vadd.s32 v3, v10;
	v13 =	vand.u32 $0x7C, v13;
	v24 =	vadd.f32 v31, v6;
	[tilespmem:v32+s23+$0x0] =	vst.idx.msk $0xffff, v18;
	v18 =	vld [tilespmem:s18+$0xFFFFFFB0];
	s18 =	smov.u32 s20;
	s20 =	sadd.s32 $0x100, s20  }
0x5a: {  	v26 =	vmov s9;
	v10 =	vmovc v28;
	v20 =	vadd.s32 v3, v30;
	s7 =	sadd.s32 $0x4, s7;
	v23 =	vld [tilespmem:s20+$0x40];
	v25 =	vadd.f32 v33, v6;
	[tilespmem:v34+s23+$0x0] =	vst.idx.msk $0xffff, v27  }
0x5b: {  	s7 =	sadd.s32 $0x1, s6  }
0x5c: {  	v26 =	vand.u32 $0x7F, v26;
	s1 =	sadd.s32 $0x2, s6;
	v28 =	vld [tilespmem:s20+$0xFFFFFFC0];
	v27 =	vmov s7  }
0x5d: {  	v31 =	vld [tilespmem:s20+$0x0];
	v29 =	vadd.s32 v0, v26;
	v30 =	vmov s1;
	v27 =	vand.u32 $0x7D, v27  }
0x5e: {  	v32 =	vld [tilespmem:s20+$0xFFFFFF80];
	v30 =	vand.u32 $0x7E, v30;
	v33 =	vadd.s32 v0, v27  }
0x5f: {  	v34 =	vadd.s32 v0, v30  }
0x60: {  	[tilespmem:v22+s23+$0x0] =	vst.idx.msk $0xffff, v24;
	v44 =	vadd.s32 v0, v13;
	v23 =	vadd.f32 v23, v9  }
0x61: {  	[tilespmem:v21+s23+$0x0] =	vst.idx.msk $0xffff, v25;
	v45 =	vadd.f32 v28, v9  }
0x62: {  	v46 =	vadd.f32 v31, v9;
	[tilespmem:v29+s23+$0x0] =	vst.idx.msk $0xffff, v23  }
0x63: {  	v47 =	vadd.f32 v32, v9;
	v48 =	vld [tilespmem:s20+$0x50];
	[tilespmem:v33+s23+$0x0] =	vst.idx.msk $0xffff, v45  }
0x64: {  	v17 =	vadd.f32 v17, v6;
	v12 =	vadd.s32 v3, v12;
	[tilespmem:v34+s23+$0x0] =	vst.idx.msk $0xffff, v46;
	v21 =	vld [tilespmem:s20+$0xFFFFFFD0]  }
0x65: {  	v16 =	vadd.f32 v16, v4;
	v49 =	vadd.s32 v1, v26;
	[tilespmem:v44+s23+$0x0] =	vst.idx.msk $0xffff, v47;
	v50 =	vld [tilespmem:s20+$0x10]  }
0x66: {  	[tilespmem:v14+s23+$0x0] =	vst.idx.msk $0xffff, v17;
	v51 =	vadd.f32 v15, v4;
	v53 =	vadd.s32 v1, v27;
	v52 =	vld [tilespmem:s20+$0xFFFFFF90]  }
0x67: {  	v54 =	vld [tilespmem:s18+$0x60];
	v18 =	vadd.f32 v18, v4;
	[tilespmem:v19+s23+$0x0] =	vst.idx.msk $0xffff, v16;
	v55 =	vadd.s32 v1, v30  }
0x68: {  	v57 =	vadd.s32 v1, v13;
	v60 =	vld [tilespmem:s18+$0x20];
	[tilespmem:v20+s23+$0x0] =	vst.idx.msk $0xffff, v51;
	v58 =	vadd.f32 v48, v6  }
0x69: {  	v59 =	vadd.s32 v2, v7;
	v56 =	vld [tilespmem:s18+$0xFFFFFFE0];
	[tilespmem:v12+s23+$0x0] =	vst.idx.msk $0xffff, v18;
	v61 =	vadd.f32 v21, v6  }
0x6a: {  	v62 =	vld [tilespmem:s18+$0xFFFFFFA0];
	v29 =	vadd.s32 v2, v11;
	[tilespmem:v49+s23+$0x0] =	vst.idx.msk $0xffff, v58;
	v28 =	vadd.f32 v50, v6  }
0x6b: {  	v63 =	vadd.s32 v2, v10;
	v31 =	vadd.f32 v52, v6;
	v32 =	vld [tilespmem:s20+$0x60];
	[tilespmem:v53+s23+$0x0] =	vst.idx.msk $0xffff, v61  }
0x6c: {  	v33 =	vadd.f32 v54, v5;
	v34 =	vadd.s32 v2, v8;
	[tilespmem:v55+s23+$0x0] =	vst.idx.msk $0xffff, v28;
	v35 =	vld [tilespmem:s20+$0xFFFFFFE0]  }
0x6d: {  	v37 =	vadd.s32 v2, v26;
	v39 =	vadd.f32 v60, v5;
	[tilespmem:v57+s23+$0x0] =	vst.idx.msk $0xffff, v31;
	v38 =	vld [tilespmem:s20+$0x20]  }
0x6e: {  	v41 =	vadd.s32 v2, v27;
	v36 =	vadd.f32 v56, v5;
	[tilespmem:v59+s23+$0x0] =	vst.idx.msk $0xffff, v33;
	v40 =	vld [tilespmem:s20+$0xFFFFFFA0]  }
0x6f: {  	v43 =	vadd.s32 v2, v30;
	v18 =	vadd.f32 v62, v5;
	v42 =	vld [tilespmem:s18+$0x70];
	[tilespmem:v29+s23+$0x0] =	vst.idx.msk $0xffff, v39  }
0x70: {  	v45 =	vadd.s32 v2, v13;
	[tilespmem:v63+s23+$0x0] =	vst.idx.msk $0xffff, v36;
	v47 =	vld [tilespmem:s18+$0x30];
	v44 =	vadd.f32 v32, v5  }
0x71: {  	v46 =	vadd.s32 v3, v7;
	[tilespmem:v34+s23+$0x0] =	vst.idx.msk $0xffff, v18;
	v21 =	vld [tilespmem:s18+$0xFFFFFFF0];
	v9 =	vadd.f32 v35, v5  }
0x72: {  	v18 =	vld [tilespmem:s18+$0xFFFFFFB0];
	v50 =	vadd.s32 v3, v11;
	[tilespmem:v37+s23+$0x0] =	vst.idx.msk $0xffff, v44;
	v49 =	vadd.f32 v38, v5  }
0x73: {  	v48 =	vadd.s32 v3, v10;
	v5 =	vadd.f32 v40, v5;
	v12 =	vld [tilespmem:s20+$0x70];
	[tilespmem:v41+s23+$0x0] =	vst.idx.msk $0xffff, v9  }
0x74: {  	v52 =	vadd.s32 v3, v8;
	v51 =	vadd.f32 v42, v4;
	[tilespmem:v43+s23+$0x0] =	vst.idx.msk $0xffff, v49;
	v53 =	vld [tilespmem:s20+$0xFFFFFFF0]  }
0x75: {  	v55 =	vadd.s32 v3, v26;
	v56 =	vadd.f32 v47, v4;
	[tilespmem:v45+s23+$0x0] =	vst.idx.msk $0xffff, v5;
	v5 =	vld [tilespmem:s20+$0x30]  }
0x76: {  	v58 =	vadd.s32 v3, v27;
	[tilespmem:v46+s23+$0x0] =	vst.idx.msk $0xffff, v51;
	v54 =	vadd.f32 v21, v4;
	v57 =	vld [tilespmem:s20+$0xFFFFFFB0]  }
0x77: {  	v60 =	vadd.s32 v3, v30;
	v59 =	vadd.f32 v18, v4;
	[tilespmem:v50+s23+$0x0] =	vst.idx.msk $0xffff, v56  }
0x78: {  	v62 =	vadd.s32 v3, v13;
	[tilespmem:v48+s23+$0x0] =	vst.idx.msk $0xffff, v54;
	v61 =	vadd.f32 v12, v4  }
0x79: {  	p0 =	seq.s32 s17, $0x9;
	[tilespmem:v52+s23+$0x0] =	vst.idx.msk $0xffff, v59;
	v63 =	vadd.f32 v53, v4  }
0x7a: {  	s6 =	smul.u32 @!p0 $0xA00, s17;
	[tilespmem:v55+s23+$0x0] =	vst.idx.msk $0xffff, v61;
	v5 =	vadd.f32 v5, v4  }
0x7b: {  	v4 =	vadd.f32 v57, v4;
	[tilespmem:v58+s23+$0x0] =	vst.idx.msk $0xffff, v63  }
0x7c: {  	s18 =	sshra.s32 @!p0 s6, $0x2;
	[tilespmem:v60+s23+$0x0] =	vst.idx.msk $0xffff, v5  }
0x7d: {  	s7 =	simm.s32 @!p0 $0x80;
	s9 =	simm.s32 @!p0 $0x2580;
	s6 =	sadd.s32 @!p0 $0x280, s18;
	[tilespmem:v62+s23+$0x0] =	vst.idx.msk $0xffff, v4  }
0x7e: {  	[tilespmem:s9], [sflag:$0x1] =	stream.indirect.gather @!p0 [hbm4b:s4+s7], $0x40, s6, s7, $0xb8;
	[tilespmem:$0x16F80] =	vst v63  }
0x7f: {  	s7 =	sadd.s32 s5, s19  }
0x80: {  	s6 =	sshll.u32 s7, $0x10  }
0x81: {  	s6 =	sor.u32 s8, s6  }
0x82: {  	s6 =	sshrl.u32 s6, $0x3  }
0x83: {  	s9 =	simm.s32 $0xC580;
	s7 =	sadd.s32 s2, s6  }
0x84: {  	[hbm4b:s7+s3] =	stream.linear.scatter [tilespmem:s9], [sflag:$0x6], $0x80, $0x38;
	[tilespmem:$0x16F80] =	vst v63  }
0x85: {  	s11 =	simm.s32 $0xC608;
	s20 =	sadd.s32 $0x10, s7  }
0x86: {  	[hbm4b:s20+s3] =	stream.linear.scatter [tilespmem:s11], [sflag:$0x6], $0x80, $0x38;
	[tilespmem:$0x16F80] =	vst v63  }
0x87: {  	s21 =	simm.s32 $0xC690;
	s1 =	sadd.s32 $0x20, s7  }
0x88: {  	[hbm4b:s1+s3] =	stream.linear.scatter [tilespmem:s21], [sflag:$0x6], $0x80, $0x38;
	[tilespmem:$0x16F80] =	vst v63  }
0x89: {  	s11 =	simm.s32 $0xC718;
	s20 =	sadd.s32 $0x30, s7  }
0x8a: {  	[hbm4b:s20+s3] =	stream.linear.scatter [tilespmem:s11], [sflag:$0x6], $0x80, $0x38;
	[tilespmem:$0x16F80] =	vst v63  }
0x8b: {  	s21 =	simm.s32 $0xC7A0;
	s1 =	sadd.s32 $0x40, s7  }
0x8c: {  	[hbm4b:s1+s3] =	stream.linear.scatter [tilespmem:s21], [sflag:$0x6], $0x80, $0x38;
	[tilespmem:$0x16F80] =	vst v63  }
0x8d: {  	s6 =	simm.s32 $0x440;
	s9 =	simm.s32 $0xC828;
	s11 =	sadd.s32 $0x50, s7  }
0x8e: {  	[hbm4b:s11+s3] =	stream.linear.scatter [tilespmem:s9], [sflag:$0x6], $0x80, $0x38;
	[tilespmem:$0x16F80] =	vst v63  }
0x8f: {  	s20 =	simm.s32 $0xC8B0;
	s21 =	sadd.s32 $0x60, s7;
	s9 =	simm.s32 $0x2200  }
0x90: {  	[hbm4b:s21+s3] =	stream.linear.scatter [tilespmem:s20], [sflag:$0x6], $0x80, $0x38;
	[tilespmem:$0x16F80] =	vst v63  }
0x91: {  	s20 =	simm.s32 $0xC938;
	s21 =	sadd.s32 $0x70, s7;
	s7 =	sadd.s32 $0x400, s7  }
.LBB2_5:
0x92: {  	[hbm4b:s21+s3] =	stream.linear.scatter [tilespmem:s20], [sflag:$0x6], $0x80, $0x38;
	[tilespmem:$0x16F80] =	vst v63  }
0x93: {  	s20 =	smov.u32 s6;
	s6 =	smov.u32 s9  }
0x94: {  	s1 =	sadd.s32 $0x1100, s9;
	s6 =	sshra.s32 s6, $0x2;
	s21 =	sadd.s32 $0xC580, s20  }
0x95: {  	[hbm4b:s7+s3] =	stream.linear.scatter [tilespmem:s21], [sflag:$0x6], $0x80, $0x38;
	[tilespmem:$0x16F80] =	vst v63  }
0x96: {  	p2 =	sne.s32 s9, $0x7700;
	s9 =	sadd.s32 $0xC608, s20;
	s21 =	sadd.s32 $0x10, s7  }
0x97: {  	[hbm4b:s21+s3] =	stream.linear.scatter [tilespmem:s9], [sflag:$0x6], $0x80, $0x38;
	[tilespmem:$0x16F80] =	vst v63  }
0x98: {  	s9 =	sadd.s32 $0xC690, s20;
	s21 =	sadd.s32 $0x20, s7  }
0x99: {  	[hbm4b:s21+s3] =	stream.linear.scatter [tilespmem:s9], [sflag:$0x6], $0x80, $0x38;
	[tilespmem:$0x16F80] =	vst v63  }
0x9a: {  	s9 =	sadd.s32 $0xC718, s20;
	s21 =	sadd.s32 $0x30, s7  }
0x9b: {  	[hbm4b:s21+s3] =	stream.linear.scatter [tilespmem:s9], [sflag:$0x6], $0x80, $0x38;
	[tilespmem:$0x16F80] =	vst v63  }
0x9c: {  	s9 =	sadd.s32 $0xC7A0, s20;
	s21 =	sadd.s32 $0x40, s7  }
0x9d: {  	[hbm4b:s21+s3] =	stream.linear.scatter [tilespmem:s9], [sflag:$0x6], $0x80, $0x38;
	[tilespmem:$0x16F80] =	vst v63  }
.Ltmp1:
0x9e: {  	s9 =	sadd.s32 $0xC828, s20;
	s21 =	sadd.s32 $0x50, s7;
	(pc) =	sbr.rel @p2 .LBB2_5-.Ltmp1, $4  }
0x9f: {  	[hbm4b:s21+s3] =	stream.linear.scatter [tilespmem:s9], [sflag:$0x6], $0x80, $0x38;
	[tilespmem:$0x16F80] =	vst v63  }
0xa0: {  	s9 =	sadd.s32 $0xC8B0, s20;
	s21 =	sadd.s32 $0x60, s7;
	s20 =	sadd.s32 $0xC938, s20  }
0xa1: {  	[hbm4b:s21+s3] =	stream.linear.scatter [tilespmem:s9], [sflag:$0x6], $0x80, $0x38;
	[tilespmem:$0x16F80] =	vst v63  }
0xa2: {  	s21 =	sadd.s32 $0x70, s7;
	s7 =	sadd.s32 $0x400, s7;
	s9 =	smov.u32 s1  }
0xa3: {  	[hbm4b:s21+s3] =	stream.linear.scatter [tilespmem:s20], [sflag:$0x6], $0x80, $0x38;
	[tilespmem:$0x16F80] =	vst v63  }
0xa4: {  	s1 =	sadd.s32 $0xC580, s6  }
0xa5: {  	[hbm4b:s7+s3] =	stream.linear.scatter [tilespmem:s1], [sflag:$0x6], $0x80, $0x38;
	[tilespmem:$0x16F80] =	vst v63  }
0xa6: {  	s11 =	sadd.s32 $0xC608, s6;
	s9 =	sadd.s32 $0x10, s7  }
0xa7: {  	[hbm4b:s9+s3] =	stream.linear.scatter [tilespmem:s11], [sflag:$0x6], $0x80, $0x38;
	[tilespmem:$0x16F80] =	vst v63  }
0xa8: {  	s20 =	sadd.s32 $0xC690, s6;
	s21 =	sadd.s32 $0x20, s7  }
0xa9: {  	[hbm4b:s21+s3] =	stream.linear.scatter [tilespmem:s20], [sflag:$0x6], $0x80, $0x38;
	[tilespmem:$0x16F80] =	vst v63  }
0xaa: {  	s9 =	sadd.s32 $0xC718, s6;
	s11 =	sadd.s32 $0x30, s7  }
0xab: {  	[hbm4b:s11+s3] =	stream.linear.scatter [tilespmem:s9], [sflag:$0x6], $0x80, $0x38;
	[tilespmem:$0x16F80] =	vst v63  }
0xac: {  	s20 =	sadd.s32 $0xC7A0, s6;
	s21 =	sadd.s32 $0x40, s7  }
0xad: {  	[hbm4b:s21+s3] =	stream.linear.scatter [tilespmem:s20], [sflag:$0x6], $0x80, $0x38;
	[tilespmem:$0x16F80] =	vst v63  }
0xae: {  	s9 =	sadd.s32 $0xC828, s6;
	s11 =	sadd.s32 $0x50, s7  }
0xaf: {  	[hbm4b:s11+s3] =	stream.linear.scatter [tilespmem:s9], [sflag:$0x6], $0x80, $0x38;
	[tilespmem:$0x16F80] =	vst v63  }
0xb0: {  	s20 =	sadd.s32 $0xC8B0, s6;
	s21 =	sadd.s32 $0x60, s7  }
0xb1: {  	[hbm4b:s21+s3] =	stream.linear.scatter [tilespmem:s20], [sflag:$0x6], $0x80, $0x38;
	[tilespmem:$0x16F80] =	vst v63  }
0xb2: {  	s6 =	sadd.s32 $0xC938, s6;
	s9 =	sadd.s32 $0x70, s7  }
0xb3: {  	[hbm4b:s9+s3] =	stream.linear.scatter [tilespmem:s6], [sflag:$0x6], $0x80, $0x38;
	[tilespmem:$0x16F80] =	vst v63  }
0xb4: {  	_ =	swait.ge [sflag:s24], $0x2000  }
0xb5: {  	[sflag:s24] =	ssyncset.done $0x0  }
0xb6: {  	s1 =	simm.s32 @!p1 $0x7;
	[sflag:s24] =	ssyncadd.s32 $0xFFFFE000  }
0xb7: {  	s20 =	sadd.s32 $0x1, s19;
	_ =	swait.ge @!p1 [sflag:s1], $0x2000  }
0xb8: {  	s11 =	sshll.u32 s20, $0x6;
	[sflag:s1] =	ssyncset.done @!p1 $0x0  }
0xb9: {  	[sflag:s1] =	ssyncadd.s32 @!p1 $0xFFFFE000;
	s1 =	sand.u32 $0x3FFFFFC0, s11  }
0xba: {  	s21 =	simm.s32 $0x3;
	s9 =	simm.s32 $0x4600;
	v9 =	vld [tilespmem:s1+$0x1900]  }
0xbb: {  	v4 =	vmov s21;
	v7 =	vld [tilespmem:s9+$0x40]  }
0xbc: {  	v13 =	vand.u32 $0x7F, v4  }
0xbd: {  	s7 =	simm.s32 $0x0;
	v8 =	vadd.s32 v0, v13;
	v6 =	vld [tilespmem:s1+$0x1910]  }
0xbe: {  	s21 =	simm.s32 $0x2;
	v4 =	vmov s7;
	s11 =	simm.s32 $0x1;
	v10 =	vld [tilespmem:s9+$0xFFFFFF80]  }
0xbf: {  	v14 =	vmov s21;
	v12 =	vand.u32 $0x7C, v4;
	v4 =	vmov s11;
	v11 =	vld [tilespmem:s9+$0xFFFFFFC0]  }
0xc0: {  	v15 =	vadd.s32 v0, v12;
	v16 =	vld [tilespmem:s9+$0x0];
	v19 =	vand.u32 $0x7D, v4;
	v7 =	vadd.f32 v7, v9  }
0xc1: {  	v20 =	vand.u32 $0x7E, v14;
	v5 =	vld [tilespmem:s1+$0x1920];
	v17 =	vadd.s32 v0, v19  }
0xc2: {  	v14 =	vadd.s32 v0, v20;
	v4 =	vld [tilespmem:s1+$0x1930];
	[tilespmem:v8+s25+$0x0] =	vst.idx.msk $0xffff, v7  }
0xc3: {  	v7 =	vadd.f32 v10, v9;
	v8 =	vld [tilespmem:s9+$0x50]  }
0xc4: {  	v10 =	vadd.f32 v11, v9  }
0xc5: {  	v11 =	vadd.s32 v1, v13;
	[tilespmem:v15+s25+$0x0] =	vst.idx.msk $0xffff, v7;
	v7 =	vadd.f32 v16, v9  }
0xc6: {  	[tilespmem:v17+s25+$0x0] =	vst.idx.msk $0xffff, v10;
	v15 =	vld [tilespmem:s9+$0xFFFFFF90]  }
0xc7: {  	v10 =	vld [tilespmem:s9+$0xFFFFFFD0];
	[tilespmem:v14+s25+$0x0] =	vst.idx.msk $0xffff, v7  }
0xc8: {  	v14 =	vld [tilespmem:s9+$0x10];
	v7 =	vadd.f32 v8, v6  }
0xc9: {  	s21 =	simm.s32 $0x4700;
	s11 =	simm.s32 $0x7;
	v16 =	vadd.s32 v1, v19  }
0xca: {  	s7 =	simm.s32 $0x4;
	v26 =	vadd.s32 v2, v13;
	v18 =	vld [tilespmem:s21+$0x40];
	v17 =	vadd.s32 v1, v20;
	[tilespmem:v11+s25+$0x0] =	vst.idx.msk $0xffff, v7;
	v7 =	vmov s11  }
0xcb: {  	v21 =	vadd.s32 v1, v12;
	v8 =	vmov s7;
	v7 =	vand.u32 $0x7F, v7;
	v22 =	vld [tilespmem:s9+$0x60]  }
0xcc: {  	s6 =	simm.s32 $0x5;
	v23 =	vld [tilespmem:s21+$0xFFFFFF80];
	v8 =	vand.u32 $0x7C, v8;
	v10 =	vadd.f32 v10, v6;
	v24 =	vadd.s32 v0, v7  }
0xcd: {  	v25 =	vld [tilespmem:s21+$0xFFFFFFC0];
	s7 =	simm.s32 $0x6;
	v15 =	vadd.f32 v15, v6;
	v11 =	vadd.f32 v14, v6;
	v14 =	vmov s6  }
0xce: {  	v27 =	vadd.s32 v0, v8;
	[tilespmem:v16+s25+$0x0] =	vst.idx.msk $0xffff, v10;
	v16 =	vmov s7;
	v10 =	vand.u32 $0x7D, v14;
	v14 =	vld [tilespmem:s21+$0x0]  }
0xcf: {  	[tilespmem:v17+s25+$0x0] =	vst.idx.msk $0xffff, v11;
	v17 =	vadd.s32 v0, v10;
	v11 =	vand.u32 $0x7E, v16;
	v16 =	vadd.f32 v18, v9;
	v18 =	vld [tilespmem:s9+$0xFFFFFFE0]  }
0xd0: {  	[tilespmem:v21+s25+$0x0] =	vst.idx.msk $0xffff, v15;
	v15 =	vadd.s32 v0, v11;
	v21 =	vld [tilespmem:s9+$0x20];
	v22 =	vadd.f32 v22, v5  }
0xd1: {  	v23 =	vadd.f32 v23, v9;
	[tilespmem:v24+s25+$0x0] =	vst.idx.msk $0xffff, v16;
	v16 =	vld [tilespmem:s9+$0xFFFFFFA0];
	v24 =	vadd.s32 v2, v19  }
0xd2: {  	v29 =	vadd.s32 v2, v20;
	v25 =	vadd.f32 v25, v9;
	v28 =	vld [tilespmem:s21+$0x50];
	[tilespmem:v26+s25+$0x0] =	vst.idx.msk $0xffff, v22  }
0xd3: {  	[tilespmem:v27+s25+$0x0] =	vst.idx.msk $0xffff, v23;
	v23 =	vadd.s32 v2, v12;
	v14 =	vadd.f32 v14, v9;
	v26 =	vld [tilespmem:s9+$0x70]  }
0xd4: {  	v27 =	vld [tilespmem:s21+$0xFFFFFF90];
	[tilespmem:v17+s25+$0x0] =	vst.idx.msk $0xffff, v25;
	v25 =	vadd.s32 v1, v7;
	v18 =	vadd.f32 v18, v5  }
0xd5: {  	v31 =	vadd.s32 v3, v13;
	v30 =	vld [tilespmem:s21+$0xFFFFFFD0];
	[tilespmem:v15+s25+$0x0] =	vst.idx.msk $0xffff, v14;
	v14 =	vadd.f32 v21, v5  }
0xd6: {  	v22 =	vadd.s32 v1, v8;
	v17 =	vld [tilespmem:s21+$0x10];
	v13 =	vadd.f32 v16, v5;
	[tilespmem:v24+s25+$0x0] =	vst.idx.msk $0xffff, v18  }
0xd7: {  	s7 =	simm.s32 $0x8;
	v21 =	vadd.s32 v1, v10;
	[tilespmem:v29+s25+$0x0] =	vst.idx.msk $0xffff, v14;
	v18 =	vadd.f32 v28, v6;
	v16 =	vld [tilespmem:s9+$0xFFFFFFF0]  }
0xd8: {  	v24 =	vmov s7;
	v14 =	vadd.s32 v1, v11;
	v15 =	vld [tilespmem:s9+$0x30];
	[tilespmem:v23+s25+$0x0] =	vst.idx.msk $0xffff, v13;
	v63 =	vadd.f32 v26, v4  }
0xd9: {  	s11 =	simm.s32 $0xB;
	s6 =	simm.s32 $0x4800;
	v19 =	vadd.s32 v3, v19;
	v13 =	vand.u32 $0x7C, v24;
	v24 =	vadd.f32 v27, v6;
	[tilespmem:v25+s25+$0x0] =	vst.idx.msk $0xffff, v18;
	v18 =	vld [tilespmem:s9+$0xFFFFFFB0]  }
0xda: {  	v20 =	vadd.s32 v3, v20;
	v26 =	vmov s11;
	v23 =	vld [tilespmem:s6+$0x40];
	s9 =	simm.s32 $0xC;
	v25 =	vadd.f32 v30, v6;
	[tilespmem:v31+s25+$0x0] =	vst.idx.msk $0xffff, v63  }
.LBB2_7:
0xdb: {  	p2 =	slt.u32 s9, $0x7C;
	s1 =	sadd.s32 $0x1, s7;
	v26 =	vand.u32 $0x7F, v26;
	[tilespmem:v22+s25+$0x0] =	vst.idx.msk $0xffff, v24;
	v17 =	vadd.f32 v17, v6;
	v22 =	vld [tilespmem:s21+$0x60];
	v24 =	vadd.s32 v3, v12  }
0xdc: {  	v30 =	vmovc v11;
	v27 =	vld [tilespmem:s6+$0xFFFFFF80];
	v28 =	vmov s1;
	s1 =	sadd.s32 $0x2, s7;
	v29 =	vadd.s32 v0, v26;
	[tilespmem:v21+s25+$0x0] =	vst.idx.msk $0xffff, v25;
	v16 =	vadd.f32 v16, v4;
	s7 =	smov.u32 s9  }
0xdd: {  	v12 =	vmovc v8;
	v21 =	vld [tilespmem:s6+$0xFFFFFFC0];
	v11 =	vmov s1;
	[tilespmem:v14+s25+$0x0] =	vst.idx.msk $0xffff, v17;
	v14 =	vadd.s32 v2, v7;
	v15 =	vadd.f32 v15, v4  }
0xde: {  	v17 =	vadd.s32 v0, v13;
	v28 =	vand.u32 $0x7D, v28;
	v25 =	vld [tilespmem:s6+$0x0];
	v31 =	vadd.f32 v18, v4;
	[tilespmem:v19+s25+$0x0] =	vst.idx.msk $0xffff, v16  }
0xdf: {  	v16 =	vadd.s32 v0, v28;
	v11 =	vand.u32 $0x7E, v11;
	v18 =	vadd.f32 v23, v9;
	v19 =	vld [tilespmem:s21+$0xFFFFFFE0];
	[tilespmem:v20+s25+$0x0] =	vst.idx.msk $0xffff, v15  }
0xe0: {  	v8 =	vmov v13;
	v15 =	vadd.s32 v0, v11;
	v20 =	vld [tilespmem:s21+$0x20];
	v22 =	vadd.f32 v22, v5;
	[tilespmem:v24+s25+$0x0] =	vst.idx.msk $0xffff, v31  }
0xe1: {  	v23 =	vadd.s32 v2, v10;
	v13 =	vadd.f32 v27, v9;
	[tilespmem:v29+s25+$0x0] =	vst.idx.msk $0xffff, v18;
	v18 =	vld [tilespmem:s21+$0xFFFFFFA0]  }
0xe2: {  	v27 =	vadd.s32 v2, v30;
	v21 =	vadd.f32 v21, v9;
	v24 =	vld [tilespmem:s6+$0x50];
	[tilespmem:v14+s25+$0x0] =	vst.idx.msk $0xffff, v22  }
0xe3: {  	[tilespmem:v17+s25+$0x0] =	vst.idx.msk $0xffff, v13;
	v13 =	vadd.f32 v25, v9;
	v25 =	vadd.s32 v2, v12;
	v29 =	vld [tilespmem:s21+$0x70]  }
0xe4: {  	v32 =	vadd.s32 v1, v26;
	v31 =	vld [tilespmem:s6+$0xFFFFFF90];
	[tilespmem:v16+s25+$0x0] =	vst.idx.msk $0xffff, v21;
	v14 =	vadd.f32 v19, v5  }
0xe5: {  	v34 =	vadd.s32 v3, v7;
	v7 =	vmov v26;
	v33 =	vld [tilespmem:s6+$0xFFFFFFD0];
	[tilespmem:v15+s25+$0x0] =	vst.idx.msk $0xffff, v13;
	v13 =	vadd.f32 v20, v5  }
.Ltmp2:
0xe6: {  	v22 =	vadd.s32 v1, v8;
	v17 =	vld [tilespmem:s6+$0x10];
	v15 =	vadd.f32 v18, v5;
	[tilespmem:v23+s25+$0x0] =	vst.idx.msk $0xffff, v14;
	(pc) =	sbr.rel @p2 .LBB2_7-.Ltmp2, $4  }
0xe7: {  	v21 =	vadd.s32 v1, v28;
	v18 =	vadd.f32 v24, v6;
	v16 =	vld [tilespmem:s21+$0xFFFFFFF0];
	[tilespmem:v27+s25+$0x0] =	vst.idx.msk $0xffff, v13  }
0xe8: {  	v14 =	vadd.s32 v1, v11;
	v13 =	vmov s9;
	[tilespmem:v25+s25+$0x0] =	vst.idx.msk $0xffff, v15;
	v15 =	vld [tilespmem:s21+$0x30];
	v27 =	vadd.f32 v29, v4  }
0xe9: {  	s1 =	sadd.s32 $0x3, s9;
	v19 =	vadd.s32 v3, v10;
	v13 =	vand.u32 $0x7C, v13;
	v24 =	vadd.f32 v31, v6;
	[tilespmem:v32+s25+$0x0] =	vst.idx.msk $0xffff, v18;
	v18 =	vld [tilespmem:s21+$0xFFFFFFB0];
	s21 =	smov.u32 s6;
	s6 =	sadd.s32 $0x100, s6  }
0xea: {  	v26 =	vmov s1;
	v10 =	vmovc v28;
	v20 =	vadd.s32 v3, v30;
	s9 =	sadd.s32 $0x4, s9;
	v23 =	vld [tilespmem:s6+$0x40];
	v25 =	vadd.f32 v33, v6;
	[tilespmem:v34+s25+$0x0] =	vst.idx.msk $0xffff, v27  }
0xeb: {  	s1 =	sadd.s32 $0x1, s7  }
0xec: {  	v26 =	vand.u32 $0x7F, v26;
	s11 =	sadd.s32 $0x2, s7;
	v28 =	vld [tilespmem:s6+$0xFFFFFFC0];
	v27 =	vmov s1  }
0xed: {  	v31 =	vld [tilespmem:s6+$0x0];
	v29 =	vadd.s32 v0, v26;
	v30 =	vmov s11;
	v27 =	vand.u32 $0x7D, v27  }
0xee: {  	v32 =	vld [tilespmem:s6+$0xFFFFFF80];
	v30 =	vand.u32 $0x7E, v30;
	v33 =	vadd.s32 v0, v27  }
0xef: {  	v34 =	vadd.s32 v0, v30  }
0xf0: {  	[tilespmem:v22+s25+$0x0] =	vst.idx.msk $0xffff, v24;
	v44 =	vadd.s32 v0, v13;
	v23 =	vadd.f32 v23, v9  }
0xf1: {  	[tilespmem:v21+s25+$0x0] =	vst.idx.msk $0xffff, v25;
	v45 =	vadd.f32 v28, v9  }
0xf2: {  	v46 =	vadd.f32 v31, v9;
	[tilespmem:v29+s25+$0x0] =	vst.idx.msk $0xffff, v23  }
0xf3: {  	v47 =	vadd.f32 v32, v9;
	v48 =	vld [tilespmem:s6+$0x50];
	[tilespmem:v33+s25+$0x0] =	vst.idx.msk $0xffff, v45  }
0xf4: {  	v17 =	vadd.f32 v17, v6;
	v12 =	vadd.s32 v3, v12;
	[tilespmem:v34+s25+$0x0] =	vst.idx.msk $0xffff, v46;
	v21 =	vld [tilespmem:s6+$0xFFFFFFD0]  }
0xf5: {  	v16 =	vadd.f32 v16, v4;
	v49 =	vadd.s32 v1, v26;
	[tilespmem:v44+s25+$0x0] =	vst.idx.msk $0xffff, v47;
	v50 =	vld [tilespmem:s6+$0x10]  }
0xf6: {  	[tilespmem:v14+s25+$0x0] =	vst.idx.msk $0xffff, v17;
	v51 =	vadd.f32 v15, v4;
	v53 =	vadd.s32 v1, v27;
	v52 =	vld [tilespmem:s6+$0xFFFFFF90]  }
0xf7: {  	v54 =	vld [tilespmem:s21+$0x60];
	v18 =	vadd.f32 v18, v4;
	[tilespmem:v19+s25+$0x0] =	vst.idx.msk $0xffff, v16;
	v55 =	vadd.s32 v1, v30  }
0xf8: {  	v57 =	vadd.s32 v1, v13;
	v60 =	vld [tilespmem:s21+$0x20];
	[tilespmem:v20+s25+$0x0] =	vst.idx.msk $0xffff, v51;
	v58 =	vadd.f32 v48, v6  }
0xf9: {  	v59 =	vadd.s32 v2, v7;
	v56 =	vld [tilespmem:s21+$0xFFFFFFE0];
	[tilespmem:v12+s25+$0x0] =	vst.idx.msk $0xffff, v18;
	v61 =	vadd.f32 v21, v6  }
0xfa: {  	v62 =	vld [tilespmem:s21+$0xFFFFFFA0];
	v29 =	vadd.s32 v2, v11;
	[tilespmem:v49+s25+$0x0] =	vst.idx.msk $0xffff, v58;
	v28 =	vadd.f32 v50, v6  }
0xfb: {  	v63 =	vadd.s32 v2, v10;
	v31 =	vadd.f32 v52, v6;
	v32 =	vld [tilespmem:s6+$0x60];
	[tilespmem:v53+s25+$0x0] =	vst.idx.msk $0xffff, v61  }
0xfc: {  	v33 =	vadd.f32 v54, v5;
	v34 =	vadd.s32 v2, v8;
	[tilespmem:v55+s25+$0x0] =	vst.idx.msk $0xffff, v28;
	v35 =	vld [tilespmem:s6+$0xFFFFFFE0]  }
0xfd: {  	v37 =	vadd.s32 v2, v26;
	v39 =	vadd.f32 v60, v5;
	[tilespmem:v57+s25+$0x0] =	vst.idx.msk $0xffff, v31;
	v38 =	vld [tilespmem:s6+$0x20]  }
0xfe: {  	v41 =	vadd.s32 v2, v27;
	v36 =	vadd.f32 v56, v5;
	[tilespmem:v59+s25+$0x0] =	vst.idx.msk $0xffff, v33;
	v40 =	vld [tilespmem:s6+$0xFFFFFFA0]  }
0xff: {  	v43 =	vadd.s32 v2, v30;
	v18 =	vadd.f32 v62, v5;
	v42 =	vld [tilespmem:s21+$0x70];
	[tilespmem:v29+s25+$0x0] =	vst.idx.msk $0xffff, v39  }
0x100: {  	v45 =	vadd.s32 v2, v13;
	[tilespmem:v63+s25+$0x0] =	vst.idx.msk $0xffff, v36;
	v47 =	vld [tilespmem:s21+$0x30];
	v44 =	vadd.f32 v32, v5  }
0x101: {  	v46 =	vadd.s32 v3, v7;
	[tilespmem:v34+s25+$0x0] =	vst.idx.msk $0xffff, v18;
	v21 =	vld [tilespmem:s21+$0xFFFFFFF0];
	v9 =	vadd.f32 v35, v5  }
0x102: {  	v18 =	vld [tilespmem:s21+$0xFFFFFFB0];
	v50 =	vadd.s32 v3, v11;
	[tilespmem:v37+s25+$0x0] =	vst.idx.msk $0xffff, v44;
	v49 =	vadd.f32 v38, v5  }
0x103: {  	v48 =	vadd.s32 v3, v10;
	v5 =	vadd.f32 v40, v5;
	v12 =	vld [tilespmem:s6+$0x70];
	[tilespmem:v41+s25+$0x0] =	vst.idx.msk $0xffff, v9  }
0x104: {  	v52 =	vadd.s32 v3, v8;
	v51 =	vadd.f32 v42, v4;
	[tilespmem:v43+s25+$0x0] =	vst.idx.msk $0xffff, v49;
	v53 =	vld [tilespmem:s6+$0xFFFFFFF0]  }
0x105: {  	v55 =	vadd.s32 v3, v26;
	v56 =	vadd.f32 v47, v4;
	[tilespmem:v45+s25+$0x0] =	vst.idx.msk $0xffff, v5;
	v5 =	vld [tilespmem:s6+$0x30]  }
0x106: {  	v58 =	vadd.s32 v3, v27;
	[tilespmem:v46+s25+$0x0] =	vst.idx.msk $0xffff, v51;
	v54 =	vadd.f32 v21, v4;
	v57 =	vld [tilespmem:s6+$0xFFFFFFB0]  }
0x107: {  	v60 =	vadd.s32 v3, v30;
	v59 =	vadd.f32 v18, v4;
	[tilespmem:v50+s25+$0x0] =	vst.idx.msk $0xffff, v56  }
0x108: {  	v62 =	vadd.s32 v3, v13;
	[tilespmem:v48+s25+$0x0] =	vst.idx.msk $0xffff, v54;
	v61 =	vadd.f32 v12, v4  }
0x109: {  	[tilespmem:v52+s25+$0x0] =	vst.idx.msk $0xffff, v59;
	v63 =	vadd.f32 v53, v4  }
0x10a: {  	[tilespmem:v55+s25+$0x0] =	vst.idx.msk $0xffff, v61;
	v5 =	vadd.f32 v5, v4  }
0x10b: {  	v4 =	vadd.f32 v57, v4;
	[tilespmem:v58+s25+$0x0] =	vst.idx.msk $0xffff, v63  }
0x10c: {  	[tilespmem:v60+s25+$0x0] =	vst.idx.msk $0xffff, v5  }
0x10d: {  	s7 =	simm.s32 @!p0 $0x4580;
	s1 =	sadd.s32 @!p0 $0x300, s18;
	s6 =	simm.s32 @!p0 $0x80;
	[tilespmem:v62+s25+$0x0] =	vst.idx.msk $0xffff, v4  }
0x10e: {  	[tilespmem:s7], [sflag:$0x2] =	stream.indirect.gather @!p0 [hbm4b:s4+s6], $0x40, s1, s6, $0xb8;
	[tilespmem:$0x16F80] =	vst v63  }
0x10f: {  	s6 =	sadd.s32 s5, s20  }
0x110: {  	s1 =	sshll.u32 s6, $0x10  }
0x111: {  	s1 =	sor.u32 s8, s1  }
0x112: {  	s1 =	sshrl.u32 s1, $0x3  }
0x113: {  	s7 =	simm.s32 $0xE780;
	s1 =	sadd.s32 s2, s1  }
0x114: {  	[hbm4b:s1+s3] =	stream.linear.scatter [tilespmem:s7], [sflag:$0x7], $0x80, $0x38;
	[tilespmem:$0x16F80] =	vst v63  }
0x115: {  	s9 =	simm.s32 $0xE808;
	s11 =	sadd.s32 $0x10, s1  }
0x116: {  	[hbm4b:s11+s3] =	stream.linear.scatter [tilespmem:s9], [sflag:$0x7], $0x80, $0x38;
	[tilespmem:$0x16F80] =	vst v63  }
0x117: {  	s20 =	simm.s32 $0xE890;
	s21 =	sadd.s32 $0x20, s1  }
0x118: {  	[hbm4b:s21+s3] =	stream.linear.scatter [tilespmem:s20], [sflag:$0x7], $0x80, $0x38;
	[tilespmem:$0x16F80] =	vst v63  }
0x119: {  	s9 =	simm.s32 $0xE918;
	s11 =	sadd.s32 $0x30, s1  }
0x11a: {  	[hbm4b:s11+s3] =	stream.linear.scatter [tilespmem:s9], [sflag:$0x7], $0x80, $0x38;
	[tilespmem:$0x16F80] =	vst v63  }
0x11b: {  	s20 =	simm.s32 $0xE9A0;
	s21 =	sadd.s32 $0x40, s1  }
0x11c: {  	[hbm4b:s21+s3] =	stream.linear.scatter [tilespmem:s20], [sflag:$0x7], $0x80, $0x38;
	[tilespmem:$0x16F80] =	vst v63  }
0x11d: {  	s6 =	simm.s32 $0x440;
	s9 =	simm.s32 $0xEA28;
	s11 =	sadd.s32 $0x50, s1  }
0x11e: {  	[hbm4b:s11+s3] =	stream.linear.scatter [tilespmem:s9], [sflag:$0x7], $0x80, $0x38;
	[tilespmem:$0x16F80] =	vst v63  }
0x11f: {  	s7 =	sadd.s32 $0x400, s1;
	s20 =	simm.s32 $0xEAB0;
	s21 =	sadd.s32 $0x60, s1  }
0x120: {  	[hbm4b:s21+s3] =	stream.linear.scatter [tilespmem:s20], [sflag:$0x7], $0x80, $0x38;
	[tilespmem:$0x16F80] =	vst v63  }
0x121: {  	s9 =	simm.s32 $0x2200;
	s20 =	simm.s32 $0xEB38;
	s21 =	sadd.s32 $0x70, s1  }
.LBB2_9:
0x122: {  	[hbm4b:s21+s3] =	stream.linear.scatter [tilespmem:s20], [sflag:$0x7], $0x80, $0x38;
	[tilespmem:$0x16F80] =	vst v63  }
0x123: {  	s1 =	smov.u32 s6;
	s6 =	smov.u32 s9  }
0x124: {  	s11 =	sadd.s32 $0x1100, s9;
	s6 =	sshra.s32 s6, $0x2;
	s20 =	sadd.s32 $0xE780, s1  }
0x125: {  	[hbm4b:s7+s3] =	stream.linear.scatter [tilespmem:s20], [sflag:$0x7], $0x80, $0x38;
	[tilespmem:$0x16F80] =	vst v63  }
0x126: {  	p2 =	sne.s32 s9, $0x7700;
	s9 =	sadd.s32 $0xE808, s1;
	s20 =	sadd.s32 $0x10, s7  }
0x127: {  	[hbm4b:s20+s3] =	stream.linear.scatter [tilespmem:s9], [sflag:$0x7], $0x80, $0x38;
	[tilespmem:$0x16F80] =	vst v63  }
0x128: {  	s9 =	sadd.s32 $0xE890, s1;
	s20 =	sadd.s32 $0x20, s7  }
0x129: {  	[hbm4b:s20+s3] =	stream.linear.scatter [tilespmem:s9], [sflag:$0x7], $0x80, $0x38;
	[tilespmem:$0x16F80] =	vst v63  }
0x12a: {  	s9 =	sadd.s32 $0xE918, s1;
	s20 =	sadd.s32 $0x30, s7  }
0x12b: {  	[hbm4b:s20+s3] =	stream.linear.scatter [tilespmem:s9], [sflag:$0x7], $0x80, $0x38;
	[tilespmem:$0x16F80] =	vst v63  }
0x12c: {  	s9 =	sadd.s32 $0xE9A0, s1;
	s20 =	sadd.s32 $0x40, s7  }
0x12d: {  	[hbm4b:s20+s3] =	stream.linear.scatter [tilespmem:s9], [sflag:$0x7], $0x80, $0x38;
	[tilespmem:$0x16F80] =	vst v63  }
.Ltmp3:
0x12e: {  	s9 =	sadd.s32 $0xEA28, s1;
	s20 =	sadd.s32 $0x50, s7;
	(pc) =	sbr.rel @p2 .LBB2_9-.Ltmp3, $4  }
0x12f: {  	[hbm4b:s20+s3] =	stream.linear.scatter [tilespmem:s9], [sflag:$0x7], $0x80, $0x38;
	[tilespmem:$0x16F80] =	vst v63  }
0x130: {  	s21 =	sadd.s32 $0x70, s7;
	s9 =	sadd.s32 $0xEAB0, s1;
	s20 =	sadd.s32 $0x60, s7  }
0x131: {  	[hbm4b:s20+s3] =	stream.linear.scatter [tilespmem:s9], [sflag:$0x7], $0x80, $0x38;
	[tilespmem:$0x16F80] =	vst v63  }
0x132: {  	s7 =	sadd.s32 $0x400, s7;
	s20 =	sadd.s32 $0xEB38, s1;
	s9 =	smov.u32 s11  }
0x133: {  	[hbm4b:s21+s3] =	stream.linear.scatter [tilespmem:s20], [sflag:$0x7], $0x80, $0x38;
	[tilespmem:$0x16F80] =	vst v63  }
0x134: {  	s1 =	sadd.s32 $0xE780, s6  }
0x135: {  	[hbm4b:s7+s3] =	stream.linear.scatter [tilespmem:s1], [sflag:$0x7], $0x80, $0x38;
	[tilespmem:$0x16F80] =	vst v63  }
0x136: {  	s11 =	sadd.s32 $0xE808, s6;
	s9 =	sadd.s32 $0x10, s7  }
0x137: {  	[hbm4b:s9+s3] =	stream.linear.scatter [tilespmem:s11], [sflag:$0x7], $0x80, $0x38;
	[tilespmem:$0x16F80] =	vst v63  }
0x138: {  	s20 =	sadd.s32 $0xE890, s6;
	s21 =	sadd.s32 $0x20, s7  }
0x139: {  	[hbm4b:s21+s3] =	stream.linear.scatter [tilespmem:s20], [sflag:$0x7], $0x80, $0x38;
	[tilespmem:$0x16F80] =	vst v63  }
0x13a: {  	s9 =	sadd.s32 $0xE918, s6;
	s11 =	sadd.s32 $0x30, s7  }
0x13b: {  	[hbm4b:s11+s3] =	stream.linear.scatter [tilespmem:s9], [sflag:$0x7], $0x80, $0x38;
	[tilespmem:$0x16F80] =	vst v63  }
0x13c: {  	s20 =	sadd.s32 $0xE9A0, s6;
	s21 =	sadd.s32 $0x40, s7  }
0x13d: {  	[hbm4b:s21+s3] =	stream.linear.scatter [tilespmem:s20], [sflag:$0x7], $0x80, $0x38;
	[tilespmem:$0x16F80] =	vst v63  }
0x13e: {  	s9 =	sadd.s32 $0xEA28, s6;
	s11 =	sadd.s32 $0x50, s7  }
0x13f: {  	[hbm4b:s11+s3] =	stream.linear.scatter [tilespmem:s9], [sflag:$0x7], $0x80, $0x38;
	[tilespmem:$0x16F80] =	vst v63  }
0x140: {  	s20 =	sadd.s32 $0xEAB0, s6;
	s21 =	sadd.s32 $0x60, s7  }
0x141: {  	[hbm4b:s21+s3] =	stream.linear.scatter [tilespmem:s20], [sflag:$0x7], $0x80, $0x38;
	[tilespmem:$0x16F80] =	vst v63  }
0x142: {  	s6 =	sadd.s32 $0xEB38, s6;
	s9 =	sadd.s32 $0x70, s7  }
0x143: {  	[hbm4b:s9+s3] =	stream.linear.scatter [tilespmem:s6], [sflag:$0x7], $0x80, $0x38;
	[tilespmem:$0x16F80] =	vst v63  }
0x144: {  	_ =	swait.ge [sflag:s26], $0x2000  }
0x145: {  	[sflag:s26] =	ssyncset.done $0x0  }
0x146: {  	s1 =	simm.s32 @!p1 $0x8;
	[sflag:s26] =	ssyncadd.s32 $0xFFFFE000  }
0x147: {  	s20 =	sadd.s32 $0x2, s19;
	_ =	swait.ge @!p1 [sflag:s1], $0x2000  }
0x148: {  	s11 =	sshll.u32 s20, $0x6;
	[sflag:s1] =	ssyncset.done @!p1 $0x0  }
0x149: {  	[sflag:s1] =	ssyncadd.s32 @!p1 $0xFFFFE000;
	s1 =	sand.u32 $0x3FFFFFC0, s11  }
0x14a: {  	s21 =	simm.s32 $0x3;
	s9 =	simm.s32 $0x6600;
	v9 =	vld [tilespmem:s1+$0x1900]  }
0x14b: {  	v4 =	vmov s21;
	v7 =	vld [tilespmem:s9+$0x40]  }
0x14c: {  	v13 =	vand.u32 $0x7F, v4  }
0x14d: {  	s7 =	simm.s32 $0x0;
	v8 =	vadd.s32 v0, v13;
	v6 =	vld [tilespmem:s1+$0x1910]  }
0x14e: {  	s21 =	simm.s32 $0x2;
	v4 =	vmov s7;
	s11 =	simm.s32 $0x1;
	v10 =	vld [tilespmem:s9+$0xFFFFFF80]  }
0x14f: {  	v14 =	vmov s21;
	v12 =	vand.u32 $0x7C, v4;
	v4 =	vmov s11;
	v11 =	vld [tilespmem:s9+$0xFFFFFFC0]  }
0x150: {  	v15 =	vadd.s32 v0, v12;
	v16 =	vld [tilespmem:s9+$0x0];
	v19 =	vand.u32 $0x7D, v4;
	v7 =	vadd.f32 v7, v9  }
0x151: {  	v20 =	vand.u32 $0x7E, v14;
	v5 =	vld [tilespmem:s1+$0x1920];
	v17 =	vadd.s32 v0, v19  }
0x152: {  	v14 =	vadd.s32 v0, v20;
	v4 =	vld [tilespmem:s1+$0x1930];
	[tilespmem:v8+s28+$0x0] =	vst.idx.msk $0xffff, v7  }
0x153: {  	v7 =	vadd.f32 v10, v9;
	v8 =	vld [tilespmem:s9+$0x50]  }
0x154: {  	v10 =	vadd.f32 v11, v9  }
0x155: {  	v11 =	vadd.s32 v1, v13;
	[tilespmem:v15+s28+$0x0] =	vst.idx.msk $0xffff, v7;
	v7 =	vadd.f32 v16, v9  }
0x156: {  	[tilespmem:v17+s28+$0x0] =	vst.idx.msk $0xffff, v10;
	v15 =	vld [tilespmem:s9+$0xFFFFFF90]  }
0x157: {  	v10 =	vld [tilespmem:s9+$0xFFFFFFD0];
	[tilespmem:v14+s28+$0x0] =	vst.idx.msk $0xffff, v7  }
0x158: {  	v14 =	vld [tilespmem:s9+$0x10];
	v7 =	vadd.f32 v8, v6  }
0x159: {  	s21 =	simm.s32 $0x6700;
	s11 =	simm.s32 $0x7;
	v16 =	vadd.s32 v1, v19  }
0x15a: {  	s7 =	simm.s32 $0x4;
	v26 =	vadd.s32 v2, v13;
	v18 =	vld [tilespmem:s21+$0x40];
	v17 =	vadd.s32 v1, v20;
	[tilespmem:v11+s28+$0x0] =	vst.idx.msk $0xffff, v7;
	v7 =	vmov s11  }
0x15b: {  	v21 =	vadd.s32 v1, v12;
	v8 =	vmov s7;
	v7 =	vand.u32 $0x7F, v7;
	v22 =	vld [tilespmem:s9+$0x60]  }
0x15c: {  	s6 =	simm.s32 $0x5;
	v23 =	vld [tilespmem:s21+$0xFFFFFF80];
	v8 =	vand.u32 $0x7C, v8;
	v10 =	vadd.f32 v10, v6;
	v24 =	vadd.s32 v0, v7  }
0x15d: {  	v25 =	vld [tilespmem:s21+$0xFFFFFFC0];
	s7 =	simm.s32 $0x6;
	v15 =	vadd.f32 v15, v6;
	v11 =	vadd.f32 v14, v6;
	v14 =	vmov s6  }
0x15e: {  	v27 =	vadd.s32 v0, v8;
	[tilespmem:v16+s28+$0x0] =	vst.idx.msk $0xffff, v10;
	v16 =	vmov s7;
	v10 =	vand.u32 $0x7D, v14;
	v14 =	vld [tilespmem:s21+$0x0]  }
0x15f: {  	[tilespmem:v17+s28+$0x0] =	vst.idx.msk $0xffff, v11;
	v17 =	vadd.s32 v0, v10;
	v11 =	vand.u32 $0x7E, v16;
	v16 =	vadd.f32 v18, v9;
	v18 =	vld [tilespmem:s9+$0xFFFFFFE0]  }
0x160: {  	[tilespmem:v21+s28+$0x0] =	vst.idx.msk $0xffff, v15;
	v15 =	vadd.s32 v0, v11;
	v21 =	vld [tilespmem:s9+$0x20];
	v22 =	vadd.f32 v22, v5  }
0x161: {  	v23 =	vadd.f32 v23, v9;
	[tilespmem:v24+s28+$0x0] =	vst.idx.msk $0xffff, v16;
	v16 =	vld [tilespmem:s9+$0xFFFFFFA0];
	v24 =	vadd.s32 v2, v19  }
0x162: {  	v29 =	vadd.s32 v2, v20;
	v25 =	vadd.f32 v25, v9;
	v28 =	vld [tilespmem:s21+$0x50];
	[tilespmem:v26+s28+$0x0] =	vst.idx.msk $0xffff, v22  }
0x163: {  	[tilespmem:v27+s28+$0x0] =	vst.idx.msk $0xffff, v23;
	v23 =	vadd.s32 v2, v12;
	v14 =	vadd.f32 v14, v9;
	v26 =	vld [tilespmem:s9+$0x70]  }
0x164: {  	v27 =	vld [tilespmem:s21+$0xFFFFFF90];
	[tilespmem:v17+s28+$0x0] =	vst.idx.msk $0xffff, v25;
	v25 =	vadd.s32 v1, v7;
	v18 =	vadd.f32 v18, v5  }
0x165: {  	v31 =	vadd.s32 v3, v13;
	v30 =	vld [tilespmem:s21+$0xFFFFFFD0];
	[tilespmem:v15+s28+$0x0] =	vst.idx.msk $0xffff, v14;
	v14 =	vadd.f32 v21, v5  }
0x166: {  	v22 =	vadd.s32 v1, v8;
	v17 =	vld [tilespmem:s21+$0x10];
	v13 =	vadd.f32 v16, v5;
	[tilespmem:v24+s28+$0x0] =	vst.idx.msk $0xffff, v18  }
0x167: {  	s7 =	simm.s32 $0x8;
	v21 =	vadd.s32 v1, v10;
	[tilespmem:v29+s28+$0x0] =	vst.idx.msk $0xffff, v14;
	v18 =	vadd.f32 v28, v6;
	v16 =	vld [tilespmem:s9+$0xFFFFFFF0]  }
0x168: {  	v24 =	vmov s7;
	v14 =	vadd.s32 v1, v11;
	v15 =	vld [tilespmem:s9+$0x30];
	[tilespmem:v23+s28+$0x0] =	vst.idx.msk $0xffff, v13;
	v63 =	vadd.f32 v26, v4  }
0x169: {  	s11 =	simm.s32 $0xB;
	s6 =	simm.s32 $0x6800;
	v19 =	vadd.s32 v3, v19;
	v13 =	vand.u32 $0x7C, v24;
	v24 =	vadd.f32 v27, v6;
	[tilespmem:v25+s28+$0x0] =	vst.idx.msk $0xffff, v18;
	v18 =	vld [tilespmem:s9+$0xFFFFFFB0]  }
0x16a: {  	v20 =	vadd.s32 v3, v20;
	v26 =	vmov s11;
	v23 =	vld [tilespmem:s6+$0x40];
	s9 =	simm.s32 $0xC;
	v25 =	vadd.f32 v30, v6;
	[tilespmem:v31+s28+$0x0] =	vst.idx.msk $0xffff, v63  }
.LBB2_11:
0x16b: {  	p2 =	slt.u32 s9, $0x7C;
	s1 =	sadd.s32 $0x1, s7;
	v26 =	vand.u32 $0x7F, v26;
	[tilespmem:v22+s28+$0x0] =	vst.idx.msk $0xffff, v24;
	v17 =	vadd.f32 v17, v6;
	v22 =	vld [tilespmem:s21+$0x60];
	v24 =	vadd.s32 v3, v12  }
0x16c: {  	v30 =	vmovc v11;
	v27 =	vld [tilespmem:s6+$0xFFFFFF80];
	v28 =	vmov s1;
	s1 =	sadd.s32 $0x2, s7;
	v29 =	vadd.s32 v0, v26;
	[tilespmem:v21+s28+$0x0] =	vst.idx.msk $0xffff, v25;
	v16 =	vadd.f32 v16, v4;
	s7 =	smov.u32 s9  }
0x16d: {  	v12 =	vmovc v8;
	v21 =	vld [tilespmem:s6+$0xFFFFFFC0];
	v11 =	vmov s1;
	[tilespmem:v14+s28+$0x0] =	vst.idx.msk $0xffff, v17;
	v14 =	vadd.s32 v2, v7;
	v15 =	vadd.f32 v15, v4  }
0x16e: {  	v17 =	vadd.s32 v0, v13;
	v28 =	vand.u32 $0x7D, v28;
	v25 =	vld [tilespmem:s6+$0x0];
	v31 =	vadd.f32 v18, v4;
	[tilespmem:v19+s28+$0x0] =	vst.idx.msk $0xffff, v16  }
0x16f: {  	v16 =	vadd.s32 v0, v28;
	v11 =	vand.u32 $0x7E, v11;
	v18 =	vadd.f32 v23, v9;
	v19 =	vld [tilespmem:s21+$0xFFFFFFE0];
	[tilespmem:v20+s28+$0x0] =	vst.idx.msk $0xffff, v15  }
0x170: {  	v8 =	vmov v13;
	v15 =	vadd.s32 v0, v11;
	v20 =	vld [tilespmem:s21+$0x20];
	v22 =	vadd.f32 v22, v5;
	[tilespmem:v24+s28+$0x0] =	vst.idx.msk $0xffff, v31  }
0x171: {  	v23 =	vadd.s32 v2, v10;
	v13 =	vadd.f32 v27, v9;
	[tilespmem:v29+s28+$0x0] =	vst.idx.msk $0xffff, v18;
	v18 =	vld [tilespmem:s21+$0xFFFFFFA0]  }
0x172: {  	v27 =	vadd.s32 v2, v30;
	v21 =	vadd.f32 v21, v9;
	v24 =	vld [tilespmem:s6+$0x50];
	[tilespmem:v14+s28+$0x0] =	vst.idx.msk $0xffff, v22  }
0x173: {  	[tilespmem:v17+s28+$0x0] =	vst.idx.msk $0xffff, v13;
	v13 =	vadd.f32 v25, v9;
	v25 =	vadd.s32 v2, v12;
	v29 =	vld [tilespmem:s21+$0x70]  }
0x174: {  	v32 =	vadd.s32 v1, v26;
	v31 =	vld [tilespmem:s6+$0xFFFFFF90];
	[tilespmem:v16+s28+$0x0] =	vst.idx.msk $0xffff, v21;
	v14 =	vadd.f32 v19, v5  }
0x175: {  	v34 =	vadd.s32 v3, v7;
	v7 =	vmov v26;
	v33 =	vld [tilespmem:s6+$0xFFFFFFD0];
	[tilespmem:v15+s28+$0x0] =	vst.idx.msk $0xffff, v13;
	v13 =	vadd.f32 v20, v5  }
.Ltmp4:
0x176: {  	v22 =	vadd.s32 v1, v8;
	v17 =	vld [tilespmem:s6+$0x10];
	v15 =	vadd.f32 v18, v5;
	[tilespmem:v23+s28+$0x0] =	vst.idx.msk $0xffff, v14;
	(pc) =	sbr.rel @p2 .LBB2_11-.Ltmp4, $4  }
0x177: {  	v21 =	vadd.s32 v1, v28;
	v18 =	vadd.f32 v24, v6;
	v16 =	vld [tilespmem:s21+$0xFFFFFFF0];
	[tilespmem:v27+s28+$0x0] =	vst.idx.msk $0xffff, v13  }
0x178: {  	v14 =	vadd.s32 v1, v11;
	v13 =	vmov s9;
	[tilespmem:v25+s28+$0x0] =	vst.idx.msk $0xffff, v15;
	v15 =	vld [tilespmem:s21+$0x30];
	v27 =	vadd.f32 v29, v4  }
0x179: {  	s1 =	sadd.s32 $0x3, s9;
	v19 =	vadd.s32 v3, v10;
	v13 =	vand.u32 $0x7C, v13;
	v24 =	vadd.f32 v31, v6;
	[tilespmem:v32+s28+$0x0] =	vst.idx.msk $0xffff, v18;
	v18 =	vld [tilespmem:s21+$0xFFFFFFB0];
	s21 =	smov.u32 s6;
	s6 =	sadd.s32 $0x100, s6  }
0x17a: {  	v26 =	vmov s1;
	v10 =	vmovc v28;
	v20 =	vadd.s32 v3, v30;
	s9 =	sadd.s32 $0x4, s9;
	v23 =	vld [tilespmem:s6+$0x40];
	v25 =	vadd.f32 v33, v6;
	[tilespmem:v34+s28+$0x0] =	vst.idx.msk $0xffff, v27  }
0x17b: {  	s1 =	sadd.s32 $0x1, s7  }
0x17c: {  	v26 =	vand.u32 $0x7F, v26;
	s11 =	sadd.s32 $0x2, s7;
	v28 =	vld [tilespmem:s6+$0xFFFFFFC0];
	v27 =	vmov s1  }
0x17d: {  	v31 =	vld [tilespmem:s6+$0x0];
	v29 =	vadd.s32 v0, v26;
	v30 =	vmov s11;
	v27 =	vand.u32 $0x7D, v27  }
0x17e: {  	v32 =	vld [tilespmem:s6+$0xFFFFFF80];
	v30 =	vand.u32 $0x7E, v30;
	v33 =	vadd.s32 v0, v27  }
0x17f: {  	v34 =	vadd.s32 v0, v30  }
0x180: {  	[tilespmem:v22+s28+$0x0] =	vst.idx.msk $0xffff, v24;
	v44 =	vadd.s32 v0, v13;
	v23 =	vadd.f32 v23, v9  }
0x181: {  	[tilespmem:v21+s28+$0x0] =	vst.idx.msk $0xffff, v25;
	v45 =	vadd.f32 v28, v9  }
0x182: {  	v46 =	vadd.f32 v31, v9;
	[tilespmem:v29+s28+$0x0] =	vst.idx.msk $0xffff, v23  }
0x183: {  	v47 =	vadd.f32 v32, v9;
	v48 =	vld [tilespmem:s6+$0x50];
	[tilespmem:v33+s28+$0x0] =	vst.idx.msk $0xffff, v45  }
0x184: {  	v17 =	vadd.f32 v17, v6;
	v12 =	vadd.s32 v3, v12;
	[tilespmem:v34+s28+$0x0] =	vst.idx.msk $0xffff, v46;
	v21 =	vld [tilespmem:s6+$0xFFFFFFD0]  }
0x185: {  	v16 =	vadd.f32 v16, v4;
	v49 =	vadd.s32 v1, v26;
	[tilespmem:v44+s28+$0x0] =	vst.idx.msk $0xffff, v47;
	v50 =	vld [tilespmem:s6+$0x10]  }
0x186: {  	[tilespmem:v14+s28+$0x0] =	vst.idx.msk $0xffff, v17;
	v51 =	vadd.f32 v15, v4;
	v53 =	vadd.s32 v1, v27;
	v52 =	vld [tilespmem:s6+$0xFFFFFF90]  }
0x187: {  	v54 =	vld [tilespmem:s21+$0x60];
	v18 =	vadd.f32 v18, v4;
	[tilespmem:v19+s28+$0x0] =	vst.idx.msk $0xffff, v16;
	v55 =	vadd.s32 v1, v30  }
0x188: {  	v57 =	vadd.s32 v1, v13;
	v60 =	vld [tilespmem:s21+$0x20];
	[tilespmem:v20+s28+$0x0] =	vst.idx.msk $0xffff, v51;
	v58 =	vadd.f32 v48, v6  }
0x189: {  	v59 =	vadd.s32 v2, v7;
	v56 =	vld [tilespmem:s21+$0xFFFFFFE0];
	[tilespmem:v12+s28+$0x0] =	vst.idx.msk $0xffff, v18;
	v61 =	vadd.f32 v21, v6  }
0x18a: {  	v62 =	vld [tilespmem:s21+$0xFFFFFFA0];
	v29 =	vadd.s32 v2, v11;
	[tilespmem:v49+s28+$0x0] =	vst.idx.msk $0xffff, v58;
	v28 =	vadd.f32 v50, v6  }
0x18b: {  	v63 =	vadd.s32 v2, v10;
	v31 =	vadd.f32 v52, v6;
	v32 =	vld [tilespmem:s6+$0x60];
	[tilespmem:v53+s28+$0x0] =	vst.idx.msk $0xffff, v61  }
0x18c: {  	v33 =	vadd.f32 v54, v5;
	v34 =	vadd.s32 v2, v8;
	[tilespmem:v55+s28+$0x0] =	vst.idx.msk $0xffff, v28;
	v35 =	vld [tilespmem:s6+$0xFFFFFFE0]  }
0x18d: {  	v37 =	vadd.s32 v2, v26;
	v39 =	vadd.f32 v60, v5;
	[tilespmem:v57+s28+$0x0] =	vst.idx.msk $0xffff, v31;
	v38 =	vld [tilespmem:s6+$0x20]  }
0x18e: {  	v41 =	vadd.s32 v2, v27;
	v36 =	vadd.f32 v56, v5;
	[tilespmem:v59+s28+$0x0] =	vst.idx.msk $0xffff, v33;
	v40 =	vld [tilespmem:s6+$0xFFFFFFA0]  }
0x18f: {  	v43 =	vadd.s32 v2, v30;
	v18 =	vadd.f32 v62, v5;
	v42 =	vld [tilespmem:s21+$0x70];
	[tilespmem:v29+s28+$0x0] =	vst.idx.msk $0xffff, v39  }
0x190: {  	v45 =	vadd.s32 v2, v13;
	[tilespmem:v63+s28+$0x0] =	vst.idx.msk $0xffff, v36;
	v47 =	vld [tilespmem:s21+$0x30];
	v44 =	vadd.f32 v32, v5  }
0x191: {  	v46 =	vadd.s32 v3, v7;
	[tilespmem:v34+s28+$0x0] =	vst.idx.msk $0xffff, v18;
	v21 =	vld [tilespmem:s21+$0xFFFFFFF0];
	v9 =	vadd.f32 v35, v5  }
0x192: {  	v18 =	vld [tilespmem:s21+$0xFFFFFFB0];
	v50 =	vadd.s32 v3, v11;
	[tilespmem:v37+s28+$0x0] =	vst.idx.msk $0xffff, v44;
	v49 =	vadd.f32 v38, v5  }
0x193: {  	v48 =	vadd.s32 v3, v10;
	v5 =	vadd.f32 v40, v5;
	v12 =	vld [tilespmem:s6+$0x70];
	[tilespmem:v41+s28+$0x0] =	vst.idx.msk $0xffff, v9  }
0x194: {  	v52 =	vadd.s32 v3, v8;
	v51 =	vadd.f32 v42, v4;
	[tilespmem:v43+s28+$0x0] =	vst.idx.msk $0xffff, v49;
	v53 =	vld [tilespmem:s6+$0xFFFFFFF0]  }
0x195: {  	v55 =	vadd.s32 v3, v26;
	v56 =	vadd.f32 v47, v4;
	[tilespmem:v45+s28+$0x0] =	vst.idx.msk $0xffff, v5;
	v5 =	vld [tilespmem:s6+$0x30]  }
0x196: {  	v58 =	vadd.s32 v3, v27;
	[tilespmem:v46+s28+$0x0] =	vst.idx.msk $0xffff, v51;
	v54 =	vadd.f32 v21, v4;
	v57 =	vld [tilespmem:s6+$0xFFFFFFB0]  }
0x197: {  	v60 =	vadd.s32 v3, v30;
	v59 =	vadd.f32 v18, v4;
	[tilespmem:v50+s28+$0x0] =	vst.idx.msk $0xffff, v56  }
0x198: {  	v62 =	vadd.s32 v3, v13;
	[tilespmem:v48+s28+$0x0] =	vst.idx.msk $0xffff, v54;
	v61 =	vadd.f32 v12, v4  }
0x199: {  	[tilespmem:v52+s28+$0x0] =	vst.idx.msk $0xffff, v59;
	v63 =	vadd.f32 v53, v4  }
0x19a: {  	[tilespmem:v55+s28+$0x0] =	vst.idx.msk $0xffff, v61;
	v5 =	vadd.f32 v5, v4  }
0x19b: {  	v4 =	vadd.f32 v57, v4;
	[tilespmem:v58+s28+$0x0] =	vst.idx.msk $0xffff, v63  }
0x19c: {  	[tilespmem:v60+s28+$0x0] =	vst.idx.msk $0xffff, v5  }
0x19d: {  	s7 =	simm.s32 @!p0 $0x6580;
	s1 =	sadd.s32 @!p0 $0x380, s18;
	s6 =	simm.s32 @!p0 $0x80;
	[tilespmem:v62+s28+$0x0] =	vst.idx.msk $0xffff, v4  }
0x19e: {  	[tilespmem:s7], [sflag:$0x3] =	stream.indirect.gather @!p0 [hbm4b:s4+s6], $0x40, s1, s6, $0xb8;
	[tilespmem:$0x16F80] =	vst v63  }
0x19f: {  	s6 =	sadd.s32 s5, s20  }
0x1a0: {  	s1 =	sshll.u32 s6, $0x10  }
0x1a1: {  	s1 =	sor.u32 s8, s1  }
0x1a2: {  	s1 =	sshrl.u32 s1, $0x3  }
0x1a3: {  	s7 =	simm.s32 $0x10980;
	s1 =	sadd.s32 s2, s1  }
0x1a4: {  	[hbm4b:s1+s3] =	stream.linear.scatter [tilespmem:s7], [sflag:$0x8], $0x80, $0x38;
	[tilespmem:$0x16F80] =	vst v63  }
0x1a5: {  	s9 =	simm.s32 $0x10A08;
	s11 =	sadd.s32 $0x10, s1  }
0x1a6: {  	[hbm4b:s11+s3] =	stream.linear.scatter [tilespmem:s9], [sflag:$0x8], $0x80, $0x38;
	[tilespmem:$0x16F80] =	vst v63  }
0x1a7: {  	s20 =	simm.s32 $0x10A90;
	s21 =	sadd.s32 $0x20, s1  }
0x1a8: {  	[hbm4b:s21+s3] =	stream.linear.scatter [tilespmem:s20], [sflag:$0x8], $0x80, $0x38;
	[tilespmem:$0x16F80] =	vst v63  }
0x1a9: {  	s9 =	simm.s32 $0x10B18;
	s11 =	sadd.s32 $0x30, s1  }
0x1aa: {  	[hbm4b:s11+s3] =	stream.linear.scatter [tilespmem:s9], [sflag:$0x8], $0x80, $0x38;
	[tilespmem:$0x16F80] =	vst v63  }
0x1ab: {  	s20 =	simm.s32 $0x10BA0;
	s21 =	sadd.s32 $0x40, s1  }
0x1ac: {  	[hbm4b:s21+s3] =	stream.linear.scatter [tilespmem:s20], [sflag:$0x8], $0x80, $0x38;
	[tilespmem:$0x16F80] =	vst v63  }
0x1ad: {  	s6 =	simm.s32 $0x440;
	s9 =	simm.s32 $0x10C28;
	s11 =	sadd.s32 $0x50, s1  }
0x1ae: {  	[hbm4b:s11+s3] =	stream.linear.scatter [tilespmem:s9], [sflag:$0x8], $0x80, $0x38;
	[tilespmem:$0x16F80] =	vst v63  }
0x1af: {  	s7 =	sadd.s32 $0x400, s1;
	s20 =	simm.s32 $0x10CB0;
	s21 =	sadd.s32 $0x60, s1  }
0x1b0: {  	[hbm4b:s21+s3] =	stream.linear.scatter [tilespmem:s20], [sflag:$0x8], $0x80, $0x38;
	[tilespmem:$0x16F80] =	vst v63  }
0x1b1: {  	s9 =	simm.s32 $0x2200;
	s20 =	simm.s32 $0x10D38;
	s21 =	sadd.s32 $0x70, s1  }
.LBB2_13:
0x1b2: {  	[hbm4b:s21+s3] =	stream.linear.scatter [tilespmem:s20], [sflag:$0x8], $0x80, $0x38;
	[tilespmem:$0x16F80] =	vst v63  }
0x1b3: {  	s1 =	smov.u32 s6;
	s6 =	smov.u32 s9  }
0x1b4: {  	s11 =	sadd.s32 $0x1100, s9;
	s6 =	sshra.s32 s6, $0x2;
	s20 =	sadd.s32 $0x10980, s1  }
0x1b5: {  	[hbm4b:s7+s3] =	stream.linear.scatter [tilespmem:s20], [sflag:$0x8], $0x80, $0x38;
	[tilespmem:$0x16F80] =	vst v63  }
0x1b6: {  	p2 =	sne.s32 s9, $0x7700;
	s9 =	sadd.s32 $0x10A08, s1;
	s20 =	sadd.s32 $0x10, s7  }
0x1b7: {  	[hbm4b:s20+s3] =	stream.linear.scatter [tilespmem:s9], [sflag:$0x8], $0x80, $0x38;
	[tilespmem:$0x16F80] =	vst v63  }
0x1b8: {  	s9 =	sadd.s32 $0x10A90, s1;
	s20 =	sadd.s32 $0x20, s7  }
0x1b9: {  	[hbm4b:s20+s3] =	stream.linear.scatter [tilespmem:s9], [sflag:$0x8], $0x80, $0x38;
	[tilespmem:$0x16F80] =	vst v63  }
0x1ba: {  	s9 =	sadd.s32 $0x10B18, s1;
	s20 =	sadd.s32 $0x30, s7  }
0x1bb: {  	[hbm4b:s20+s3] =	stream.linear.scatter [tilespmem:s9], [sflag:$0x8], $0x80, $0x38;
	[tilespmem:$0x16F80] =	vst v63  }
0x1bc: {  	s9 =	sadd.s32 $0x10BA0, s1;
	s20 =	sadd.s32 $0x40, s7  }
0x1bd: {  	[hbm4b:s20+s3] =	stream.linear.scatter [tilespmem:s9], [sflag:$0x8], $0x80, $0x38;
	[tilespmem:$0x16F80] =	vst v63  }
.Ltmp5:
0x1be: {  	s9 =	sadd.s32 $0x10C28, s1;
	s20 =	sadd.s32 $0x50, s7;
	(pc) =	sbr.rel @p2 .LBB2_13-.Ltmp5, $4  }
0x1bf: {  	[hbm4b:s20+s3] =	stream.linear.scatter [tilespmem:s9], [sflag:$0x8], $0x80, $0x38;
	[tilespmem:$0x16F80] =	vst v63  }
0x1c0: {  	s21 =	sadd.s32 $0x70, s7;
	s9 =	sadd.s32 $0x10CB0, s1;
	s20 =	sadd.s32 $0x60, s7  }
0x1c1: {  	[hbm4b:s20+s3] =	stream.linear.scatter [tilespmem:s9], [sflag:$0x8], $0x80, $0x38;
	[tilespmem:$0x16F80] =	vst v63  }
0x1c2: {  	s7 =	sadd.s32 $0x400, s7;
	s20 =	sadd.s32 $0x10D38, s1;
	s9 =	smov.u32 s11  }
0x1c3: {  	[hbm4b:s21+s3] =	stream.linear.scatter [tilespmem:s20], [sflag:$0x8], $0x80, $0x38;
	[tilespmem:$0x16F80] =	vst v63  }
0x1c4: {  	s1 =	sadd.s32 $0x10980, s6  }
0x1c5: {  	[hbm4b:s7+s3] =	stream.linear.scatter [tilespmem:s1], [sflag:$0x8], $0x80, $0x38;
	[tilespmem:$0x16F80] =	vst v63  }
0x1c6: {  	s11 =	sadd.s32 $0x10A08, s6;
	s9 =	sadd.s32 $0x10, s7  }
0x1c7: {  	[hbm4b:s9+s3] =	stream.linear.scatter [tilespmem:s11], [sflag:$0x8], $0x80, $0x38;
	[tilespmem:$0x16F80] =	vst v63  }
0x1c8: {  	s20 =	sadd.s32 $0x10A90, s6;
	s21 =	sadd.s32 $0x20, s7  }
0x1c9: {  	[hbm4b:s21+s3] =	stream.linear.scatter [tilespmem:s20], [sflag:$0x8], $0x80, $0x38;
	[tilespmem:$0x16F80] =	vst v63  }
0x1ca: {  	s9 =	sadd.s32 $0x10B18, s6;
	s11 =	sadd.s32 $0x30, s7  }
0x1cb: {  	[hbm4b:s11+s3] =	stream.linear.scatter [tilespmem:s9], [sflag:$0x8], $0x80, $0x38;
	[tilespmem:$0x16F80] =	vst v63  }
0x1cc: {  	s20 =	sadd.s32 $0x10BA0, s6;
	s21 =	sadd.s32 $0x40, s7  }
0x1cd: {  	[hbm4b:s21+s3] =	stream.linear.scatter [tilespmem:s20], [sflag:$0x8], $0x80, $0x38;
	[tilespmem:$0x16F80] =	vst v63  }
0x1ce: {  	s9 =	sadd.s32 $0x10C28, s6;
	s11 =	sadd.s32 $0x50, s7  }
0x1cf: {  	[hbm4b:s11+s3] =	stream.linear.scatter [tilespmem:s9], [sflag:$0x8], $0x80, $0x38;
	[tilespmem:$0x16F80] =	vst v63  }
0x1d0: {  	s20 =	sadd.s32 $0x10CB0, s6;
	s21 =	sadd.s32 $0x60, s7  }
0x1d1: {  	[hbm4b:s21+s3] =	stream.linear.scatter [tilespmem:s20], [sflag:$0x8], $0x80, $0x38;
	[tilespmem:$0x16F80] =	vst v63  }
0x1d2: {  	s6 =	sadd.s32 $0x10D38, s6;
	s9 =	sadd.s32 $0x70, s7  }
0x1d3: {  	[hbm4b:s9+s3] =	stream.linear.scatter [tilespmem:s6], [sflag:$0x8], $0x80, $0x38;
	[tilespmem:$0x16F80] =	vst v63  }
0x1d4: {  	_ =	swait.ge [sflag:s29], $0x2000  }
0x1d5: {  	[sflag:s29] =	ssyncset.done $0x0  }
0x1d6: {  	s1 =	simm.s32 @!p1 $0x9;
	[sflag:s29] =	ssyncadd.s32 $0xFFFFE000  }
0x1d7: {  	s20 =	sadd.s32 $0x3, s19;
	_ =	swait.ge @!p1 [sflag:s1], $0x2000  }
0x1d8: {  	s11 =	sshll.u32 s20, $0x6;
	[sflag:s1] =	ssyncset.done @!p1 $0x0  }
0x1d9: {  	[sflag:s1] =	ssyncadd.s32 @!p1 $0xFFFFE000;
	s1 =	sand.u32 $0x3FFFFFC0, s11  }
0x1da: {  	s21 =	simm.s32 $0x3;
	s9 =	simm.s32 $0x8600;
	v9 =	vld [tilespmem:s1+$0x1900]  }
0x1db: {  	v4 =	vmov s21;
	v7 =	vld [tilespmem:s9+$0x40]  }
0x1dc: {  	v13 =	vand.u32 $0x7F, v4  }
0x1dd: {  	s7 =	simm.s32 $0x0;
	v8 =	vadd.s32 v0, v13;
	v6 =	vld [tilespmem:s1+$0x1910]  }
0x1de: {  	s21 =	simm.s32 $0x2;
	v4 =	vmov s7;
	s11 =	simm.s32 $0x1;
	v10 =	vld [tilespmem:s9+$0xFFFFFF80]  }
0x1df: {  	v14 =	vmov s21;
	v12 =	vand.u32 $0x7C, v4;
	v4 =	vmov s11;
	v11 =	vld [tilespmem:s9+$0xFFFFFFC0]  }
0x1e0: {  	v15 =	vadd.s32 v0, v12;
	v16 =	vld [tilespmem:s9+$0x0];
	v19 =	vand.u32 $0x7D, v4;
	v7 =	vadd.f32 v7, v9  }
0x1e1: {  	v20 =	vand.u32 $0x7E, v14;
	v5 =	vld [tilespmem:s1+$0x1920];
	v17 =	vadd.s32 v0, v19  }
0x1e2: {  	v14 =	vadd.s32 v0, v20;
	v4 =	vld [tilespmem:s1+$0x1930];
	[tilespmem:v8+s30+$0x0] =	vst.idx.msk $0xffff, v7  }
0x1e3: {  	v7 =	vadd.f32 v10, v9;
	v8 =	vld [tilespmem:s9+$0x50]  }
0x1e4: {  	v10 =	vadd.f32 v11, v9  }
0x1e5: {  	v11 =	vadd.s32 v1, v13;
	[tilespmem:v15+s30+$0x0] =	vst.idx.msk $0xffff, v7;
	v7 =	vadd.f32 v16, v9  }
0x1e6: {  	[tilespmem:v17+s30+$0x0] =	vst.idx.msk $0xffff, v10;
	v15 =	vld [tilespmem:s9+$0xFFFFFF90]  }
0x1e7: {  	v10 =	vld [tilespmem:s9+$0xFFFFFFD0];
	[tilespmem:v14+s30+$0x0] =	vst.idx.msk $0xffff, v7  }
0x1e8: {  	v14 =	vld [tilespmem:s9+$0x10];
	v7 =	vadd.f32 v8, v6  }
0x1e9: {  	s21 =	simm.s32 $0x8700;
	s11 =	simm.s32 $0x7;
	v16 =	vadd.s32 v1, v19  }
0x1ea: {  	s7 =	simm.s32 $0x4;
	v26 =	vadd.s32 v2, v13;
	v18 =	vld [tilespmem:s21+$0x40];
	v17 =	vadd.s32 v1, v20;
	[tilespmem:v11+s30+$0x0] =	vst.idx.msk $0xffff, v7;
	v7 =	vmov s11  }
0x1eb: {  	v21 =	vadd.s32 v1, v12;
	v8 =	vmov s7;
	v7 =	vand.u32 $0x7F, v7;
	v22 =	vld [tilespmem:s9+$0x60]  }
0x1ec: {  	s6 =	simm.s32 $0x5;
	v23 =	vld [tilespmem:s21+$0xFFFFFF80];
	v8 =	vand.u32 $0x7C, v8;
	v10 =	vadd.f32 v10, v6;
	v24 =	vadd.s32 v0, v7  }
0x1ed: {  	v25 =	vld [tilespmem:s21+$0xFFFFFFC0];
	s7 =	simm.s32 $0x6;
	v15 =	vadd.f32 v15, v6;
	v11 =	vadd.f32 v14, v6;
	v14 =	vmov s6  }
0x1ee: {  	v27 =	vadd.s32 v0, v8;
	[tilespmem:v16+s30+$0x0] =	vst.idx.msk $0xffff, v10;
	v16 =	vmov s7;
	v10 =	vand.u32 $0x7D, v14;
	v14 =	vld [tilespmem:s21+$0x0]  }
0x1ef: {  	[tilespmem:v17+s30+$0x0] =	vst.idx.msk $0xffff, v11;
	v17 =	vadd.s32 v0, v10;
	v11 =	vand.u32 $0x7E, v16;
	v16 =	vadd.f32 v18, v9;
	v18 =	vld [tilespmem:s9+$0xFFFFFFE0]  }
0x1f0: {  	[tilespmem:v21+s30+$0x0] =	vst.idx.msk $0xffff, v15;
	v15 =	vadd.s32 v0, v11;
	v21 =	vld [tilespmem:s9+$0x20];
	v22 =	vadd.f32 v22, v5  }
0x1f1: {  	v23 =	vadd.f32 v23, v9;
	[tilespmem:v24+s30+$0x0] =	vst.idx.msk $0xffff, v16;
	v16 =	vld [tilespmem:s9+$0xFFFFFFA0];
	v24 =	vadd.s32 v2, v19  }
0x1f2: {  	v29 =	vadd.s32 v2, v20;
	v25 =	vadd.f32 v25, v9;
	v28 =	vld [tilespmem:s21+$0x50];
	[tilespmem:v26+s30+$0x0] =	vst.idx.msk $0xffff, v22  }
0x1f3: {  	[tilespmem:v27+s30+$0x0] =	vst.idx.msk $0xffff, v23;
	v23 =	vadd.s32 v2, v12;
	v14 =	vadd.f32 v14, v9;
	v26 =	vld [tilespmem:s9+$0x70]  }
0x1f4: {  	v27 =	vld [tilespmem:s21+$0xFFFFFF90];
	[tilespmem:v17+s30+$0x0] =	vst.idx.msk $0xffff, v25;
	v25 =	vadd.s32 v1, v7;
	v18 =	vadd.f32 v18, v5  }
0x1f5: {  	v31 =	vadd.s32 v3, v13;
	v30 =	vld [tilespmem:s21+$0xFFFFFFD0];
	[tilespmem:v15+s30+$0x0] =	vst.idx.msk $0xffff, v14;
	v14 =	vadd.f32 v21, v5  }
0x1f6: {  	v22 =	vadd.s32 v1, v8;
	v17 =	vld [tilespmem:s21+$0x10];
	v13 =	vadd.f32 v16, v5;
	[tilespmem:v24+s30+$0x0] =	vst.idx.msk $0xffff, v18  }
0x1f7: {  	s7 =	simm.s32 $0x8;
	v21 =	vadd.s32 v1, v10;
	[tilespmem:v29+s30+$0x0] =	vst.idx.msk $0xffff, v14;
	v18 =	vadd.f32 v28, v6;
	v16 =	vld [tilespmem:s9+$0xFFFFFFF0]  }
0x1f8: {  	v24 =	vmov s7;
	v14 =	vadd.s32 v1, v11;
	v15 =	vld [tilespmem:s9+$0x30];
	[tilespmem:v23+s30+$0x0] =	vst.idx.msk $0xffff, v13;
	v63 =	vadd.f32 v26, v4  }
0x1f9: {  	s11 =	simm.s32 $0xB;
	s6 =	simm.s32 $0x8800;
	v19 =	vadd.s32 v3, v19;
	v13 =	vand.u32 $0x7C, v24;
	v24 =	vadd.f32 v27, v6;
	[tilespmem:v25+s30+$0x0] =	vst.idx.msk $0xffff, v18;
	v18 =	vld [tilespmem:s9+$0xFFFFFFB0]  }
0x1fa: {  	v20 =	vadd.s32 v3, v20;
	v26 =	vmov s11;
	v23 =	vld [tilespmem:s6+$0x40];
	s9 =	simm.s32 $0xC;
	v25 =	vadd.f32 v30, v6;
	[tilespmem:v31+s30+$0x0] =	vst.idx.msk $0xffff, v63  }
.LBB2_15:
0x1fb: {  	p2 =	slt.u32 s9, $0x7C;
	s1 =	sadd.s32 $0x1, s7;
	v26 =	vand.u32 $0x7F, v26;
	[tilespmem:v22+s30+$0x0] =	vst.idx.msk $0xffff, v24;
	v17 =	vadd.f32 v17, v6;
	v22 =	vld [tilespmem:s21+$0x60];
	v24 =	vadd.s32 v3, v12  }
0x1fc: {  	v30 =	vmovc v11;
	v27 =	vld [tilespmem:s6+$0xFFFFFF80];
	v28 =	vmov s1;
	s1 =	sadd.s32 $0x2, s7;
	v29 =	vadd.s32 v0, v26;
	[tilespmem:v21+s30+$0x0] =	vst.idx.msk $0xffff, v25;
	v16 =	vadd.f32 v16, v4;
	s7 =	smov.u32 s9  }
0x1fd: {  	v12 =	vmovc v8;
	v21 =	vld [tilespmem:s6+$0xFFFFFFC0];
	v11 =	vmov s1;
	[tilespmem:v14+s30+$0x0] =	vst.idx.msk $0xffff, v17;
	v14 =	vadd.s32 v2, v7;
	v15 =	vadd.f32 v15, v4  }
0x1fe: {  	v17 =	vadd.s32 v0, v13;
	v28 =	vand.u32 $0x7D, v28;
	v25 =	vld [tilespmem:s6+$0x0];
	v31 =	vadd.f32 v18, v4;
	[tilespmem:v19+s30+$0x0] =	vst.idx.msk $0xffff, v16  }
0x1ff: {  	v16 =	vadd.s32 v0, v28;
	v11 =	vand.u32 $0x7E, v11;
	v18 =	vadd.f32 v23, v9;
	v19 =	vld [tilespmem:s21+$0xFFFFFFE0];
	[tilespmem:v20+s30+$0x0] =	vst.idx.msk $0xffff, v15  }
0x200: {  	v8 =	vmov v13;
	v15 =	vadd.s32 v0, v11;
	v20 =	vld [tilespmem:s21+$0x20];
	v22 =	vadd.f32 v22, v5;
	[tilespmem:v24+s30+$0x0] =	vst.idx.msk $0xffff, v31  }
0x201: {  	v23 =	vadd.s32 v2, v10;
	v13 =	vadd.f32 v27, v9;
	[tilespmem:v29+s30+$0x0] =	vst.idx.msk $0xffff, v18;
	v18 =	vld [tilespmem:s21+$0xFFFFFFA0]  }
0x202: {  	v27 =	vadd.s32 v2, v30;
	v21 =	vadd.f32 v21, v9;
	v24 =	vld [tilespmem:s6+$0x50];
	[tilespmem:v14+s30+$0x0] =	vst.idx.msk $0xffff, v22  }
0x203: {  	[tilespmem:v17+s30+$0x0] =	vst.idx.msk $0xffff, v13;
	v13 =	vadd.f32 v25, v9;
	v25 =	vadd.s32 v2, v12;
	v29 =	vld [tilespmem:s21+$0x70]  }
0x204: {  	v32 =	vadd.s32 v1, v26;
	v31 =	vld [tilespmem:s6+$0xFFFFFF90];
	[tilespmem:v16+s30+$0x0] =	vst.idx.msk $0xffff, v21;
	v14 =	vadd.f32 v19, v5  }
0x205: {  	v34 =	vadd.s32 v3, v7;
	v7 =	vmov v26;
	v33 =	vld [tilespmem:s6+$0xFFFFFFD0];
	[tilespmem:v15+s30+$0x0] =	vst.idx.msk $0xffff, v13;
	v13 =	vadd.f32 v20, v5  }
.Ltmp6:
0x206: {  	v22 =	vadd.s32 v1, v8;
	v17 =	vld [tilespmem:s6+$0x10];
	v15 =	vadd.f32 v18, v5;
	[tilespmem:v23+s30+$0x0] =	vst.idx.msk $0xffff, v14;
	(pc) =	sbr.rel @p2 .LBB2_15-.Ltmp6, $4  }
0x207: {  	v21 =	vadd.s32 v1, v28;
	v18 =	vadd.f32 v24, v6;
	v16 =	vld [tilespmem:s21+$0xFFFFFFF0];
	[tilespmem:v27+s30+$0x0] =	vst.idx.msk $0xffff, v13  }
0x208: {  	v14 =	vadd.s32 v1, v11;
	v13 =	vmov s9;
	[tilespmem:v25+s30+$0x0] =	vst.idx.msk $0xffff, v15;
	v15 =	vld [tilespmem:s21+$0x30];
	v27 =	vadd.f32 v29, v4  }
0x209: {  	s1 =	sadd.s32 $0x3, s9;
	v19 =	vadd.s32 v3, v10;
	v13 =	vand.u32 $0x7C, v13;
	v24 =	vadd.f32 v31, v6;
	[tilespmem:v32+s30+$0x0] =	vst.idx.msk $0xffff, v18;
	v18 =	vld [tilespmem:s21+$0xFFFFFFB0];
	s21 =	smov.u32 s6;
	s6 =	sadd.s32 $0x100, s6  }
0x20a: {  	v26 =	vmov s1;
	v10 =	vmovc v28;
	v20 =	vadd.s32 v3, v30;
	s9 =	sadd.s32 $0x4, s9;
	v23 =	vld [tilespmem:s6+$0x40];
	v25 =	vadd.f32 v33, v6;
	[tilespmem:v34+s30+$0x0] =	vst.idx.msk $0xffff, v27  }
0x20b: {  	s1 =	sadd.s32 $0x1, s7  }
0x20c: {  	v26 =	vand.u32 $0x7F, v26;
	s11 =	sadd.s32 $0x2, s7;
	v28 =	vld [tilespmem:s6+$0xFFFFFFC0];
	v27 =	vmov s1  }
0x20d: {  	v31 =	vld [tilespmem:s6+$0x0];
	v29 =	vadd.s32 v0, v26;
	v30 =	vmov s11;
	v27 =	vand.u32 $0x7D, v27  }
0x20e: {  	v32 =	vld [tilespmem:s6+$0xFFFFFF80];
	v30 =	vand.u32 $0x7E, v30;
	v33 =	vadd.s32 v0, v27  }
0x20f: {  	v34 =	vadd.s32 v0, v30  }
0x210: {  	[tilespmem:v22+s30+$0x0] =	vst.idx.msk $0xffff, v24;
	v44 =	vadd.s32 v0, v13;
	v23 =	vadd.f32 v23, v9  }
0x211: {  	[tilespmem:v21+s30+$0x0] =	vst.idx.msk $0xffff, v25;
	v45 =	vadd.f32 v28, v9  }
0x212: {  	v46 =	vadd.f32 v31, v9;
	[tilespmem:v29+s30+$0x0] =	vst.idx.msk $0xffff, v23  }
0x213: {  	v47 =	vadd.f32 v32, v9;
	v48 =	vld [tilespmem:s6+$0x50];
	[tilespmem:v33+s30+$0x0] =	vst.idx.msk $0xffff, v45  }
0x214: {  	v17 =	vadd.f32 v17, v6;
	v12 =	vadd.s32 v3, v12;
	[tilespmem:v34+s30+$0x0] =	vst.idx.msk $0xffff, v46;
	v21 =	vld [tilespmem:s6+$0xFFFFFFD0]  }
0x215: {  	v16 =	vadd.f32 v16, v4;
	v49 =	vadd.s32 v1, v26;
	[tilespmem:v44+s30+$0x0] =	vst.idx.msk $0xffff, v47;
	v50 =	vld [tilespmem:s6+$0x10]  }
0x216: {  	[tilespmem:v14+s30+$0x0] =	vst.idx.msk $0xffff, v17;
	v51 =	vadd.f32 v15, v4;
	v53 =	vadd.s32 v1, v27;
	v52 =	vld [tilespmem:s6+$0xFFFFFF90]  }
0x217: {  	v54 =	vld [tilespmem:s21+$0x60];
	v18 =	vadd.f32 v18, v4;
	[tilespmem:v19+s30+$0x0] =	vst.idx.msk $0xffff, v16;
	v55 =	vadd.s32 v1, v30  }
0x218: {  	v57 =	vadd.s32 v1, v13;
	v60 =	vld [tilespmem:s21+$0x20];
	[tilespmem:v20+s30+$0x0] =	vst.idx.msk $0xffff, v51;
	v58 =	vadd.f32 v48, v6  }
0x219: {  	v59 =	vadd.s32 v2, v7;
	v56 =	vld [tilespmem:s21+$0xFFFFFFE0];
	[tilespmem:v12+s30+$0x0] =	vst.idx.msk $0xffff, v18;
	v61 =	vadd.f32 v21, v6  }
0x21a: {  	v62 =	vld [tilespmem:s21+$0xFFFFFFA0];
	v29 =	vadd.s32 v2, v11;
	[tilespmem:v49+s30+$0x0] =	vst.idx.msk $0xffff, v58;
	v28 =	vadd.f32 v50, v6  }
0x21b: {  	v63 =	vadd.s32 v2, v10;
	v31 =	vadd.f32 v52, v6;
	v32 =	vld [tilespmem:s6+$0x60];
	[tilespmem:v53+s30+$0x0] =	vst.idx.msk $0xffff, v61  }
0x21c: {  	v33 =	vadd.f32 v54, v5;
	v34 =	vadd.s32 v2, v8;
	[tilespmem:v55+s30+$0x0] =	vst.idx.msk $0xffff, v28;
	v35 =	vld [tilespmem:s6+$0xFFFFFFE0]  }
0x21d: {  	v37 =	vadd.s32 v2, v26;
	v39 =	vadd.f32 v60, v5;
	[tilespmem:v57+s30+$0x0] =	vst.idx.msk $0xffff, v31;
	v38 =	vld [tilespmem:s6+$0x20]  }
0x21e: {  	v41 =	vadd.s32 v2, v27;
	v36 =	vadd.f32 v56, v5;
	[tilespmem:v59+s30+$0x0] =	vst.idx.msk $0xffff, v33;
	v40 =	vld [tilespmem:s6+$0xFFFFFFA0]  }
0x21f: {  	v43 =	vadd.s32 v2, v30;
	v18 =	vadd.f32 v62, v5;
	v42 =	vld [tilespmem:s21+$0x70];
	[tilespmem:v29+s30+$0x0] =	vst.idx.msk $0xffff, v39  }
0x220: {  	v45 =	vadd.s32 v2, v13;
	[tilespmem:v63+s30+$0x0] =	vst.idx.msk $0xffff, v36;
	v47 =	vld [tilespmem:s21+$0x30];
	v44 =	vadd.f32 v32, v5  }
0x221: {  	v46 =	vadd.s32 v3, v7;
	[tilespmem:v34+s30+$0x0] =	vst.idx.msk $0xffff, v18;
	v21 =	vld [tilespmem:s21+$0xFFFFFFF0];
	v9 =	vadd.f32 v35, v5  }
0x222: {  	v18 =	vld [tilespmem:s21+$0xFFFFFFB0];
	v50 =	vadd.s32 v3, v11;
	[tilespmem:v37+s30+$0x0] =	vst.idx.msk $0xffff, v44;
	v49 =	vadd.f32 v38, v5  }
0x223: {  	v48 =	vadd.s32 v3, v10;
	v5 =	vadd.f32 v40, v5;
	v12 =	vld [tilespmem:s6+$0x70];
	[tilespmem:v41+s30+$0x0] =	vst.idx.msk $0xffff, v9  }
0x224: {  	v52 =	vadd.s32 v3, v8;
	v51 =	vadd.f32 v42, v4;
	[tilespmem:v43+s30+$0x0] =	vst.idx.msk $0xffff, v49;
	v53 =	vld [tilespmem:s6+$0xFFFFFFF0]  }
0x225: {  	v55 =	vadd.s32 v3, v26;
	v56 =	vadd.f32 v47, v4;
	[tilespmem:v45+s30+$0x0] =	vst.idx.msk $0xffff, v5;
	v5 =	vld [tilespmem:s6+$0x30]  }
0x226: {  	v58 =	vadd.s32 v3, v27;
	[tilespmem:v46+s30+$0x0] =	vst.idx.msk $0xffff, v51;
	v54 =	vadd.f32 v21, v4;
	v57 =	vld [tilespmem:s6+$0xFFFFFFB0]  }
0x227: {  	v60 =	vadd.s32 v3, v30;
	v59 =	vadd.f32 v18, v4;
	[tilespmem:v50+s30+$0x0] =	vst.idx.msk $0xffff, v56  }
0x228: {  	v62 =	vadd.s32 v3, v13;
	[tilespmem:v48+s30+$0x0] =	vst.idx.msk $0xffff, v54;
	v61 =	vadd.f32 v12, v4  }
0x229: {  	[tilespmem:v52+s30+$0x0] =	vst.idx.msk $0xffff, v59;
	v63 =	vadd.f32 v53, v4  }
0x22a: {  	[tilespmem:v55+s30+$0x0] =	vst.idx.msk $0xffff, v61;
	v5 =	vadd.f32 v5, v4  }
0x22b: {  	v4 =	vadd.f32 v57, v4;
	[tilespmem:v58+s30+$0x0] =	vst.idx.msk $0xffff, v63  }
0x22c: {  	[tilespmem:v60+s30+$0x0] =	vst.idx.msk $0xffff, v5  }
0x22d: {  	s7 =	simm.s32 @!p0 $0x8580;
	s1 =	sadd.s32 @!p0 $0x400, s18;
	s6 =	simm.s32 @!p0 $0x80;
	[tilespmem:v62+s30+$0x0] =	vst.idx.msk $0xffff, v4  }
0x22e: {  	[tilespmem:s7], [sflag:$0x4] =	stream.indirect.gather @!p0 [hbm4b:s4+s6], $0x40, s1, s6, $0xb8;
	[tilespmem:$0x16F80] =	vst v63  }
0x22f: {  	s6 =	sadd.s32 s5, s20  }
0x230: {  	s1 =	sshll.u32 s6, $0x10  }
0x231: {  	s1 =	sor.u32 s8, s1  }
0x232: {  	s1 =	sshrl.u32 s1, $0x3  }
0x233: {  	s7 =	simm.s32 $0x12B80;
	s1 =	sadd.s32 s2, s1  }
0x234: {  	[hbm4b:s1+s3] =	stream.linear.scatter [tilespmem:s7], [sflag:$0x9], $0x80, $0x38;
	[tilespmem:$0x16F80] =	vst v63  }
0x235: {  	s9 =	simm.s32 $0x12C08;
	s11 =	sadd.s32 $0x10, s1  }
0x236: {  	[hbm4b:s11+s3] =	stream.linear.scatter [tilespmem:s9], [sflag:$0x9], $0x80, $0x38;
	[tilespmem:$0x16F80] =	vst v63  }
0x237: {  	s20 =	simm.s32 $0x12C90;
	s21 =	sadd.s32 $0x20, s1  }
0x238: {  	[hbm4b:s21+s3] =	stream.linear.scatter [tilespmem:s20], [sflag:$0x9], $0x80, $0x38;
	[tilespmem:$0x16F80] =	vst v63  }
0x239: {  	s9 =	simm.s32 $0x12D18;
	s11 =	sadd.s32 $0x30, s1  }
0x23a: {  	[hbm4b:s11+s3] =	stream.linear.scatter [tilespmem:s9], [sflag:$0x9], $0x80, $0x38;
	[tilespmem:$0x16F80] =	vst v63  }
0x23b: {  	s20 =	simm.s32 $0x12DA0;
	s21 =	sadd.s32 $0x40, s1  }
0x23c: {  	[hbm4b:s21+s3] =	stream.linear.scatter [tilespmem:s20], [sflag:$0x9], $0x80, $0x38;
	[tilespmem:$0x16F80] =	vst v63  }
0x23d: {  	s6 =	simm.s32 $0x440;
	s9 =	simm.s32 $0x12E28;
	s11 =	sadd.s32 $0x50, s1  }
0x23e: {  	[hbm4b:s11+s3] =	stream.linear.scatter [tilespmem:s9], [sflag:$0x9], $0x80, $0x38;
	[tilespmem:$0x16F80] =	vst v63  }
0x23f: {  	s7 =	sadd.s32 $0x400, s1;
	s20 =	simm.s32 $0x12EB0;
	s21 =	sadd.s32 $0x60, s1  }
0x240: {  	[hbm4b:s21+s3] =	stream.linear.scatter [tilespmem:s20], [sflag:$0x9], $0x80, $0x38;
	[tilespmem:$0x16F80] =	vst v63  }
0x241: {  	s9 =	simm.s32 $0x2200;
	s20 =	simm.s32 $0x12F38;
	s21 =	sadd.s32 $0x70, s1  }
.LBB2_17:
0x242: {  	[hbm4b:s21+s3] =	stream.linear.scatter [tilespmem:s20], [sflag:$0x9], $0x80, $0x38;
	[tilespmem:$0x16F80] =	vst v63  }
0x243: {  	s1 =	smov.u32 s6;
	s6 =	smov.u32 s9  }
0x244: {  	s11 =	sadd.s32 $0x1100, s9;
	s6 =	sshra.s32 s6, $0x2;
	s20 =	sadd.s32 $0x12B80, s1  }
0x245: {  	[hbm4b:s7+s3] =	stream.linear.scatter [tilespmem:s20], [sflag:$0x9], $0x80, $0x38;
	[tilespmem:$0x16F80] =	vst v63  }
0x246: {  	p2 =	sne.s32 s9, $0x7700;
	s9 =	sadd.s32 $0x12C08, s1;
	s20 =	sadd.s32 $0x10, s7  }
0x247: {  	[hbm4b:s20+s3] =	stream.linear.scatter [tilespmem:s9], [sflag:$0x9], $0x80, $0x38;
	[tilespmem:$0x16F80] =	vst v63  }
0x248: {  	s9 =	sadd.s32 $0x12C90, s1;
	s20 =	sadd.s32 $0x20, s7  }
0x249: {  	[hbm4b:s20+s3] =	stream.linear.scatter [tilespmem:s9], [sflag:$0x9], $0x80, $0x38;
	[tilespmem:$0x16F80] =	vst v63  }
0x24a: {  	s9 =	sadd.s32 $0x12D18, s1;
	s20 =	sadd.s32 $0x30, s7  }
0x24b: {  	[hbm4b:s20+s3] =	stream.linear.scatter [tilespmem:s9], [sflag:$0x9], $0x80, $0x38;
	[tilespmem:$0x16F80] =	vst v63  }
0x24c: {  	s9 =	sadd.s32 $0x12DA0, s1;
	s20 =	sadd.s32 $0x40, s7  }
0x24d: {  	[hbm4b:s20+s3] =	stream.linear.scatter [tilespmem:s9], [sflag:$0x9], $0x80, $0x38;
	[tilespmem:$0x16F80] =	vst v63  }
.Ltmp7:
0x24e: {  	s9 =	sadd.s32 $0x12E28, s1;
	s20 =	sadd.s32 $0x50, s7;
	(pc) =	sbr.rel @p2 .LBB2_17-.Ltmp7, $4  }
0x24f: {  	[hbm4b:s20+s3] =	stream.linear.scatter [tilespmem:s9], [sflag:$0x9], $0x80, $0x38;
	[tilespmem:$0x16F80] =	vst v63  }
0x250: {  	s21 =	sadd.s32 $0x70, s7;
	s9 =	sadd.s32 $0x12EB0, s1;
	s20 =	sadd.s32 $0x60, s7  }
0x251: {  	[hbm4b:s20+s3] =	stream.linear.scatter [tilespmem:s9], [sflag:$0x9], $0x80, $0x38;
	[tilespmem:$0x16F80] =	vst v63  }
0x252: {  	s7 =	sadd.s32 $0x400, s7;
	s20 =	sadd.s32 $0x12F38, s1;
	s9 =	smov.u32 s11  }
0x253: {  	[hbm4b:s21+s3] =	stream.linear.scatter [tilespmem:s20], [sflag:$0x9], $0x80, $0x38;
	[tilespmem:$0x16F80] =	vst v63  }
0x254: {  	s1 =	sadd.s32 $0x12B80, s6  }
0x255: {  	[hbm4b:s7+s3] =	stream.linear.scatter [tilespmem:s1], [sflag:$0x9], $0x80, $0x38;
	[tilespmem:$0x16F80] =	vst v63  }
0x256: {  	s11 =	sadd.s32 $0x12C08, s6;
	s9 =	sadd.s32 $0x10, s7  }
0x257: {  	[hbm4b:s9+s3] =	stream.linear.scatter [tilespmem:s11], [sflag:$0x9], $0x80, $0x38;
	[tilespmem:$0x16F80] =	vst v63  }
0x258: {  	s20 =	sadd.s32 $0x12C90, s6;
	s21 =	sadd.s32 $0x20, s7  }
0x259: {  	[hbm4b:s21+s3] =	stream.linear.scatter [tilespmem:s20], [sflag:$0x9], $0x80, $0x38;
	[tilespmem:$0x16F80] =	vst v63  }
0x25a: {  	s9 =	sadd.s32 $0x12D18, s6;
	s11 =	sadd.s32 $0x30, s7  }
0x25b: {  	[hbm4b:s11+s3] =	stream.linear.scatter [tilespmem:s9], [sflag:$0x9], $0x80, $0x38;
	[tilespmem:$0x16F80] =	vst v63  }
0x25c: {  	s20 =	sadd.s32 $0x12DA0, s6;
	s21 =	sadd.s32 $0x40, s7  }
0x25d: {  	[hbm4b:s21+s3] =	stream.linear.scatter [tilespmem:s20], [sflag:$0x9], $0x80, $0x38;
	[tilespmem:$0x16F80] =	vst v63  }
0x25e: {  	s9 =	sadd.s32 $0x12E28, s6;
	s11 =	sadd.s32 $0x50, s7  }
0x25f: {  	[hbm4b:s11+s3] =	stream.linear.scatter [tilespmem:s9], [sflag:$0x9], $0x80, $0x38;
	[tilespmem:$0x16F80] =	vst v63  }
0x260: {  	s20 =	sadd.s32 $0x12EB0, s6;
	s21 =	sadd.s32 $0x60, s7  }
0x261: {  	[hbm4b:s21+s3] =	stream.linear.scatter [tilespmem:s20], [sflag:$0x9], $0x80, $0x38;
	[tilespmem:$0x16F80] =	vst v63  }
0x262: {  	s11 =	sadd.s32 $0x12F38, s6;
	s20 =	sadd.s32 $0x70, s7  }
0x263: {  	[hbm4b:s20+s3] =	stream.linear.scatter [tilespmem:s11], [sflag:$0x9], $0x80, $0x38;
	[tilespmem:$0x16F80] =	vst v63  }
0x264: {  	_ =	swait.ge [sflag:s31], $0x2000  }
0x265: {  	[sflag:s31] =	ssyncset.done $0x0  }
0x266: {  	s1 =	simm.s32 @!p1 $0xA;
	[sflag:s31] =	ssyncadd.s32 $0xFFFFE000  }
0x267: {  	s19 =	sadd.s32 $0x4, s19;
	_ =	swait.ge @!p1 [sflag:s1], $0x2000  }
0x268: {  	s21 =	sshll.u32 s19, $0x6;
	[sflag:s1] =	ssyncset.done @!p1 $0x0  }
0x269: {  	[sflag:s1] =	ssyncadd.s32 @!p1 $0xFFFFE000;
	s1 =	sand.u32 $0x3FFFFFC0, s21  }
0x26a: {  	s9 =	simm.s32 $0xA600;
	s7 =	simm.s32 $0x3;
	v9 =	vld [tilespmem:s1+$0x1900]  }
0x26b: {  	v4 =	vmov s7;
	v7 =	vld [tilespmem:s9+$0x40]  }
0x26c: {  	v13 =	vand.u32 $0x7F, v4;
	s11 =	simm.s32 $0x0  }
0x26d: {  	v8 =	vadd.s32 v0, v13;
	v4 =	vmov s11;
	v6 =	vld [tilespmem:s1+$0x1910]  }
0x26e: {  	s20 =	simm.s32 $0x1;
	v12 =	vand.u32 $0x7C, v4;
	v10 =	vld [tilespmem:s9+$0xFFFFFF80]  }
0x26f: {  	v4 =	vmov s20;
	v15 =	vadd.s32 v0, v12;
	s21 =	simm.s32 $0x2;
	v11 =	vld [tilespmem:s9+$0xFFFFFFC0]  }
0x270: {  	v19 =	vand.u32 $0x7D, v4;
	v14 =	vmov s21;
	v16 =	vld [tilespmem:s9+$0x0];
	v7 =	vadd.f32 v7, v9  }
0x271: {  	v17 =	vadd.s32 v0, v19;
	v5 =	vld [tilespmem:s1+$0x1920];
	v20 =	vand.u32 $0x7E, v14  }
0x272: {  	v4 =	vld [tilespmem:s1+$0x1930];
	v14 =	vadd.s32 v0, v20;
	[tilespmem:v8+s0+$0x0] =	vst.idx.msk $0xffff, v7  }
0x273: {  	v7 =	vadd.f32 v10, v9;
	v8 =	vld [tilespmem:s9+$0x50]  }
0x274: {  	v10 =	vadd.f32 v11, v9  }
0x275: {  	v11 =	vadd.s32 v1, v13;
	[tilespmem:v15+s0+$0x0] =	vst.idx.msk $0xffff, v7;
	v7 =	vadd.f32 v16, v9  }
0x276: {  	[tilespmem:v17+s0+$0x0] =	vst.idx.msk $0xffff, v10;
	v15 =	vld [tilespmem:s9+$0xFFFFFF90]  }
0x277: {  	v10 =	vld [tilespmem:s9+$0xFFFFFFD0];
	[tilespmem:v14+s0+$0x0] =	vst.idx.msk $0xffff, v7  }
0x278: {  	v14 =	vld [tilespmem:s9+$0x10];
	v7 =	vadd.f32 v8, v6  }
0x279: {  	s20 =	simm.s32 $0xA700;
	s21 =	simm.s32 $0x7;
	v16 =	vadd.s32 v1, v19  }
0x27a: {  	s11 =	simm.s32 $0x4;
	v26 =	vadd.s32 v2, v13;
	v18 =	vld [tilespmem:s20+$0x40];
	v17 =	vadd.s32 v1, v20;
	[tilespmem:v11+s0+$0x0] =	vst.idx.msk $0xffff, v7;
	v7 =	vmov s21  }
0x27b: {  	v21 =	vadd.s32 v1, v12;
	v8 =	vmov s11;
	v7 =	vand.u32 $0x7F, v7;
	v22 =	vld [tilespmem:s9+$0x60]  }
0x27c: {  	s7 =	simm.s32 $0x5;
	v23 =	vld [tilespmem:s20+$0xFFFFFF80];
	v8 =	vand.u32 $0x7C, v8;
	v10 =	vadd.f32 v10, v6;
	v24 =	vadd.s32 v0, v7  }
0x27d: {  	v25 =	vld [tilespmem:s20+$0xFFFFFFC0];
	s11 =	simm.s32 $0x6;
	v15 =	vadd.f32 v15, v6;
	v11 =	vadd.f32 v14, v6;
	v14 =	vmov s7  }
0x27e: {  	v27 =	vadd.s32 v0, v8;
	[tilespmem:v16+s0+$0x0] =	vst.idx.msk $0xffff, v10;
	v16 =	vmov s11;
	v10 =	vand.u32 $0x7D, v14;
	v14 =	vld [tilespmem:s20+$0x0]  }
0x27f: {  	[tilespmem:v17+s0+$0x0] =	vst.idx.msk $0xffff, v11;
	v17 =	vadd.s32 v0, v10;
	v11 =	vand.u32 $0x7E, v16;
	v16 =	vadd.f32 v18, v9;
	v18 =	vld [tilespmem:s9+$0xFFFFFFE0]  }
0x280: {  	[tilespmem:v21+s0+$0x0] =	vst.idx.msk $0xffff, v15;
	v15 =	vadd.s32 v0, v11;
	v21 =	vld [tilespmem:s9+$0x20];
	v22 =	vadd.f32 v22, v5  }
0x281: {  	v23 =	vadd.f32 v23, v9;
	[tilespmem:v24+s0+$0x0] =	vst.idx.msk $0xffff, v16;
	v16 =	vld [tilespmem:s9+$0xFFFFFFA0];
	v24 =	vadd.s32 v2, v19  }
0x282: {  	v29 =	vadd.s32 v2, v20;
	v25 =	vadd.f32 v25, v9;
	v28 =	vld [tilespmem:s20+$0x50];
	[tilespmem:v26+s0+$0x0] =	vst.idx.msk $0xffff, v22  }
0x283: {  	[tilespmem:v27+s0+$0x0] =	vst.idx.msk $0xffff, v23;
	v23 =	vadd.s32 v2, v12;
	v14 =	vadd.f32 v14, v9;
	v26 =	vld [tilespmem:s9+$0x70]  }
0x284: {  	v27 =	vld [tilespmem:s20+$0xFFFFFF90];
	[tilespmem:v17+s0+$0x0] =	vst.idx.msk $0xffff, v25;
	v25 =	vadd.s32 v1, v7;
	v18 =	vadd.f32 v18, v5  }
0x285: {  	v31 =	vadd.s32 v3, v13;
	v30 =	vld [tilespmem:s20+$0xFFFFFFD0];
	[tilespmem:v15+s0+$0x0] =	vst.idx.msk $0xffff, v14;
	v14 =	vadd.f32 v21, v5  }
0x286: {  	v22 =	vadd.s32 v1, v8;
	v17 =	vld [tilespmem:s20+$0x10];
	v13 =	vadd.f32 v16, v5;
	[tilespmem:v24+s0+$0x0] =	vst.idx.msk $0xffff, v18  }
0x287: {  	s7 =	simm.s32 $0x8;
	v21 =	vadd.s32 v1, v10;
	[tilespmem:v29+s0+$0x0] =	vst.idx.msk $0xffff, v14;
	v18 =	vadd.f32 v28, v6;
	v16 =	vld [tilespmem:s9+$0xFFFFFFF0]  }
0x288: {  	v24 =	vmov s7;
	v14 =	vadd.s32 v1, v11;
	v15 =	vld [tilespmem:s9+$0x30];
	[tilespmem:v23+s0+$0x0] =	vst.idx.msk $0xffff, v13;
	v63 =	vadd.f32 v26, v4  }
0x289: {  	s6 =	simm.s32 $0xA800;
	s21 =	simm.s32 $0xB;
	v19 =	vadd.s32 v3, v19;
	v13 =	vand.u32 $0x7C, v24;
	v24 =	vadd.f32 v27, v6;
	[tilespmem:v25+s0+$0x0] =	vst.idx.msk $0xffff, v18;
	v18 =	vld [tilespmem:s9+$0xFFFFFFB0]  }
0x28a: {  	v20 =	vadd.s32 v3, v20;
	v26 =	vmov s21;
	v23 =	vld [tilespmem:s6+$0x40];
	s9 =	simm.s32 $0xC;
	v25 =	vadd.f32 v30, v6;
	[tilespmem:v31+s0+$0x0] =	vst.idx.msk $0xffff, v63  }
.LBB2_19:
0x28b: {  	p1 =	slt.u32 s9, $0x7C;
	s1 =	sadd.s32 $0x1, s7;
	v26 =	vand.u32 $0x7F, v26;
	[tilespmem:v22+s0+$0x0] =	vst.idx.msk $0xffff, v24;
	v17 =	vadd.f32 v17, v6;
	v22 =	vld [tilespmem:s20+$0x60];
	v24 =	vadd.s32 v3, v12  }
0x28c: {  	v30 =	vmovc v11;
	v27 =	vld [tilespmem:s6+$0xFFFFFF80];
	v28 =	vmov s1;
	s1 =	sadd.s32 $0x2, s7;
	v29 =	vadd.s32 v0, v26;
	[tilespmem:v21+s0+$0x0] =	vst.idx.msk $0xffff, v25;
	v16 =	vadd.f32 v16, v4;
	s7 =	smov.u32 s9  }
0x28d: {  	v12 =	vmovc v8;
	v21 =	vld [tilespmem:s6+$0xFFFFFFC0];
	v11 =	vmov s1;
	[tilespmem:v14+s0+$0x0] =	vst.idx.msk $0xffff, v17;
	v14 =	vadd.s32 v2, v7;
	v15 =	vadd.f32 v15, v4  }
0x28e: {  	v17 =	vadd.s32 v0, v13;
	v28 =	vand.u32 $0x7D, v28;
	v25 =	vld [tilespmem:s6+$0x0];
	v31 =	vadd.f32 v18, v4;
	[tilespmem:v19+s0+$0x0] =	vst.idx.msk $0xffff, v16  }
0x28f: {  	v16 =	vadd.s32 v0, v28;
	v11 =	vand.u32 $0x7E, v11;
	v18 =	vadd.f32 v23, v9;
	v19 =	vld [tilespmem:s20+$0xFFFFFFE0];
	[tilespmem:v20+s0+$0x0] =	vst.idx.msk $0xffff, v15  }
0x290: {  	v8 =	vmov v13;
	v15 =	vadd.s32 v0, v11;
	v20 =	vld [tilespmem:s20+$0x20];
	v22 =	vadd.f32 v22, v5;
	[tilespmem:v24+s0+$0x0] =	vst.idx.msk $0xffff, v31  }
0x291: {  	v23 =	vadd.s32 v2, v10;
	v13 =	vadd.f32 v27, v9;
	[tilespmem:v29+s0+$0x0] =	vst.idx.msk $0xffff, v18;
	v18 =	vld [tilespmem:s20+$0xFFFFFFA0]  }
0x292: {  	v27 =	vadd.s32 v2, v30;
	v21 =	vadd.f32 v21, v9;
	v24 =	vld [tilespmem:s6+$0x50];
	[tilespmem:v14+s0+$0x0] =	vst.idx.msk $0xffff, v22  }
0x293: {  	[tilespmem:v17+s0+$0x0] =	vst.idx.msk $0xffff, v13;
	v13 =	vadd.f32 v25, v9;
	v25 =	vadd.s32 v2, v12;
	v29 =	vld [tilespmem:s20+$0x70]  }
0x294: {  	v32 =	vadd.s32 v1, v26;
	v31 =	vld [tilespmem:s6+$0xFFFFFF90];
	[tilespmem:v16+s0+$0x0] =	vst.idx.msk $0xffff, v21;
	v14 =	vadd.f32 v19, v5  }
0x295: {  	v34 =	vadd.s32 v3, v7;
	v7 =	vmov v26;
	v33 =	vld [tilespmem:s6+$0xFFFFFFD0];
	[tilespmem:v15+s0+$0x0] =	vst.idx.msk $0xffff, v13;
	v13 =	vadd.f32 v20, v5  }
.Ltmp8:
0x296: {  	v22 =	vadd.s32 v1, v8;
	v17 =	vld [tilespmem:s6+$0x10];
	v15 =	vadd.f32 v18, v5;
	[tilespmem:v23+s0+$0x0] =	vst.idx.msk $0xffff, v14;
	(pc) =	sbr.rel @p1 .LBB2_19-.Ltmp8, $4  }
0x297: {  	v21 =	vadd.s32 v1, v28;
	v18 =	vadd.f32 v24, v6;
	v16 =	vld [tilespmem:s20+$0xFFFFFFF0];
	[tilespmem:v27+s0+$0x0] =	vst.idx.msk $0xffff, v13  }
0x298: {  	v14 =	vadd.s32 v1, v11;
	v13 =	vmov s9;
	[tilespmem:v25+s0+$0x0] =	vst.idx.msk $0xffff, v15;
	v15 =	vld [tilespmem:s20+$0x30];
	v27 =	vadd.f32 v29, v4  }
0x299: {  	s1 =	sadd.s32 $0x3, s9;
	v19 =	vadd.s32 v3, v10;
	v13 =	vand.u32 $0x7C, v13;
	v24 =	vadd.f32 v31, v6;
	[tilespmem:v32+s0+$0x0] =	vst.idx.msk $0xffff, v18;
	v18 =	vld [tilespmem:s20+$0xFFFFFFB0];
	s20 =	smov.u32 s6;
	s6 =	sadd.s32 $0x100, s6  }
0x29a: {  	v26 =	vmov s1;
	v10 =	vmovc v28;
	v20 =	vadd.s32 v3, v30;
	s9 =	sadd.s32 $0x4, s9;
	v23 =	vld [tilespmem:s6+$0x40];
	v25 =	vadd.f32 v33, v6;
	[tilespmem:v34+s0+$0x0] =	vst.idx.msk $0xffff, v27  }
0x29b: {  	s1 =	sadd.s32 $0x1, s7  }
0x29c: {  	v26 =	vand.u32 $0x7F, v26;
	s21 =	sadd.s32 $0x2, s7;
	v28 =	vld [tilespmem:s6+$0xFFFFFFC0];
	v27 =	vmov s1  }
0x29d: {  	v31 =	vld [tilespmem:s6+$0x0];
	v29 =	vadd.s32 v0, v26;
	v30 =	vmov s21;
	v27 =	vand.u32 $0x7D, v27  }
0x29e: {  	v32 =	vld [tilespmem:s6+$0xFFFFFF80];
	v30 =	vand.u32 $0x7E, v30;
	v33 =	vadd.s32 v0, v27  }
0x29f: {  	v34 =	vadd.s32 v0, v30  }
0x2a0: {  	[tilespmem:v22+s0+$0x0] =	vst.idx.msk $0xffff, v24;
	v44 =	vadd.s32 v0, v13;
	v23 =	vadd.f32 v23, v9  }
0x2a1: {  	[tilespmem:v21+s0+$0x0] =	vst.idx.msk $0xffff, v25;
	v45 =	vadd.f32 v28, v9  }
0x2a2: {  	v46 =	vadd.f32 v31, v9;
	[tilespmem:v29+s0+$0x0] =	vst.idx.msk $0xffff, v23  }
0x2a3: {  	v47 =	vadd.f32 v32, v9;
	v48 =	vld [tilespmem:s6+$0x50];
	[tilespmem:v33+s0+$0x0] =	vst.idx.msk $0xffff, v45  }
0x2a4: {  	v17 =	vadd.f32 v17, v6;
	v12 =	vadd.s32 v3, v12;
	[tilespmem:v34+s0+$0x0] =	vst.idx.msk $0xffff, v46;
	v21 =	vld [tilespmem:s6+$0xFFFFFFD0]  }
0x2a5: {  	v16 =	vadd.f32 v16, v4;
	v49 =	vadd.s32 v1, v26;
	[tilespmem:v44+s0+$0x0] =	vst.idx.msk $0xffff, v47;
	v50 =	vld [tilespmem:s6+$0x10]  }
0x2a6: {  	[tilespmem:v14+s0+$0x0] =	vst.idx.msk $0xffff, v17;
	v51 =	vadd.f32 v15, v4;
	v53 =	vadd.s32 v1, v27;
	v52 =	vld [tilespmem:s6+$0xFFFFFF90]  }
0x2a7: {  	v54 =	vld [tilespmem:s20+$0x60];
	v18 =	vadd.f32 v18, v4;
	[tilespmem:v19+s0+$0x0] =	vst.idx.msk $0xffff, v16;
	v55 =	vadd.s32 v1, v30  }
0x2a8: {  	v57 =	vadd.s32 v1, v13;
	v60 =	vld [tilespmem:s20+$0x20];
	[tilespmem:v20+s0+$0x0] =	vst.idx.msk $0xffff, v51;
	v58 =	vadd.f32 v48, v6  }
0x2a9: {  	v59 =	vadd.s32 v2, v7;
	v56 =	vld [tilespmem:s20+$0xFFFFFFE0];
	[tilespmem:v12+s0+$0x0] =	vst.idx.msk $0xffff, v18;
	v61 =	vadd.f32 v21, v6  }
0x2aa: {  	v62 =	vld [tilespmem:s20+$0xFFFFFFA0];
	v29 =	vadd.s32 v2, v11;
	[tilespmem:v49+s0+$0x0] =	vst.idx.msk $0xffff, v58;
	v28 =	vadd.f32 v50, v6  }
0x2ab: {  	v63 =	vadd.s32 v2, v10;
	v31 =	vadd.f32 v52, v6;
	v32 =	vld [tilespmem:s6+$0x60];
	[tilespmem:v53+s0+$0x0] =	vst.idx.msk $0xffff, v61  }
0x2ac: {  	v33 =	vadd.f32 v54, v5;
	v34 =	vadd.s32 v2, v8;
	[tilespmem:v55+s0+$0x0] =	vst.idx.msk $0xffff, v28;
	v35 =	vld [tilespmem:s6+$0xFFFFFFE0]  }
0x2ad: {  	v37 =	vadd.s32 v2, v26;
	v39 =	vadd.f32 v60, v5;
	[tilespmem:v57+s0+$0x0] =	vst.idx.msk $0xffff, v31;
	v38 =	vld [tilespmem:s6+$0x20]  }
0x2ae: {  	v41 =	vadd.s32 v2, v27;
	v36 =	vadd.f32 v56, v5;
	[tilespmem:v59+s0+$0x0] =	vst.idx.msk $0xffff, v33;
	v40 =	vld [tilespmem:s6+$0xFFFFFFA0]  }
0x2af: {  	v43 =	vadd.s32 v2, v30;
	v18 =	vadd.f32 v62, v5;
	v42 =	vld [tilespmem:s20+$0x70];
	[tilespmem:v29+s0+$0x0] =	vst.idx.msk $0xffff, v39  }
0x2b0: {  	v45 =	vadd.s32 v2, v13;
	[tilespmem:v63+s0+$0x0] =	vst.idx.msk $0xffff, v36;
	v47 =	vld [tilespmem:s20+$0x30];
	v44 =	vadd.f32 v32, v5  }
0x2b1: {  	v46 =	vadd.s32 v3, v7;
	[tilespmem:v34+s0+$0x0] =	vst.idx.msk $0xffff, v18;
	v21 =	vld [tilespmem:s20+$0xFFFFFFF0];
	v9 =	vadd.f32 v35, v5  }
0x2b2: {  	v18 =	vld [tilespmem:s20+$0xFFFFFFB0];
	v50 =	vadd.s32 v3, v11;
	[tilespmem:v37+s0+$0x0] =	vst.idx.msk $0xffff, v44;
	v49 =	vadd.f32 v38, v5  }
0x2b3: {  	v48 =	vadd.s32 v3, v10;
	v5 =	vadd.f32 v40, v5;
	v12 =	vld [tilespmem:s6+$0x70];
	[tilespmem:v41+s0+$0x0] =	vst.idx.msk $0xffff, v9  }
0x2b4: {  	v52 =	vadd.s32 v3, v8;
	v51 =	vadd.f32 v42, v4;
	[tilespmem:v43+s0+$0x0] =	vst.idx.msk $0xffff, v49;
	v53 =	vld [tilespmem:s6+$0xFFFFFFF0]  }
0x2b5: {  	v55 =	vadd.s32 v3, v26;
	v56 =	vadd.f32 v47, v4;
	[tilespmem:v45+s0+$0x0] =	vst.idx.msk $0xffff, v5;
	v5 =	vld [tilespmem:s6+$0x30]  }
0x2b6: {  	v58 =	vadd.s32 v3, v27;
	[tilespmem:v46+s0+$0x0] =	vst.idx.msk $0xffff, v51;
	v54 =	vadd.f32 v21, v4;
	v57 =	vld [tilespmem:s6+$0xFFFFFFB0]  }
0x2b7: {  	v60 =	vadd.s32 v3, v30;
	v59 =	vadd.f32 v18, v4;
	[tilespmem:v50+s0+$0x0] =	vst.idx.msk $0xffff, v56  }
0x2b8: {  	v62 =	vadd.s32 v3, v13;
	[tilespmem:v48+s0+$0x0] =	vst.idx.msk $0xffff, v54;
	v61 =	vadd.f32 v12, v4  }
0x2b9: {  	[tilespmem:v52+s0+$0x0] =	vst.idx.msk $0xffff, v59;
	v63 =	vadd.f32 v53, v4  }
0x2ba: {  	[tilespmem:v55+s0+$0x0] =	vst.idx.msk $0xffff, v61;
	v5 =	vadd.f32 v5, v4  }
0x2bb: {  	v4 =	vadd.f32 v57, v4;
	[tilespmem:v58+s0+$0x0] =	vst.idx.msk $0xffff, v63  }
0x2bc: {  	[tilespmem:v60+s0+$0x0] =	vst.idx.msk $0xffff, v5  }
0x2bd: {  	s7 =	simm.s32 @!p0 $0xA580;
	s1 =	sadd.s32 @!p0 $0x480, s18;
	s6 =	simm.s32 @!p0 $0x80;
	[tilespmem:v62+s0+$0x0] =	vst.idx.msk $0xffff, v4  }
0x2be: {  	[tilespmem:s7], [sflag:$0x5] =	stream.indirect.gather @!p0 [hbm4b:s4+s6], $0x40, s1, s6, $0xb8;
	[tilespmem:$0x16F80] =	vst v63  }
0x2bf: {  	s6 =	sadd.s32 s5, s19  }
0x2c0: {  	s1 =	sshll.u32 s6, $0x10  }
0x2c1: {  	s1 =	sor.u32 s8, s1  }
0x2c2: {  	s1 =	sshrl.u32 s1, $0x3  }
0x2c3: {  	s7 =	simm.s32 $0x14D80;
	s1 =	sadd.s32 s2, s1  }
0x2c4: {  	[hbm4b:s1+s3] =	stream.linear.scatter [tilespmem:s7], [sflag:$0xA], $0x80, $0x38;
	[tilespmem:$0x16F80] =	vst v63  }
0x2c5: {  	s9 =	simm.s32 $0x14E08;
	s11 =	sadd.s32 $0x10, s1  }
0x2c6: {  	[hbm4b:s11+s3] =	stream.linear.scatter [tilespmem:s9], [sflag:$0xA], $0x80, $0x38;
	[tilespmem:$0x16F80] =	vst v63  }
0x2c7: {  	s18 =	simm.s32 $0x14E90;
	s20 =	simm.s32 $0x14F18;
	s19 =	sadd.s32 $0x20, s1  }
0x2c8: {  	[hbm4b:s19+s3] =	stream.linear.scatter [tilespmem:s18], [sflag:$0xA], $0x80, $0x38;
	[tilespmem:$0x16F80] =	vst v63  }
0x2c9: {  	s6 =	simm.s32 $0x440;
	s21 =	sadd.s32 $0x30, s1;
	s7 =	sadd.s32 $0x400, s1  }
0x2ca: {  	[hbm4b:s21+s3] =	stream.linear.scatter [tilespmem:s20], [sflag:$0xA], $0x80, $0x38;
	[tilespmem:$0x16F80] =	vst v63  }
0x2cb: {  	s9 =	simm.s32 $0x14FA0;
	s11 =	sadd.s32 $0x40, s1;
	s18 =	simm.s32 $0x15028  }
0x2cc: {  	[hbm4b:s11+s3] =	stream.linear.scatter [tilespmem:s9], [sflag:$0xA], $0x80, $0x38;
	[tilespmem:$0x16F80] =	vst v63  }
0x2cd: {  	s19 =	sadd.s32 $0x50, s1;
	s20 =	simm.s32 $0x150B0;
	s21 =	sadd.s32 $0x60, s1  }
0x2ce: {  	[hbm4b:s19+s3] =	stream.linear.scatter [tilespmem:s18], [sflag:$0xA], $0x80, $0x38;
	[tilespmem:$0x16F80] =	vst v63  }
0x2cf: {  	s9 =	simm.s32 $0x2200;
	s18 =	simm.s32 $0x15138;
	s19 =	sadd.s32 $0x70, s1  }
0x2d0: {  	[hbm4b:s21+s3] =	stream.linear.scatter [tilespmem:s20], [sflag:$0xA], $0x80, $0x38;
	[tilespmem:$0x16F80] =	vst v63  }
.LBB2_21:
0x2d1: {  	[hbm4b:s19+s3] =	stream.linear.scatter [tilespmem:s18], [sflag:$0xA], $0x80, $0x38;
	[tilespmem:$0x16F80] =	vst v63  }
0x2d2: {  	s1 =	smov.u32 s6;
	s6 =	smov.u32 s9  }
0x2d3: {  	s11 =	sadd.s32 $0x1100, s9;
	s6 =	sshra.s32 s6, $0x2;
	s18 =	sadd.s32 $0x14D80, s1  }
0x2d4: {  	[hbm4b:s7+s3] =	stream.linear.scatter [tilespmem:s18], [sflag:$0xA], $0x80, $0x38;
	[tilespmem:$0x16F80] =	vst v63  }
0x2d5: {  	p0 =	sne.s32 s9, $0x7700;
	s9 =	sadd.s32 $0x14E08, s1;
	s18 =	sadd.s32 $0x10, s7  }
0x2d6: {  	[hbm4b:s18+s3] =	stream.linear.scatter [tilespmem:s9], [sflag:$0xA], $0x80, $0x38;
	[tilespmem:$0x16F80] =	vst v63  }
0x2d7: {  	s9 =	sadd.s32 $0x14E90, s1;
	s18 =	sadd.s32 $0x20, s7  }
0x2d8: {  	[hbm4b:s18+s3] =	stream.linear.scatter [tilespmem:s9], [sflag:$0xA], $0x80, $0x38;
	[tilespmem:$0x16F80] =	vst v63  }
0x2d9: {  	s9 =	sadd.s32 $0x14F18, s1;
	s18 =	sadd.s32 $0x30, s7  }
0x2da: {  	[hbm4b:s18+s3] =	stream.linear.scatter [tilespmem:s9], [sflag:$0xA], $0x80, $0x38;
	[tilespmem:$0x16F80] =	vst v63  }
0x2db: {  	s9 =	sadd.s32 $0x14FA0, s1;
	s18 =	sadd.s32 $0x40, s7  }
0x2dc: {  	[hbm4b:s18+s3] =	stream.linear.scatter [tilespmem:s9], [sflag:$0xA], $0x80, $0x38;
	[tilespmem:$0x16F80] =	vst v63  }
.Ltmp9:
0x2dd: {  	s9 =	sadd.s32 $0x15028, s1;
	s18 =	sadd.s32 $0x50, s7;
	(pc) =	sbr.rel @p0 .LBB2_21-.Ltmp9, $4  }
0x2de: {  	[hbm4b:s18+s3] =	stream.linear.scatter [tilespmem:s9], [sflag:$0xA], $0x80, $0x38;
	[tilespmem:$0x16F80] =	vst v63  }
0x2df: {  	s19 =	sadd.s32 $0x70, s7;
	s9 =	sadd.s32 $0x150B0, s1;
	s18 =	sadd.s32 $0x60, s7  }
0x2e0: {  	[hbm4b:s18+s3] =	stream.linear.scatter [tilespmem:s9], [sflag:$0xA], $0x80, $0x38;
	[tilespmem:$0x16F80] =	vst v63  }
0x2e1: {  	s7 =	sadd.s32 $0x400, s7;
	s18 =	sadd.s32 $0x15138, s1;
	s9 =	smov.u32 s11  }
0x2e2: {  	[hbm4b:s19+s3] =	stream.linear.scatter [tilespmem:s18], [sflag:$0xA], $0x80, $0x38;
	[tilespmem:$0x16F80] =	vst v63  }
0x2e3: {  	s1 =	sadd.s32 $0x14D80, s6  }
0x2e4: {  	[hbm4b:s7+s3] =	stream.linear.scatter [tilespmem:s1], [sflag:$0xA], $0x80, $0x38;
	[tilespmem:$0x16F80] =	vst v63  }
0x2e5: {  	s21 =	sadd.s32 $0x14E08, s6;
	s9 =	sadd.s32 $0x10, s7  }
0x2e6: {  	[hbm4b:s9+s3] =	stream.linear.scatter [tilespmem:s21], [sflag:$0xA], $0x80, $0x38;
	[tilespmem:$0x16F80] =	vst v63  }
0x2e7: {  	s11 =	sadd.s32 $0x20, s7;
	s9 =	sadd.s32 $0x14E90, s6  }
0x2e8: {  	[hbm4b:s11+s3] =	stream.linear.scatter [tilespmem:s9], [sflag:$0xA], $0x80, $0x38;
	[tilespmem:$0x16F80] =	vst v63  }
0x2e9: {  	s18 =	sadd.s32 $0x14F18, s6;
	s19 =	sadd.s32 $0x30, s7  }
0x2ea: {  	[hbm4b:s19+s3] =	stream.linear.scatter [tilespmem:s18], [sflag:$0xA], $0x80, $0x38;
	[tilespmem:$0x16F80] =	vst v63  }
0x2eb: {  	s20 =	sadd.s32 $0x14FA0, s6;
	s17 =	sadd.s32 $0x1, s17;
	s21 =	sadd.s32 $0x40, s7  }
0x2ec: {  	[hbm4b:s21+s3] =	stream.linear.scatter [tilespmem:s20], [sflag:$0xA], $0x80, $0x38;
	[tilespmem:$0x16F80] =	vst v63  }
0x2ed: {  	p0 =	sne.s32 s17, $0xA;
	s9 =	sadd.s32 $0x15028, s6;
	s11 =	sadd.s32 $0x50, s7  }
0x2ee: {  	[hbm4b:s11+s3] =	stream.linear.scatter [tilespmem:s9], [sflag:$0xA], $0x80, $0x38;
	[tilespmem:$0x16F80] =	vst v63  }
.Ltmp10:
0x2ef: {  	_ = 	snop;
	(pc) =	sbr.rel @p0 .LBB2_2-.Ltmp10, $4  }
0x2f0: {  	s18 =	sadd.s32 $0x150B0, s6;
	s19 =	sadd.s32 $0x60, s7  }
0x2f1: {  	[hbm4b:s19+s3] =	stream.linear.scatter [tilespmem:s18], [sflag:$0xA], $0x80, $0x38;
	[tilespmem:$0x16F80] =	vst v63  }
0x2f2: {  	s20 =	sadd.s32 $0x15138, s6;
	s21 =	sadd.s32 $0x70, s7  }
0x2f3: {  	[hbm4b:s21+s3] =	stream.linear.scatter [tilespmem:s20], [sflag:$0xA], $0x80, $0x38;
	[tilespmem:$0x16F80] =	vst v63  }
0x2f4: {  	s1 =	simm.s32 $0x6  }
0x2f5: {  	_ =	swait.ge [sflag:s1], $0x2000  }
0x2f6: {  	[sflag:s1] =	ssyncset.done $0x0  }
0x2f7: {  	s20 =	simm.s32 $0x7;
	[sflag:s1] =	ssyncadd.s32 $0xFFFFE000  }
0x2f8: {  	_ =	swait.ge [sflag:s20], $0x2000  }
0x2f9: {  	[sflag:s20] =	ssyncset.done $0x0  }
0x2fa: {  	[sflag:s20] =	ssyncadd.s32 $0xFFFFE000  }
0x2fb: {  	_ =	swait.ge [sflag:s13], $0x2000  }
0x2fc: {  	[sflag:s13] =	ssyncset.done $0x0  }
0x2fd: {  	[sflag:s13] =	ssyncadd.s32 $0xFFFFE000  }
0x2fe: {  	_ =	swait.ge [sflag:s14], $0x2000  }
0x2ff: {  	[sflag:s14] =	ssyncset.done $0x0  }
0x300: {  	[sflag:s14] =	ssyncadd.s32 $0xFFFFE000  }
0x301: {  	_ =	swait.ge [sflag:s15], $0x2000  }
0x302: {  	s16 =	sadd.s32 $0x1, s16;
	s21 =	rddreg [dreg:$0x5]  }
0x303: {  	p0 =	sne.s32 s16, s21  }
.Ltmp11:
0x304: {  	_ = 	snop;
	(pc) =	sbr.rel @p0 .LBB2_1-.Ltmp11, $3  }
0x305: {  	_ =	sdelay $0x1  }
0x306: {  	[sflag:s15] =	ssyncset.done $0x0  }
0x307: {  	[sflag:s15] =	ssyncadd.s32 $0xFFFFE000  }
0x308: {  	_ =	sfence.sel $0x180000  }
0x309: {  	[bflag:$0x0] =	sbarrier.arrive $0xFFFF  }
0x30a: {  	_ =	strace $0x90000047  }
0x30b: {  	s0 =	stileid.u32;
	[bflag:$0x2] =	sbarrier.arrive $0xFFFF  }
0x30c: {  	p0 =	sne.s32 s0, $0x0;
	s0 =	rddreg [dreg:$0x2]  }
0x30d: {  	s0 =	sadd.s32 @!p0 $0x100000, s0  }
0x30e: {  	[sflag:s0] =	ssyncadd.tile.s32 @!p0 $0x1;
	_ =	shalt  }
.Lfunc_end2:
_tile_overlayer_lowered:
.L_overlay_start_2:
0x30f: {  	(tag) =	ssettag $0x2  }
0x310: {  	s0 =	rddreg [dreg:$0x0];
	s2 =	stileid.u32  }
0x311: {  	s1 =	rddreg [dreg:$0x1];
	p0 =	sne.s32 s2, $0x0  }
0x312: {  	s3 =	rddreg [dreg:$0x2];
	[bflag:$0x3] =	sbarrier.arrive $0xFFFF;
	s2 =	simm.s32 @!p0 $0x1C0B  }
0x313: {  	[timem:s3], [sflag:s2] =	dma.local @!p0 [hbm:s0], s1  }
0x314: {  	s0 =	simm.s32 @!p0 $0xB  }
0x315: {  	_ =	swait.ge @!p0 [sflag:s0], s1  }
0x316: {  	s1 =	ssub.s32 @!p0 $0x0, s1;
	[sflag:s0] =	ssyncset.done @!p0 $0x0  }
0x317: {  	[sflag:s0] =	ssyncadd.s32 @!p0 s1  }
0x318: {  	[bflag:$0x3] =	sbarrier.arrive $0xFFFF  }
0x319: {  	_ =	shalt  }

</sc_bundles>
